<compile_context>
chip_gen: v7x
topology: tpu7x:2x2x1
jax: 0.10.2.dev20260603
libtpu: 0.0.44.dev20260713+nightly
codegen_flags: <defaults>
</compile_context>

<pallas_src>
import functools

import jax
import jax.numpy as jnp
from jax import lax
from jax.experimental import pallas as pl
from jax.experimental.pallas import tpu as pltpu
from jax.experimental.pallas import tpu_sc as plsc

N = 10000
E = 320000
D = 128
H1 = 32
H2 = 64
OUT = 64

NC = 2
NS = 16
NW = NC * NS
CHUNK = 128
NBUF = 4
NCHUNK = 80
EPAD = NW * NCHUNK * CHUNK
NPAD = 10240
RPT = NPAD // NS

ROWBLK = 1024
GRID = NPAD // ROWBLK


def _seg_mesh():
    return plsc.VectorSubcoreMesh(
        core_axis_name="c", subcore_axis_name="s", num_cores=NC, num_subcores=NS
    )


def _sc_segment_sum(table, sidx, didx, zeros, width, chunk, nchunk):

    @functools.partial(
        pl.kernel,
        out_type=jax.ShapeDtypeStruct((NC, NPAD, width), jnp.float32),
        mesh=_seg_mesh(),
        compiler_params=pltpu.CompilerParams(use_tc_tiling_on_sc=False),
        scratch_types=[
            pltpu.VMEM((nchunk, chunk), jnp.int32),
            pltpu.VMEM((nchunk, chunk), jnp.int32),
            [pltpu.VMEM((chunk, width), jnp.float32) for _ in range(NBUF)],
            pltpu.VMEM_SHARED((NPAD, width), jnp.float32),
            pltpu.VMEM_SHARED((NPAD, width), jnp.float32),
            [pltpu.SemaphoreType.DMA for _ in range(NBUF)],
            [pltpu.SemaphoreType.DMA for _ in range(NBUF)],
        ],
    )
    def k(table_hbm, sidx_hbm, didx_hbm, zeros_hbm, out_hbm,
          sidx_v, didx_v, rows_v, acc, table_s, gsem, ssem):
        cid = lax.axis_index("c")
        sid = lax.axis_index("s")
        g = cid * NS + sid
        pltpu.sync_copy(zeros_hbm, acc.at[pl.ds(sid * RPT, RPT)])
        pltpu.sync_copy(table_hbm.at[pl.ds(sid * RPT, RPT)],
                        table_s.at[pl.ds(sid * RPT, RPT)])
        pltpu.sync_copy(sidx_hbm.at[g], sidx_v)
        pltpu.sync_copy(didx_hbm.at[g], didx_v)
        plsc.subcore_barrier()

        def gather(j, b):
            pltpu.async_copy(table_s.at[sidx_v.at[j]], rows_v[b], gsem[b])

        def gwait(j, b):
            pltpu.make_async_copy(table_s.at[sidx_v.at[j]],
                                  rows_v[b], gsem[b]).wait()

        def scat(j, b):
            pltpu.async_copy(rows_v[b], acc.at[didx_v.at[j]], ssem[b],
                             add=True)

        def swait(j, b):
            pltpu.make_async_copy(rows_v[b], acc.at[didx_v.at[j]],
                                  ssem[b]).wait()

        gather(0, 0)
        for j in range(NBUF - 1):
            gwait(j, j % NBUF)
            gather(j + 1, (j + 1) % NBUF)
            scat(j, j % NBUF)

        def body(it, carry):
            for s in range(NBUF):
                b = (NBUF - 1 + s) % NBUF
                bn = (b + 1) % NBUF
                j = (NBUF - 1) + it * NBUF + s
                gwait(j, b)
                swait(j - (NBUF - 1), bn)
                gather(j + 1, bn)
                scat(j, b)
            return carry

        lax.fori_loop(0, (nchunk - NBUF) // NBUF, body, 0)
        jl = nchunk - 1
        bl = jl % NBUF
        gwait(jl, bl)
        swait(jl - (NBUF - 1), (bl + 1) % NBUF)
        scat(jl, bl)
        for t in range(NBUF - 1):
            jj = jl - (NBUF - 2) + t
            swait(jj, jj % NBUF)
        plsc.subcore_barrier()
        pltpu.sync_copy(acc.at[pl.ds(sid * RPT, RPT)],
                        out_hbm.at[cid, pl.ds(sid * RPT, RPT)])

    return k(table, sidx, didx, zeros)


def _sc_degree(didx, ones_rows, zeros):

    @functools.partial(
        pl.kernel,
        out_type=jax.ShapeDtypeStruct((NC, NPAD, 8), jnp.float32),
        mesh=_seg_mesh(),
        compiler_params=pltpu.CompilerParams(use_tc_tiling_on_sc=False),
        scratch_types=[
            pltpu.VMEM((NCHUNK, CHUNK), jnp.int32),
            pltpu.VMEM((CHUNK, 8), jnp.float32),
            pltpu.VMEM_SHARED((NPAD, 8), jnp.float32),
        ],
    )
    def k(didx_hbm, ones_hbm, zeros_hbm, out_hbm, didx_v, ones_v, acc):
        cid = lax.axis_index("c")
        sid = lax.axis_index("s")
        g = cid * NS + sid
        pltpu.sync_copy(zeros_hbm, acc.at[pl.ds(sid * RPT, RPT)])
        pltpu.sync_copy(didx_hbm.at[g], didx_v)
        pltpu.sync_copy(ones_hbm, ones_v)
        plsc.subcore_barrier()

        def body(j, carry):
            pltpu.sync_copy(ones_v, acc.at[didx_v.at[j]], add=True)
            return carry

        lax.fori_loop(0, NCHUNK, body, 0)
        plsc.subcore_barrier()
        pltpu.sync_copy(acc.at[pl.ds(sid * RPT, RPT)],
                        out_hbm.at[cid, pl.ds(sid * RPT, RPT)])

    return k(didx, ones_rows, zeros)


def _row_spec(w):
    return pl.BlockSpec((ROWBLK, w), lambda i: (i, 0))


def _part_spec(w):
    return pl.BlockSpec((NC, ROWBLK, w), lambda i: (0, i, 0))


def _full_spec(a):
    return pl.BlockSpec(a.shape, lambda i: tuple(0 for _ in a.shape))


def _tc1(degp, Wa0, ba0, Wb0, bb0):
    def body(degp_ref, wa, ba, wb, bb, x1a_ref, dinv_ref):
        d = degp_ref[0, :, 0:1] + degp_ref[1, :, 0:1]
        z = jnp.maximum((d + 1.0) * wa[...] + ba[...], 0.0)
        x1a = jnp.dot(z, wb[...], preferred_element_type=jnp.float32) + bb[...]
        x1a_ref[...] = jnp.maximum(x1a, 0.0)
        dinv_ref[...] = 1.0 / jnp.maximum(d, 1.0)

    return pl.pallas_call(
        body,
        grid=(GRID,),
        in_specs=[_part_spec(8), _full_spec(Wa0), _full_spec(ba0),
                  _full_spec(Wb0), _full_spec(bb0)],
        out_specs=[_row_spec(H1), _row_spec(1)],
        out_shape=[jax.ShapeDtypeStruct((NPAD, H1), jnp.float32),
                   jax.ShapeDtypeStruct((NPAD, 1), jnp.float32)],
    )(degp, Wa0, ba0, Wb0, bb0)


def _tc2(x1a, agg1p, xp, Wa1, ba1, Wb1, bb1, Wn0x, Wn0g, Ws0x, Ws0g):
    def body(x1a_ref, aggp_ref, x_ref, wa, ba, wb, bb, wnx, wng, wsx, wsg,
             y0_ref, s0_ref):
        agg1 = aggp_ref[0] + aggp_ref[1]
        z = x1a_ref[...] + agg1
        z = jnp.maximum(jnp.dot(z, wa[...], preferred_element_type=jnp.float32) + ba[...], 0.0)
        x1b = jnp.dot(z, wb[...], preferred_element_type=jnp.float32) + bb[...]
        xv = x_ref[...]
        y0_ref[...] = (jnp.dot(xv, wnx[...], preferred_element_type=jnp.float32)
                       + jnp.dot(x1b, wng[...], preferred_element_type=jnp.float32))
        s0_ref[...] = (jnp.dot(xv, wsx[...], preferred_element_type=jnp.float32)
                       + jnp.dot(x1b, wsg[...], preferred_element_type=jnp.float32))

    return pl.pallas_call(
        body,
        grid=(GRID,),
        in_specs=[_row_spec(H1), _part_spec(H1), _row_spec(D),
                  _full_spec(Wa1), _full_spec(ba1), _full_spec(Wb1), _full_spec(bb1),
                  _full_spec(Wn0x), _full_spec(Wn0g), _full_spec(Ws0x), _full_spec(Ws0g)],
        out_specs=[_row_spec(H2), _row_spec(H2)],
        out_shape=[jax.ShapeDtypeStruct((NPAD, H2), jnp.float32),
                   jax.ShapeDtypeStruct((NPAD, H2), jnp.float32)],
    )(x1a, agg1p, xp, Wa1, ba1, Wb1, bb1, Wn0x, Wn0g, Ws0x, Ws0g)


def _tc3(s0, aggy0p, dinv, Wn1, Ws1, b0, b1):
    def body(s0_ref, aggp_ref, dinv_ref, wn, ws, b0r, b1r, y1_ref, s1_ref):
        agg = aggp_ref[0] + aggp_ref[1]
        h = jnp.maximum(s0_ref[...] + agg * dinv_ref[...] + b0r[...], 0.0)
        y1_ref[...] = jnp.dot(h, wn[...], preferred_element_type=jnp.float32)
        s1_ref[...] = jnp.dot(h, ws[...], preferred_element_type=jnp.float32) + b1r[...]

    return pl.pallas_call(
        body,
        grid=(GRID,),
        in_specs=[_row_spec(H2), _part_spec(H2), _row_spec(1),
                  _full_spec(Wn1), _full_spec(Ws1), _full_spec(b0), _full_spec(b1)],
        out_specs=[_row_spec(OUT), _row_spec(OUT)],
        out_shape=[jax.ShapeDtypeStruct((NPAD, OUT), jnp.float32),
                   jax.ShapeDtypeStruct((NPAD, OUT), jnp.float32)],
    )(s0, aggy0p, dinv, Wn1, Ws1, b0, b1)


def _tc4(s1, aggy1p, dinv):
    def body(s1_ref, aggp_ref, dinv_ref, out_ref):
        agg = aggp_ref[0] + aggp_ref[1]
        out_ref[...] = s1_ref[...] + agg * dinv_ref[...]

    return pl.pallas_call(
        body,
        grid=(GRID,),
        in_specs=[_row_spec(OUT), _part_spec(OUT), _row_spec(1)],
        out_specs=_row_spec(OUT),
        out_shape=jax.ShapeDtypeStruct((NPAD, OUT), jnp.float32),
    )(s1, aggy1p, dinv)


def kernel(x, edge_index, gin_Wa0, gin_ba0, gin_Wb0, gin_bb0, gin_Wa1,
           gin_ba1, gin_Wb1, gin_bb1, sage_Ws0, sage_Wn0, sage_b0,
           sage_Ws1, sage_Wn1, sage_b1):
    src = edge_index[0]
    dst = edge_index[1]
    pad = EPAD - E
    srcp = jnp.concatenate([src, jnp.zeros((pad,), jnp.int32)])
    dstp = jnp.concatenate([dst, jnp.full((pad,), N, jnp.int32)])
    sidx = srcp.reshape(NW, NCHUNK, CHUNK)
    didx = dstp.reshape(NW, NCHUNK, CHUNK)
    sidx64 = srcp.reshape(NW, NCHUNK * 2, CHUNK // 2)
    didx64 = dstp.reshape(NW, NCHUNK * 2, CHUNK // 2)

    zeros8 = jnp.zeros((RPT, 8), jnp.float32)
    zeros32 = jnp.zeros((RPT, H1), jnp.float32)
    zeros64 = jnp.zeros((RPT, H2), jnp.float32)
    ones_rows = jnp.ones((CHUNK, 8), jnp.float32)

    xp = jnp.concatenate([x, jnp.zeros((NPAD - N, D), jnp.float32)])
    Wa0 = gin_Wa0.reshape(1, H1)
    ba0 = gin_ba0.reshape(1, H1)
    bb0 = gin_bb0.reshape(1, H1)
    ba1 = gin_ba1.reshape(1, H1)
    bb1 = gin_bb1.reshape(1, H1)
    b0 = sage_b0.reshape(1, H2)
    b1 = sage_b1.reshape(1, OUT)
    Wn0x, Wn0g = sage_Wn0[:D], sage_Wn0[D:]
    Ws0x, Ws0g = sage_Ws0[:D], sage_Ws0[D:]

    degp = _sc_degree(didx, ones_rows, zeros8)
    x1a, dinv = _tc1(degp, Wa0, ba0, gin_Wb0, bb0)
    agg1p = _sc_segment_sum(x1a, sidx, didx, zeros32, H1, CHUNK, NCHUNK)
    y0, s0 = _tc2(x1a, agg1p, xp, gin_Wa1, ba1, gin_Wb1, bb1,
                  Wn0x, Wn0g, Ws0x, Ws0g)
    aggy0p = _sc_segment_sum(y0, sidx64, didx64, zeros64, H2,
                             CHUNK // 2, NCHUNK * 2)
    y1, s1 = _tc3(s0, aggy0p, dinv, sage_Wn1, sage_Ws1, b0, b1)
    aggy1p = _sc_segment_sum(y1, sidx64, didx64, zeros64, H2,
                             CHUNK // 2, NCHUNK * 2)
    out = _tc4(s1, aggy1p, dinv)
    return out[:N]

# --- scband reference (transcript-rebuilt; emitter-appended) ---
"""Pipeline reference for scband-gnn-gamlnet-model-34832184771010 (READ-ONLY COPY).

The authoritative reference and input builder live on the scoring server;
editing this copy changes nothing except your own understanding.
"""

import jax, jax.numpy as jnp
import numpy as np

N = 10000
E = 320000
D = 128
H1 = 32
H2 = 64
OUT = 64


def _init(key, shape):
    return jax.random.normal(key, shape, jnp.float32) * 0.1


def setup_inputs(seed: int = 0):
    key = jax.random.key(seed)
    ks = jax.random.split(key, 12)
    inp = {}
    inp['x'] = jax.random.normal(ks[0], (N, D), jnp.float32)
    inp['edge_index'] = jax.random.randint(ks[1], (2, E), 0, N, dtype=jnp.int32)
    # GIN layer MLPs: layer0 maps 1 -> H1 -> H1, layer1 maps H1 -> H1 -> H1
    inp['gin_Wa0'] = _init(ks[2], (1, H1)); inp['gin_ba0'] = jnp.zeros((H1,), jnp.float32)
    inp['gin_Wb0'] = _init(ks[3], (H1, H1)); inp['gin_bb0'] = jnp.zeros((H1,), jnp.float32)
    inp['gin_Wa1'] = _init(ks[4], (H1, H1)); inp['gin_ba1'] = jnp.zeros((H1,), jnp.float32)
    inp['gin_Wb1'] = _init(ks[5], (H1, H1)); inp['gin_bb1'] = jnp.zeros((H1,), jnp.float32)
    # SAGE layer0: (D+H1) -> H2 ; layer1: H2 -> OUT (self + neighbor weights)
    inp['sage_Ws0'] = _init(ks[6], (D + H1, H2)); inp['sage_Wn0'] = _init(ks[7], (D + H1, H2)); inp['sage_b0'] = jnp.zeros((H2,), jnp.float32)
    inp['sage_Ws1'] = _init(ks[8], (H2, OUT)); inp['sage_Wn1'] = _init(ks[9], (H2, OUT)); inp['sage_b1'] = jnp.zeros((OUT,), jnp.float32)
    return inp


def _gin_conv(h, src, dst, Wa, ba, Wb, bb):
    # GINConv with eps=0: MLP(x + sum_{j in N(i)} x_j)
    agg = jax.ops.segment_sum(h[src], dst, num_segments=N)
    z = h + agg
    z = jnp.maximum(z @ Wa + ba, 0.0)
    return z @ Wb + bb


def _sage_conv(h, src, dst, deg_inv, Ws, Wn, b):
    # SAGEConv: W_self x_i + W_neigh mean_{j in N(i)} x_j
    agg = jax.ops.segment_sum(h[src], dst, num_segments=N)
    mean = agg * deg_inv[:, None]
    return h @ Ws + mean @ Wn + b


def reference(x, edge_index, gin_Wa0, gin_ba0, gin_Wb0, gin_bb0, gin_Wa1, gin_ba1, gin_Wb1, gin_bb1, sage_Ws0, sage_Wn0, sage_b0, sage_Ws1, sage_Wn1, sage_b1):
    src = edge_index[0]
    dst = edge_index[1]
    deg = jax.ops.segment_sum(jnp.ones((E,), jnp.float32), dst, num_segments=N)
    deg_inv = 1.0 / jnp.maximum(deg, 1.0)
    # gin_feature_indices[0] == -1 -> GIN branch runs on all-ones scalar feature
    x1 = jnp.ones((N, 1), jnp.float32)
    x1 = _gin_conv(x1, src, dst, gin_Wa0, gin_ba0, gin_Wb0, gin_bb0)
    x1 = jnp.maximum(x1, 0.0)
    x1 = _gin_conv(x1, src, dst, gin_Wa1, gin_ba1, gin_Wb1, gin_bb1)
    xc = jnp.concatenate([x, x1], axis=1)
    h = _sage_conv(xc, src, dst, deg_inv, sage_Ws0, sage_Wn0, sage_b0)
    h = jnp.maximum(h, 0.0)
    out = _sage_conv(h, src, dst, deg_inv, sage_Ws1, sage_Wn1, sage_b1)
    return out

if __name__ == "__main__":
    import jax
    _d = setup_inputs()
    print(jax.jit(kernel)(*tuple(_d.values())))

</pallas_src>

<mosaic_0001>
#map = affine_map<(d0, d1) -> (0, 0)>
#map1 = affine_map<(d0, d1) -> (0, 0, 0)>
module attributes {stable_mosaic.version = 14 : i64} {
  func.func @k(%arg0: i32, %arg1: i32, %arg2: memref<10240x64xf32, #tpu.memory_space<hbm>>, %arg3: memref<32x160x64xi32, #tpu.memory_space<hbm>>, %arg4: memref<32x160x64xi32, #tpu.memory_space<hbm>>, %arg5: memref<640x64xf32, #tpu.memory_space<hbm>>, %arg6: memref<2x10240x64xf32, #tpu.memory_space<hbm>>, %arg7: memref<160x64xi32, #tpu.memory_space<vmem>>, %arg8: memref<160x64xi32, #tpu.memory_space<vmem>>, %arg9: memref<64x64xf32, #tpu.memory_space<vmem>>, %arg10: memref<64x64xf32, #tpu.memory_space<vmem>>, %arg11: memref<64x64xf32, #tpu.memory_space<vmem>>, %arg12: memref<64x64xf32, #tpu.memory_space<vmem>>, %arg13: memref<10240x64xf32, #tpu.memory_space<vmem_shared>>, %arg14: memref<10240x64xf32, #tpu.memory_space<vmem_shared>>, %arg15: memref<!tpu.dma_semaphore, #tpu.memory_space<semaphore_mem>>, %arg16: memref<!tpu.dma_semaphore, #tpu.memory_space<semaphore_mem>>, %arg17: memref<!tpu.dma_semaphore, #tpu.memory_space<semaphore_mem>>, %arg18: memref<!tpu.dma_semaphore, #tpu.memory_space<semaphore_mem>>, %arg19: memref<!tpu.dma_semaphore, #tpu.memory_space<semaphore_mem>>, %arg20: memref<!tpu.dma_semaphore, #tpu.memory_space<semaphore_mem>>, %arg21: memref<!tpu.dma_semaphore, #tpu.memory_space<semaphore_mem>>, %arg22: memref<!tpu.dma_semaphore, #tpu.memory_space<semaphore_mem>>) attributes {dimension_semantics = [#tpu.dimension_semantics<core_parallel>, #tpu.dimension_semantics<subcore_parallel>], iteration_bounds = array<i64: 2, 16>, scalar_prefetch = 0 : i64, scratch_operands = 16 : i64, tpu.core_type = #tpu.core_type<sc_vector_subcore>, window_params = [{transform_indices = #map}, {transform_indices = #map1}, {transform_indices = #map1}, {transform_indices = #map}, {transform_indices = #map1}]} {
    %mul3A = arith.constant 16 : i32
    %mul3A_0 = arith.muli %arg0, %mul3A : i32
    %add3A = arith.addi %mul3A_0, %arg1 : i32
    %mul3A_1 = arith.constant 640 : i32
    %mul3A_2 = arith.muli %arg1, %mul3A_1 : i32
    "tpu.region"() ({
      %run_scoped3A = tpu.sem_alloc : memref<!tpu.dma_semaphore, #tpu.memory_space<semaphore_mem>>
      %dma_start3A_127 = arith.constant 0 : i32
      %dma_start3A_128 = tpu.memref_slice %arg13[%mul3A_2, %dma_start3A_127] : memref<10240x64xf32, #tpu.memory_space<vmem_shared>> -> memref<640x64xf32, #tpu.memory_space<vmem_shared>>
      tpu.enqueue_dma source(%arg5 : memref<640x64xf32, #tpu.memory_space<hbm>>) target(%dma_start3A_128 : memref<640x64xf32, #tpu.memory_space<vmem_shared>>) target_semaphore(%run_scoped3A : memref<!tpu.dma_semaphore, #tpu.memory_space<semaphore_mem>>)
      %dma_wait3A_129 = arith.constant 0 : i32
      %dma_wait3A_130 = tpu.memref_slice %arg13[%mul3A_2, %dma_wait3A_129] : memref<10240x64xf32, #tpu.memory_space<vmem_shared>> -> memref<640x64xf32, #tpu.memory_space<vmem_shared>>
      tpu.wait_dma2 semaphore(%run_scoped3A : memref<!tpu.dma_semaphore, #tpu.memory_space<semaphore_mem>>) src(%arg5 : memref<640x64xf32, #tpu.memory_space<hbm>>) dst(%dma_wait3A_130 : memref<640x64xf32, #tpu.memory_space<vmem_shared>>)
      tpu.yield
    }) : () -> ()
    %mul3A_3 = arith.constant 640 : i32
    %mul3A_4 = arith.muli %arg1, %mul3A_3 : i32
    %mul3A_5 = arith.constant 640 : i32
    %mul3A_6 = arith.muli %arg1, %mul3A_5 : i32
    "tpu.region"() ({
      %run_scoped3A = tpu.sem_alloc : memref<!tpu.dma_semaphore, #tpu.memory_space<semaphore_mem>>
      %dma_start3A_127 = arith.constant 0 : i32
      %dma_start3A_128 = tpu.memref_slice %arg14[%mul3A_6, %dma_start3A_127] : memref<10240x64xf32, #tpu.memory_space<vmem_shared>> -> memref<640x64xf32, #tpu.memory_space<vmem_shared>>
      %dma_start3A_129 = arith.constant 0 : i32
      %dma_start3A_130 = tpu.memref_slice %arg2[%mul3A_4, %dma_start3A_129] : memref<10240x64xf32, #tpu.memory_space<hbm>> -> memref<640x64xf32, #tpu.memory_space<hbm>>
      tpu.enqueue_dma source(%dma_start3A_130 : memref<640x64xf32, #tpu.memory_space<hbm>>) target(%dma_start3A_128 : memref<640x64xf32, #tpu.memory_space<vmem_shared>>) target_semaphore(%run_scoped3A : memref<!tpu.dma_semaphore, #tpu.memory_space<semaphore_mem>>)
      %dma_wait3A_131 = arith.constant 0 : i32
      %dma_wait3A_132 = tpu.memref_slice %arg14[%mul3A_6, %dma_wait3A_131] : memref<10240x64xf32, #tpu.memory_space<vmem_shared>> -> memref<640x64xf32, #tpu.memory_space<vmem_shared>>
      %dma_wait3A_133 = arith.constant 0 : i32
      %dma_wait3A_134 = tpu.memref_slice %arg2[%mul3A_4, %dma_wait3A_133] : memref<10240x64xf32, #tpu.memory_space<hbm>> -> memref<640x64xf32, #tpu.memory_space<hbm>>
      tpu.wait_dma2 semaphore(%run_scoped3A : memref<!tpu.dma_semaphore, #tpu.memory_space<semaphore_mem>>) src(%dma_wait3A_134 : memref<640x64xf32, #tpu.memory_space<hbm>>) dst(%dma_wait3A_132 : memref<640x64xf32, #tpu.memory_space<vmem_shared>>)
      tpu.yield
    }) : () -> ()
    "tpu.region"() ({
      %run_scoped3A = tpu.sem_alloc : memref<!tpu.dma_semaphore, #tpu.memory_space<semaphore_mem>>
      %dma_start3A_127 = arith.constant 0 : i32
      %dma_start3A_128 = arith.constant 0 : i32
      %dma_start3A_129 = tpu.memref_slice %arg3[%add3A, %dma_start3A_127, %dma_start3A_128] : memref<32x160x64xi32, #tpu.memory_space<hbm>> -> memref<1x160x64xi32, #tpu.memory_space<hbm>>
      %dma_start3A_130 = tpu.memref_squeeze %dma_start3A_129 : memref<1x160x64xi32, #tpu.memory_space<hbm>> -> memref<160x64xi32, #tpu.memory_space<hbm>>
      %dma_start3A_131 = arith.constant 0 : i32
      %dma_start3A_132 = arith.constant 0 : i32
      %dma_start3A_133 = tpu.memref_slice %arg3[%add3A, %dma_start3A_131, %dma_start3A_132] : memref<32x160x64xi32, #tpu.memory_space<hbm>> -> memref<1x160x64xi32, #tpu.memory_space<hbm>>
      %dma_start3A_134 = tpu.memref_squeeze %dma_start3A_133 : memref<1x160x64xi32, #tpu.memory_space<hbm>> -> memref<160x64xi32, #tpu.memory_space<hbm>>
      tpu.enqueue_dma source(%dma_start3A_134 : memref<160x64xi32, #tpu.memory_space<hbm>>) target(%arg7 : memref<160x64xi32, #tpu.memory_space<vmem>>) target_semaphore(%run_scoped3A : memref<!tpu.dma_semaphore, #tpu.memory_space<semaphore_mem>>)
      %dma_wait3A_135 = arith.constant 0 : i32
      %dma_wait3A_136 = arith.constant 0 : i32
      %dma_wait3A_137 = tpu.memref_slice %arg3[%add3A, %dma_wait3A_135, %dma_wait3A_136] : memref<32x160x64xi32, #tpu.memory_space<hbm>> -> memref<1x160x64xi32, #tpu.memory_space<hbm>>
      %dma_wait3A_138 = tpu.memref_squeeze %dma_wait3A_137 : memref<1x160x64xi32, #tpu.memory_space<hbm>> -> memref<160x64xi32, #tpu.memory_space<hbm>>
      %dma_wait3A_139 = arith.constant 0 : i32
      %dma_wait3A_140 = arith.constant 0 : i32
      %dma_wait3A_141 = tpu.memref_slice %arg3[%add3A, %dma_wait3A_139, %dma_wait3A_140] : memref<32x160x64xi32, #tpu.memory_space<hbm>> -> memref<1x160x64xi32, #tpu.memory_space<hbm>>
      %dma_wait3A_142 = tpu.memref_squeeze %dma_wait3A_141 : memref<1x160x64xi32, #tpu.memory_space<hbm>> -> memref<160x64xi32, #tpu.memory_space<hbm>>
      tpu.wait_dma2 semaphore(%run_scoped3A : memref<!tpu.dma_semaphore, #tpu.memory_space<semaphore_mem>>) src(%dma_wait3A_142 : memref<160x64xi32, #tpu.memory_space<hbm>>) dst(%arg7 : memref<160x64xi32, #tpu.memory_space<vmem>>)
      tpu.yield
    }) : () -> ()
    "tpu.region"() ({
      %run_scoped3A = tpu.sem_alloc : memref<!tpu.dma_semaphore, #tpu.memory_space<semaphore_mem>>
      %dma_start3A_127 = arith.constant 0 : i32
      %dma_start3A_128 = arith.constant 0 : i32
      %dma_start3A_129 = tpu.memref_slice %arg4[%add3A, %dma_start3A_127, %dma_start3A_128] : memref<32x160x64xi32, #tpu.memory_space<hbm>> -> memref<1x160x64xi32, #tpu.memory_space<hbm>>
      %dma_start3A_130 = tpu.memref_squeeze %dma_start3A_129 : memref<1x160x64xi32, #tpu.memory_space<hbm>> -> memref<160x64xi32, #tpu.memory_space<hbm>>
      %dma_start3A_131 = arith.constant 0 : i32
      %dma_start3A_132 = arith.constant 0 : i32
      %dma_start3A_133 = tpu.memref_slice %arg4[%add3A, %dma_start3A_131, %dma_start3A_132] : memref<32x160x64xi32, #tpu.memory_space<hbm>> -> memref<1x160x64xi32, #tpu.memory_space<hbm>>
      %dma_start3A_134 = tpu.memref_squeeze %dma_start3A_133 : memref<1x160x64xi32, #tpu.memory_space<hbm>> -> memref<160x64xi32, #tpu.memory_space<hbm>>
      tpu.enqueue_dma source(%dma_start3A_134 : memref<160x64xi32, #tpu.memory_space<hbm>>) target(%arg8 : memref<160x64xi32, #tpu.memory_space<vmem>>) target_semaphore(%run_scoped3A : memref<!tpu.dma_semaphore, #tpu.memory_space<semaphore_mem>>)
      %dma_wait3A_135 = arith.constant 0 : i32
      %dma_wait3A_136 = arith.constant 0 : i32
      %dma_wait3A_137 = tpu.memref_slice %arg4[%add3A, %dma_wait3A_135, %dma_wait3A_136] : memref<32x160x64xi32, #tpu.memory_space<hbm>> -> memref<1x160x64xi32, #tpu.memory_space<hbm>>
      %dma_wait3A_138 = tpu.memref_squeeze %dma_wait3A_137 : memref<1x160x64xi32, #tpu.memory_space<hbm>> -> memref<160x64xi32, #tpu.memory_space<hbm>>
      %dma_wait3A_139 = arith.constant 0 : i32
      %dma_wait3A_140 = arith.constant 0 : i32
      %dma_wait3A_141 = tpu.memref_slice %arg4[%add3A, %dma_wait3A_139, %dma_wait3A_140] : memref<32x160x64xi32, #tpu.memory_space<hbm>> -> memref<1x160x64xi32, #tpu.memory_space<hbm>>
      %dma_wait3A_142 = tpu.memref_squeeze %dma_wait3A_141 : memref<1x160x64xi32, #tpu.memory_space<hbm>> -> memref<160x64xi32, #tpu.memory_space<hbm>>
      tpu.wait_dma2 semaphore(%run_scoped3A : memref<!tpu.dma_semaphore, #tpu.memory_space<semaphore_mem>>) src(%dma_wait3A_142 : memref<160x64xi32, #tpu.memory_space<hbm>>) dst(%arg8 : memref<160x64xi32, #tpu.memory_space<vmem>>)
      tpu.yield
    }) : () -> ()
    %barrier3A = arith.constant 0 : index
    tpu.barrier barrier_id(%barrier3A)
    %dma_start3A = arith.constant 0 : i32
    %dma_start3A_7 = arith.constant 0 : i32
    %dma_start3A_8 = tpu.memref_slice %arg7[%dma_start3A, %dma_start3A_7] : memref<160x64xi32, #tpu.memory_space<vmem>> -> memref<1x64xi32, #tpu.memory_space<vmem>>
    %dma_start3A_9 = tpu.memref_squeeze %dma_start3A_8 : memref<1x64xi32, #tpu.memory_space<vmem>> -> memref<64xi32, #tpu.memory_space<vmem>>
    %dma_start3A_10 = arith.constant 0 : i32
    %dma_start3A_11 = arith.constant 0 : i32
    %dma_start3A_12 = tpu.memref_slice %arg14[%dma_start3A_10, %dma_start3A_11] : memref<10240x64xf32, #tpu.memory_space<vmem_shared>> -> memref<10240x64xf32, #tpu.memory_space<vmem_shared>>
    tpu.enqueue_indirect_dma source(%dma_start3A_12 : memref<10240x64xf32, #tpu.memory_space<vmem_shared>>) target(%arg9 : memref<64x64xf32, #tpu.memory_space<vmem>>) offsets(%dma_start3A_9 : memref<64xi32, #tpu.memory_space<vmem>>) semaphore(%arg15 : memref<!tpu.dma_semaphore, #tpu.memory_space<semaphore_mem>>)
    %dma_wait3A = arith.constant 0 : i32
    %dma_wait3A_13 = arith.constant 0 : i32
    %dma_wait3A_14 = tpu.memref_slice %arg7[%dma_wait3A, %dma_wait3A_13] : memref<160x64xi32, #tpu.memory_space<vmem>> -> memref<1x64xi32, #tpu.memory_space<vmem>>
    %dma_wait3A_15 = tpu.memref_squeeze %dma_wait3A_14 : memref<1x64xi32, #tpu.memory_space<vmem>> -> memref<64xi32, #tpu.memory_space<vmem>>
    %dma_wait3A_16 = arith.constant 0 : i32
    %dma_wait3A_17 = arith.constant 0 : i32
    %dma_wait3A_18 = tpu.memref_slice %arg14[%dma_wait3A_16, %dma_wait3A_17] : memref<10240x64xf32, #tpu.memory_space<vmem_shared>> -> memref<10240x64xf32, #tpu.memory_space<vmem_shared>>
    tpu.wait_indirect_dma semaphore(%arg15 : memref<!tpu.dma_semaphore, #tpu.memory_space<semaphore_mem>>) src(%dma_wait3A_18 : memref<10240x64xf32, #tpu.memory_space<vmem_shared>>) dst(%arg9 : memref<64x64xf32, #tpu.memory_space<vmem>>)
    %dma_start3A_19 = arith.constant 1 : i32
    %dma_start3A_20 = arith.constant 0 : i32
    %dma_start3A_21 = tpu.memref_slice %arg7[%dma_start3A_19, %dma_start3A_20] : memref<160x64xi32, #tpu.memory_space<vmem>> -> memref<1x64xi32, #tpu.memory_space<vmem>>
    %dma_start3A_22 = tpu.memref_squeeze %dma_start3A_21 : memref<1x64xi32, #tpu.memory_space<vmem>> -> memref<64xi32, #tpu.memory_space<vmem>>
    %dma_start3A_23 = arith.constant 0 : i32
    %dma_start3A_24 = arith.constant 0 : i32
    %dma_start3A_25 = tpu.memref_slice %arg14[%dma_start3A_23, %dma_start3A_24] : memref<10240x64xf32, #tpu.memory_space<vmem_shared>> -> memref<10240x64xf32, #tpu.memory_space<vmem_shared>>
    tpu.enqueue_indirect_dma source(%dma_start3A_25 : memref<10240x64xf32, #tpu.memory_space<vmem_shared>>) target(%arg10 : memref<64x64xf32, #tpu.memory_space<vmem>>) offsets(%dma_start3A_22 : memref<64xi32, #tpu.memory_space<vmem>>) semaphore(%arg16 : memref<!tpu.dma_semaphore, #tpu.memory_space<semaphore_mem>>)
    %dma_start3A_26 = arith.constant 0 : i32
    %dma_start3A_27 = arith.constant 0 : i32
    %dma_start3A_28 = tpu.memref_slice %arg8[%dma_start3A_26, %dma_start3A_27] : memref<160x64xi32, #tpu.memory_space<vmem>> -> memref<1x64xi32, #tpu.memory_space<vmem>>
    %dma_start3A_29 = tpu.memref_squeeze %dma_start3A_28 : memref<1x64xi32, #tpu.memory_space<vmem>> -> memref<64xi32, #tpu.memory_space<vmem>>
    %dma_start3A_30 = arith.constant 0 : i32
    %dma_start3A_31 = arith.constant 0 : i32
    %dma_start3A_32 = tpu.memref_slice %arg13[%dma_start3A_30, %dma_start3A_31] : memref<10240x64xf32, #tpu.memory_space<vmem_shared>> -> memref<10240x64xf32, #tpu.memory_space<vmem_shared>>
    tpu.enqueue_indirect_dma source(%arg9 : memref<64x64xf32, #tpu.memory_space<vmem>>) target(%dma_start3A_32 : memref<10240x64xf32, #tpu.memory_space<vmem_shared>>) offsets(%dma_start3A_29 : memref<64xi32, #tpu.memory_space<vmem>>) semaphore(%arg19 : memref<!tpu.dma_semaphore, #tpu.memory_space<semaphore_mem>>) {add = true}
    %dma_wait3A_33 = arith.constant 1 : i32
    %dma_wait3A_34 = arith.constant 0 : i32
    %dma_wait3A_35 = tpu.memref_slice %arg7[%dma_wait3A_33, %dma_wait3A_34] : memref<160x64xi32, #tpu.memory_space<vmem>> -> memref<1x64xi32, #tpu.memory_space<vmem>>
    %dma_wait3A_36 = tpu.memref_squeeze %dma_wait3A_35 : memref<1x64xi32, #tpu.memory_space<vmem>> -> memref<64xi32, #tpu.memory_space<vmem>>
    %dma_wait3A_37 = arith.constant 0 : i32
    %dma_wait3A_38 = arith.constant 0 : i32
    %dma_wait3A_39 = tpu.memref_slice %arg14[%dma_wait3A_37, %dma_wait3A_38] : memref<10240x64xf32, #tpu.memory_space<vmem_shared>> -> memref<10240x64xf32, #tpu.memory_space<vmem_shared>>
    tpu.wait_indirect_dma semaphore(%arg16 : memref<!tpu.dma_semaphore, #tpu.memory_space<semaphore_mem>>) src(%dma_wait3A_39 : memref<10240x64xf32, #tpu.memory_space<vmem_shared>>) dst(%arg10 : memref<64x64xf32, #tpu.memory_space<vmem>>)
    %dma_start3A_40 = arith.constant 2 : i32
    %dma_start3A_41 = arith.constant 0 : i32
    %dma_start3A_42 = tpu.memref_slice %arg7[%dma_start3A_40, %dma_start3A_41] : memref<160x64xi32, #tpu.memory_space<vmem>> -> memref<1x64xi32, #tpu.memory_space<vmem>>
    %dma_start3A_43 = tpu.memref_squeeze %dma_start3A_42 : memref<1x64xi32, #tpu.memory_space<vmem>> -> memref<64xi32, #tpu.memory_space<vmem>>
    %dma_start3A_44 = arith.constant 0 : i32
    %dma_start3A_45 = arith.constant 0 : i32
    %dma_start3A_46 = tpu.memref_slice %arg14[%dma_start3A_44, %dma_start3A_45] : memref<10240x64xf32, #tpu.memory_space<vmem_shared>> -> memref<10240x64xf32, #tpu.memory_space<vmem_shared>>
    tpu.enqueue_indirect_dma source(%dma_start3A_46 : memref<10240x64xf32, #tpu.memory_space<vmem_shared>>) target(%arg11 : memref<64x64xf32, #tpu.memory_space<vmem>>) offsets(%dma_start3A_43 : memref<64xi32, #tpu.memory_space<vmem>>) semaphore(%arg17 : memref<!tpu.dma_semaphore, #tpu.memory_space<semaphore_mem>>)
    %dma_start3A_47 = arith.constant 1 : i32
    %dma_start3A_48 = arith.constant 0 : i32
    %dma_start3A_49 = tpu.memref_slice %arg8[%dma_start3A_47, %dma_start3A_48] : memref<160x64xi32, #tpu.memory_space<vmem>> -> memref<1x64xi32, #tpu.memory_space<vmem>>
    %dma_start3A_50 = tpu.memref_squeeze %dma_start3A_49 : memref<1x64xi32, #tpu.memory_space<vmem>> -> memref<64xi32, #tpu.memory_space<vmem>>
    %dma_start3A_51 = arith.constant 0 : i32
    %dma_start3A_52 = arith.constant 0 : i32
    %dma_start3A_53 = tpu.memref_slice %arg13[%dma_start3A_51, %dma_start3A_52] : memref<10240x64xf32, #tpu.memory_space<vmem_shared>> -> memref<10240x64xf32, #tpu.memory_space<vmem_shared>>
    tpu.enqueue_indirect_dma source(%arg10 : memref<64x64xf32, #tpu.memory_space<vmem>>) target(%dma_start3A_53 : memref<10240x64xf32, #tpu.memory_space<vmem_shared>>) offsets(%dma_start3A_50 : memref<64xi32, #tpu.memory_space<vmem>>) semaphore(%arg20 : memref<!tpu.dma_semaphore, #tpu.memory_space<semaphore_mem>>) {add = true}
    %dma_wait3A_54 = arith.constant 2 : i32
    %dma_wait3A_55 = arith.constant 0 : i32
    %dma_wait3A_56 = tpu.memref_slice %arg7[%dma_wait3A_54, %dma_wait3A_55] : memref<160x64xi32, #tpu.memory_space<vmem>> -> memref<1x64xi32, #tpu.memory_space<vmem>>
    %dma_wait3A_57 = tpu.memref_squeeze %dma_wait3A_56 : memref<1x64xi32, #tpu.memory_space<vmem>> -> memref<64xi32, #tpu.memory_space<vmem>>
    %dma_wait3A_58 = arith.constant 0 : i32
    %dma_wait3A_59 = arith.constant 0 : i32
    %dma_wait3A_60 = tpu.memref_slice %arg14[%dma_wait3A_58, %dma_wait3A_59] : memref<10240x64xf32, #tpu.memory_space<vmem_shared>> -> memref<10240x64xf32, #tpu.memory_space<vmem_shared>>
    tpu.wait_indirect_dma semaphore(%arg17 : memref<!tpu.dma_semaphore, #tpu.memory_space<semaphore_mem>>) src(%dma_wait3A_60 : memref<10240x64xf32, #tpu.memory_space<vmem_shared>>) dst(%arg11 : memref<64x64xf32, #tpu.memory_space<vmem>>)
    %dma_start3A_61 = arith.constant 3 : i32
    %dma_start3A_62 = arith.constant 0 : i32
    %dma_start3A_63 = tpu.memref_slice %arg7[%dma_start3A_61, %dma_start3A_62] : memref<160x64xi32, #tpu.memory_space<vmem>> -> memref<1x64xi32, #tpu.memory_space<vmem>>
    %dma_start3A_64 = tpu.memref_squeeze %dma_start3A_63 : memref<1x64xi32, #tpu.memory_space<vmem>> -> memref<64xi32, #tpu.memory_space<vmem>>
    %dma_start3A_65 = arith.constant 0 : i32
    %dma_start3A_66 = arith.constant 0 : i32
    %dma_start3A_67 = tpu.memref_slice %arg14[%dma_start3A_65, %dma_start3A_66] : memref<10240x64xf32, #tpu.memory_space<vmem_shared>> -> memref<10240x64xf32, #tpu.memory_space<vmem_shared>>
    tpu.enqueue_indirect_dma source(%dma_start3A_67 : memref<10240x64xf32, #tpu.memory_space<vmem_shared>>) target(%arg12 : memref<64x64xf32, #tpu.memory_space<vmem>>) offsets(%dma_start3A_64 : memref<64xi32, #tpu.memory_space<vmem>>) semaphore(%arg18 : memref<!tpu.dma_semaphore, #tpu.memory_space<semaphore_mem>>)
    %dma_start3A_68 = arith.constant 2 : i32
    %dma_start3A_69 = arith.constant 0 : i32
    %dma_start3A_70 = tpu.memref_slice %arg8[%dma_start3A_68, %dma_start3A_69] : memref<160x64xi32, #tpu.memory_space<vmem>> -> memref<1x64xi32, #tpu.memory_space<vmem>>
    %dma_start3A_71 = tpu.memref_squeeze %dma_start3A_70 : memref<1x64xi32, #tpu.memory_space<vmem>> -> memref<64xi32, #tpu.memory_space<vmem>>
    %dma_start3A_72 = arith.constant 0 : i32
    %dma_start3A_73 = arith.constant 0 : i32
    %dma_start3A_74 = tpu.memref_slice %arg13[%dma_start3A_72, %dma_start3A_73] : memref<10240x64xf32, #tpu.memory_space<vmem_shared>> -> memref<10240x64xf32, #tpu.memory_space<vmem_shared>>
    tpu.enqueue_indirect_dma source(%arg11 : memref<64x64xf32, #tpu.memory_space<vmem>>) target(%dma_start3A_74 : memref<10240x64xf32, #tpu.memory_space<vmem_shared>>) offsets(%dma_start3A_71 : memref<64xi32, #tpu.memory_space<vmem>>) semaphore(%arg21 : memref<!tpu.dma_semaphore, #tpu.memory_space<semaphore_mem>>) {add = true}
    %scan3A = arith.constant 0 : i32
    %scan3A_75 = arith.constant 0 : i32
    %scan3A_76 = arith.constant 39 : i32
    %scan3A_77 = arith.addi %scan3A_75, %scan3A_76 : i32
    %scan3A_78 = arith.constant 1 : i32
    scf.for %scan3A_127 = %scan3A_75 to %scan3A_77 step %scan3A_78  : i32 {
      %mul3A_128 = arith.constant 4 : i32
      %mul3A_129 = arith.muli %scan3A_127, %mul3A_128 : i32
      %add3A_130 = arith.constant 3 : i32
      %add3A_131 = arith.addi %add3A_130, %mul3A_129 : i32
      %add3A_132 = arith.constant 0 : i32
      %add3A_133 = arith.addi %add3A_131, %add3A_132 : i32
      %dma_wait3A_134 = arith.constant 0 : i32
      %dma_wait3A_135 = tpu.memref_slice %arg7[%add3A_133, %dma_wait3A_134] : memref<160x64xi32, #tpu.memory_space<vmem>> -> memref<1x64xi32, #tpu.memory_space<vmem>>
      %dma_wait3A_136 = tpu.memref_squeeze %dma_wait3A_135 : memref<1x64xi32, #tpu.memory_space<vmem>> -> memref<64xi32, #tpu.memory_space<vmem>>
      %dma_wait3A_137 = arith.constant 0 : i32
      %dma_wait3A_138 = arith.constant 0 : i32
      %dma_wait3A_139 = tpu.memref_slice %arg14[%dma_wait3A_137, %dma_wait3A_138] : memref<10240x64xf32, #tpu.memory_space<vmem_shared>> -> memref<10240x64xf32, #tpu.memory_space<vmem_shared>>
      tpu.wait_indirect_dma semaphore(%arg18 : memref<!tpu.dma_semaphore, #tpu.memory_space<semaphore_mem>>) src(%dma_wait3A_139 : memref<10240x64xf32, #tpu.memory_space<vmem_shared>>) dst(%arg12 : memref<64x64xf32, #tpu.memory_space<vmem>>)
      %sub3A = arith.constant 3 : i32
      %sub3A_140 = arith.subi %add3A_133, %sub3A : i32
      %dma_wait3A_141 = arith.constant 0 : i32
      %dma_wait3A_142 = tpu.memref_slice %arg8[%sub3A_140, %dma_wait3A_141] : memref<160x64xi32, #tpu.memory_space<vmem>> -> memref<1x64xi32, #tpu.memory_space<vmem>>
      %dma_wait3A_143 = tpu.memref_squeeze %dma_wait3A_142 : memref<1x64xi32, #tpu.memory_space<vmem>> -> memref<64xi32, #tpu.memory_space<vmem>>
      %dma_wait3A_144 = arith.constant 0 : i32
      %dma_wait3A_145 = arith.constant 0 : i32
      %dma_wait3A_146 = tpu.memref_slice %arg13[%dma_wait3A_144, %dma_wait3A_145] : memref<10240x64xf32, #tpu.memory_space<vmem_shared>> -> memref<10240x64xf32, #tpu.memory_space<vmem_shared>>
      tpu.wait_indirect_dma semaphore(%arg19 : memref<!tpu.dma_semaphore, #tpu.memory_space<semaphore_mem>>) src(%arg9 : memref<64x64xf32, #tpu.memory_space<vmem>>) dst(%dma_wait3A_146 : memref<10240x64xf32, #tpu.memory_space<vmem_shared>>)
      %add3A_147 = arith.constant 1 : i32
      %add3A_148 = arith.addi %add3A_133, %add3A_147 : i32
      %dma_start3A_149 = arith.constant 0 : i32
      %dma_start3A_150 = tpu.memref_slice %arg7[%add3A_148, %dma_start3A_149] : memref<160x64xi32, #tpu.memory_space<vmem>> -> memref<1x64xi32, #tpu.memory_space<vmem>>
      %dma_start3A_151 = tpu.memref_squeeze %dma_start3A_150 : memref<1x64xi32, #tpu.memory_space<vmem>> -> memref<64xi32, #tpu.memory_space<vmem>>
      %dma_start3A_152 = arith.constant 0 : i32
      %dma_start3A_153 = arith.constant 0 : i32
      %dma_start3A_154 = tpu.memref_slice %arg14[%dma_start3A_152, %dma_start3A_153] : memref<10240x64xf32, #tpu.memory_space<vmem_shared>> -> memref<10240x64xf32, #tpu.memory_space<vmem_shared>>
      tpu.enqueue_indirect_dma source(%dma_start3A_154 : memref<10240x64xf32, #tpu.memory_space<vmem_shared>>) target(%arg9 : memref<64x64xf32, #tpu.memory_space<vmem>>) offsets(%dma_start3A_151 : memref<64xi32, #tpu.memory_space<vmem>>) semaphore(%arg15 : memref<!tpu.dma_semaphore, #tpu.memory_space<semaphore_mem>>)
      %dma_start3A_155 = arith.constant 0 : i32
      %dma_start3A_156 = tpu.memref_slice %arg8[%add3A_133, %dma_start3A_155] : memref<160x64xi32, #tpu.memory_space<vmem>> -> memref<1x64xi32, #tpu.memory_space<vmem>>
      %dma_start3A_157 = tpu.memref_squeeze %dma_start3A_156 : memref<1x64xi32, #tpu.memory_space<vmem>> -> memref<64xi32, #tpu.memory_space<vmem>>
      %dma_start3A_158 = arith.constant 0 : i32
      %dma_start3A_159 = arith.constant 0 : i32
      %dma_start3A_160 = tpu.memref_slice %arg13[%dma_start3A_158, %dma_start3A_159] : memref<10240x64xf32, #tpu.memory_space<vmem_shared>> -> memref<10240x64xf32, #tpu.memory_space<vmem_shared>>
      tpu.enqueue_indirect_dma source(%arg12 : memref<64x64xf32, #tpu.memory_space<vmem>>) target(%dma_start3A_160 : memref<10240x64xf32, #tpu.memory_space<vmem_shared>>) offsets(%dma_start3A_157 : memref<64xi32, #tpu.memory_space<vmem>>) semaphore(%arg22 : memref<!tpu.dma_semaphore, #tpu.memory_space<semaphore_mem>>) {add = true}
      %mul3A_161 = arith.constant 4 : i32
      %mul3A_162 = arith.muli %scan3A_127, %mul3A_161 : i32
      %add3A_163 = arith.constant 3 : i32
      %add3A_164 = arith.addi %add3A_163, %mul3A_162 : i32
      %add3A_165 = arith.constant 1 : i32
      %add3A_166 = arith.addi %add3A_164, %add3A_165 : i32
      %dma_wait3A_167 = arith.constant 0 : i32
      %dma_wait3A_168 = tpu.memref_slice %arg7[%add3A_166, %dma_wait3A_167] : memref<160x64xi32, #tpu.memory_space<vmem>> -> memref<1x64xi32, #tpu.memory_space<vmem>>
      %dma_wait3A_169 = tpu.memref_squeeze %dma_wait3A_168 : memref<1x64xi32, #tpu.memory_space<vmem>> -> memref<64xi32, #tpu.memory_space<vmem>>
      %dma_wait3A_170 = arith.constant 0 : i32
      %dma_wait3A_171 = arith.constant 0 : i32
      %dma_wait3A_172 = tpu.memref_slice %arg14[%dma_wait3A_170, %dma_wait3A_171] : memref<10240x64xf32, #tpu.memory_space<vmem_shared>> -> memref<10240x64xf32, #tpu.memory_space<vmem_shared>>
      tpu.wait_indirect_dma semaphore(%arg15 : memref<!tpu.dma_semaphore, #tpu.memory_space<semaphore_mem>>) src(%dma_wait3A_172 : memref<10240x64xf32, #tpu.memory_space<vmem_shared>>) dst(%arg9 : memref<64x64xf32, #tpu.memory_space<vmem>>)
      %sub3A_173 = arith.constant 3 : i32
      %sub3A_174 = arith.subi %add3A_166, %sub3A_173 : i32
      %dma_wait3A_175 = arith.constant 0 : i32
      %dma_wait3A_176 = tpu.memref_slice %arg8[%sub3A_174, %dma_wait3A_175] : memref<160x64xi32, #tpu.memory_space<vmem>> -> memref<1x64xi32, #tpu.memory_space<vmem>>
      %dma_wait3A_177 = tpu.memref_squeeze %dma_wait3A_176 : memref<1x64xi32, #tpu.memory_space<vmem>> -> memref<64xi32, #tpu.memory_space<vmem>>
      %dma_wait3A_178 = arith.constant 0 : i32
      %dma_wait3A_179 = arith.constant 0 : i32
      %dma_wait3A_180 = tpu.memref_slice %arg13[%dma_wait3A_178, %dma_wait3A_179] : memref<10240x64xf32, #tpu.memory_space<vmem_shared>> -> memref<10240x64xf32, #tpu.memory_space<vmem_shared>>
      tpu.wait_indirect_dma semaphore(%arg20 : memref<!tpu.dma_semaphore, #tpu.memory_space<semaphore_mem>>) src(%arg10 : memref<64x64xf32, #tpu.memory_space<vmem>>) dst(%dma_wait3A_180 : memref<10240x64xf32, #tpu.memory_space<vmem_shared>>)
      %add3A_181 = arith.constant 1 : i32
      %add3A_182 = arith.addi %add3A_166, %add3A_181 : i32
      %dma_start3A_183 = arith.constant 0 : i32
      %dma_start3A_184 = tpu.memref_slice %arg7[%add3A_182, %dma_start3A_183] : memref<160x64xi32, #tpu.memory_space<vmem>> -> memref<1x64xi32, #tpu.memory_space<vmem>>
      %dma_start3A_185 = tpu.memref_squeeze %dma_start3A_184 : memref<1x64xi32, #tpu.memory_space<vmem>> -> memref<64xi32, #tpu.memory_space<vmem>>
      %dma_start3A_186 = arith.constant 0 : i32
      %dma_start3A_187 = arith.constant 0 : i32
      %dma_start3A_188 = tpu.memref_slice %arg14[%dma_start3A_186, %dma_start3A_187] : memref<10240x64xf32, #tpu.memory_space<vmem_shared>> -> memref<10240x64xf32, #tpu.memory_space<vmem_shared>>
      tpu.enqueue_indirect_dma source(%dma_start3A_188 : memref<10240x64xf32, #tpu.memory_space<vmem_shared>>) target(%arg10 : memref<64x64xf32, #tpu.memory_space<vmem>>) offsets(%dma_start3A_185 : memref<64xi32, #tpu.memory_space<vmem>>) semaphore(%arg16 : memref<!tpu.dma_semaphore, #tpu.memory_space<semaphore_mem>>)
      %dma_start3A_189 = arith.constant 0 : i32
      %dma_start3A_190 = tpu.memref_slice %arg8[%add3A_166, %dma_start3A_189] : memref<160x64xi32, #tpu.memory_space<vmem>> -> memref<1x64xi32, #tpu.memory_space<vmem>>
      %dma_start3A_191 = tpu.memref_squeeze %dma_start3A_190 : memref<1x64xi32, #tpu.memory_space<vmem>> -> memref<64xi32, #tpu.memory_space<vmem>>
      %dma_start3A_192 = arith.constant 0 : i32
      %dma_start3A_193 = arith.constant 0 : i32
      %dma_start3A_194 = tpu.memref_slice %arg13[%dma_start3A_192, %dma_start3A_193] : memref<10240x64xf32, #tpu.memory_space<vmem_shared>> -> memref<10240x64xf32, #tpu.memory_space<vmem_shared>>
      tpu.enqueue_indirect_dma source(%arg9 : memref<64x64xf32, #tpu.memory_space<vmem>>) target(%dma_start3A_194 : memref<10240x64xf32, #tpu.memory_space<vmem_shared>>) offsets(%dma_start3A_191 : memref<64xi32, #tpu.memory_space<vmem>>) semaphore(%arg19 : memref<!tpu.dma_semaphore, #tpu.memory_space<semaphore_mem>>) {add = true}
      %mul3A_195 = arith.constant 4 : i32
      %mul3A_196 = arith.muli %scan3A_127, %mul3A_195 : i32
      %add3A_197 = arith.constant 3 : i32
      %add3A_198 = arith.addi %add3A_197, %mul3A_196 : i32
      %add3A_199 = arith.constant 2 : i32
      %add3A_200 = arith.addi %add3A_198, %add3A_199 : i32
      %dma_wait3A_201 = arith.constant 0 : i32
      %dma_wait3A_202 = tpu.memref_slice %arg7[%add3A_200, %dma_wait3A_201] : memref<160x64xi32, #tpu.memory_space<vmem>> -> memref<1x64xi32, #tpu.memory_space<vmem>>
      %dma_wait3A_203 = tpu.memref_squeeze %dma_wait3A_202 : memref<1x64xi32, #tpu.memory_space<vmem>> -> memref<64xi32, #tpu.memory_space<vmem>>
      %dma_wait3A_204 = arith.constant 0 : i32
      %dma_wait3A_205 = arith.constant 0 : i32
      %dma_wait3A_206 = tpu.memref_slice %arg14[%dma_wait3A_204, %dma_wait3A_205] : memref<10240x64xf32, #tpu.memory_space<vmem_shared>> -> memref<10240x64xf32, #tpu.memory_space<vmem_shared>>
      tpu.wait_indirect_dma semaphore(%arg16 : memref<!tpu.dma_semaphore, #tpu.memory_space<semaphore_mem>>) src(%dma_wait3A_206 : memref<10240x64xf32, #tpu.memory_space<vmem_shared>>) dst(%arg10 : memref<64x64xf32, #tpu.memory_space<vmem>>)
      %sub3A_207 = arith.constant 3 : i32
      %sub3A_208 = arith.subi %add3A_200, %sub3A_207 : i32
      %dma_wait3A_209 = arith.constant 0 : i32
      %dma_wait3A_210 = tpu.memref_slice %arg8[%sub3A_208, %dma_wait3A_209] : memref<160x64xi32, #tpu.memory_space<vmem>> -> memref<1x64xi32, #tpu.memory_space<vmem>>
      %dma_wait3A_211 = tpu.memref_squeeze %dma_wait3A_210 : memref<1x64xi32, #tpu.memory_space<vmem>> -> memref<64xi32, #tpu.memory_space<vmem>>
      %dma_wait3A_212 = arith.constant 0 : i32
      %dma_wait3A_213 = arith.constant 0 : i32
      %dma_wait3A_214 = tpu.memref_slice %arg13[%dma_wait3A_212, %dma_wait3A_213] : memref<10240x64xf32, #tpu.memory_space<vmem_shared>> -> memref<10240x64xf32, #tpu.memory_space<vmem_shared>>
      tpu.wait_indirect_dma semaphore(%arg21 : memref<!tpu.dma_semaphore, #tpu.memory_space<semaphore_mem>>) src(%arg11 : memref<64x64xf32, #tpu.memory_space<vmem>>) dst(%dma_wait3A_214 : memref<10240x64xf32, #tpu.memory_space<vmem_shared>>)
      %add3A_215 = arith.constant 1 : i32
      %add3A_216 = arith.addi %add3A_200, %add3A_215 : i32
      %dma_start3A_217 = arith.constant 0 : i32
      %dma_start3A_218 = tpu.memref_slice %arg7[%add3A_216, %dma_start3A_217] : memref<160x64xi32, #tpu.memory_space<vmem>> -> memref<1x64xi32, #tpu.memory_space<vmem>>
      %dma_start3A_219 = tpu.memref_squeeze %dma_start3A_218 : memref<1x64xi32, #tpu.memory_space<vmem>> -> memref<64xi32, #tpu.memory_space<vmem>>
      %dma_start3A_220 = arith.constant 0 : i32
      %dma_start3A_221 = arith.constant 0 : i32
      %dma_start3A_222 = tpu.memref_slice %arg14[%dma_start3A_220, %dma_start3A_221] : memref<10240x64xf32, #tpu.memory_space<vmem_shared>> -> memref<10240x64xf32, #tpu.memory_space<vmem_shared>>
      tpu.enqueue_indirect_dma source(%dma_start3A_222 : memref<10240x64xf32, #tpu.memory_space<vmem_shared>>) target(%arg11 : memref<64x64xf32, #tpu.memory_space<vmem>>) offsets(%dma_start3A_219 : memref<64xi32, #tpu.memory_space<vmem>>) semaphore(%arg17 : memref<!tpu.dma_semaphore, #tpu.memory_space<semaphore_mem>>)
      %dma_start3A_223 = arith.constant 0 : i32
      %dma_start3A_224 = tpu.memref_slice %arg8[%add3A_200, %dma_start3A_223] : memref<160x64xi32, #tpu.memory_space<vmem>> -> memref<1x64xi32, #tpu.memory_space<vmem>>
      %dma_start3A_225 = tpu.memref_squeeze %dma_start3A_224 : memref<1x64xi32, #tpu.memory_space<vmem>> -> memref<64xi32, #tpu.memory_space<vmem>>
      %dma_start3A_226 = arith.constant 0 : i32
      %dma_start3A_227 = arith.constant 0 : i32
      %dma_start3A_228 = tpu.memref_slice %arg13[%dma_start3A_226, %dma_start3A_227] : memref<10240x64xf32, #tpu.memory_space<vmem_shared>> -> memref<10240x64xf32, #tpu.memory_space<vmem_shared>>
      tpu.enqueue_indirect_dma source(%arg10 : memref<64x64xf32, #tpu.memory_space<vmem>>) target(%dma_start3A_228 : memref<10240x64xf32, #tpu.memory_space<vmem_shared>>) offsets(%dma_start3A_225 : memref<64xi32, #tpu.memory_space<vmem>>) semaphore(%arg20 : memref<!tpu.dma_semaphore, #tpu.memory_space<semaphore_mem>>) {add = true}
      %mul3A_229 = arith.constant 4 : i32
      %mul3A_230 = arith.muli %scan3A_127, %mul3A_229 : i32
      %add3A_231 = arith.constant 3 : i32
      %add3A_232 = arith.addi %add3A_231, %mul3A_230 : i32
      %add3A_233 = arith.constant 3 : i32
      %add3A_234 = arith.addi %add3A_232, %add3A_233 : i32
      %dma_wait3A_235 = arith.constant 0 : i32
      %dma_wait3A_236 = tpu.memref_slice %arg7[%add3A_234, %dma_wait3A_235] : memref<160x64xi32, #tpu.memory_space<vmem>> -> memref<1x64xi32, #tpu.memory_space<vmem>>
      %dma_wait3A_237 = tpu.memref_squeeze %dma_wait3A_236 : memref<1x64xi32, #tpu.memory_space<vmem>> -> memref<64xi32, #tpu.memory_space<vmem>>
      %dma_wait3A_238 = arith.constant 0 : i32
      %dma_wait3A_239 = arith.constant 0 : i32
      %dma_wait3A_240 = tpu.memref_slice %arg14[%dma_wait3A_238, %dma_wait3A_239] : memref<10240x64xf32, #tpu.memory_space<vmem_shared>> -> memref<10240x64xf32, #tpu.memory_space<vmem_shared>>
      tpu.wait_indirect_dma semaphore(%arg17 : memref<!tpu.dma_semaphore, #tpu.memory_space<semaphore_mem>>) src(%dma_wait3A_240 : memref<10240x64xf32, #tpu.memory_space<vmem_shared>>) dst(%arg11 : memref<64x64xf32, #tpu.memory_space<vmem>>)
      %sub3A_241 = arith.constant 3 : i32
      %sub3A_242 = arith.subi %add3A_234, %sub3A_241 : i32
      %dma_wait3A_243 = arith.constant 0 : i32
      %dma_wait3A_244 = tpu.memref_slice %arg8[%sub3A_242, %dma_wait3A_243] : memref<160x64xi32, #tpu.memory_space<vmem>> -> memref<1x64xi32, #tpu.memory_space<vmem>>
      %dma_wait3A_245 = tpu.memref_squeeze %dma_wait3A_244 : memref<1x64xi32, #tpu.memory_space<vmem>> -> memref<64xi32, #tpu.memory_space<vmem>>
      %dma_wait3A_246 = arith.constant 0 : i32
      %dma_wait3A_247 = arith.constant 0 : i32
      %dma_wait3A_248 = tpu.memref_slice %arg13[%dma_wait3A_246, %dma_wait3A_247] : memref<10240x64xf32, #tpu.memory_space<vmem_shared>> -> memref<10240x64xf32, #tpu.memory_space<vmem_shared>>
      tpu.wait_indirect_dma semaphore(%arg22 : memref<!tpu.dma_semaphore, #tpu.memory_space<semaphore_mem>>) src(%arg12 : memref<64x64xf32, #tpu.memory_space<vmem>>) dst(%dma_wait3A_248 : memref<10240x64xf32, #tpu.memory_space<vmem_shared>>)
      %add3A_249 = arith.constant 1 : i32
      %add3A_250 = arith.addi %add3A_234, %add3A_249 : i32
      %dma_start3A_251 = arith.constant 0 : i32
      %dma_start3A_252 = tpu.memref_slice %arg7[%add3A_250, %dma_start3A_251] : memref<160x64xi32, #tpu.memory_space<vmem>> -> memref<1x64xi32, #tpu.memory_space<vmem>>
      %dma_start3A_253 = tpu.memref_squeeze %dma_start3A_252 : memref<1x64xi32, #tpu.memory_space<vmem>> -> memref<64xi32, #tpu.memory_space<vmem>>
      %dma_start3A_254 = arith.constant 0 : i32
      %dma_start3A_255 = arith.constant 0 : i32
      %dma_start3A_256 = tpu.memref_slice %arg14[%dma_start3A_254, %dma_start3A_255] : memref<10240x64xf32, #tpu.memory_space<vmem_shared>> -> memref<10240x64xf32, #tpu.memory_space<vmem_shared>>
      tpu.enqueue_indirect_dma source(%dma_start3A_256 : memref<10240x64xf32, #tpu.memory_space<vmem_shared>>) target(%arg12 : memref<64x64xf32, #tpu.memory_space<vmem>>) offsets(%dma_start3A_253 : memref<64xi32, #tpu.memory_space<vmem>>) semaphore(%arg18 : memref<!tpu.dma_semaphore, #tpu.memory_space<semaphore_mem>>)
      %dma_start3A_257 = arith.constant 0 : i32
      %dma_start3A_258 = tpu.memref_slice %arg8[%add3A_234, %dma_start3A_257] : memref<160x64xi32, #tpu.memory_space<vmem>> -> memref<1x64xi32, #tpu.memory_space<vmem>>
      %dma_start3A_259 = tpu.memref_squeeze %dma_start3A_258 : memref<1x64xi32, #tpu.memory_space<vmem>> -> memref<64xi32, #tpu.memory_space<vmem>>
      %dma_start3A_260 = arith.constant 0 : i32
      %dma_start3A_261 = arith.constant 0 : i32
      %dma_start3A_262 = tpu.memref_slice %arg13[%dma_start3A_260, %dma_start3A_261] : memref<10240x64xf32, #tpu.memory_space<vmem_shared>> -> memref<10240x64xf32, #tpu.memory_space<vmem_shared>>
      tpu.enqueue_indirect_dma source(%arg11 : memref<64x64xf32, #tpu.memory_space<vmem>>) target(%dma_start3A_262 : memref<10240x64xf32, #tpu.memory_space<vmem_shared>>) offsets(%dma_start3A_259 : memref<64xi32, #tpu.memory_space<vmem>>) semaphore(%arg21 : memref<!tpu.dma_semaphore, #tpu.memory_space<semaphore_mem>>) {add = true}
    }
    %scan3A_79 = arith.constant 39 : i32
    %dma_wait3A_80 = arith.constant 159 : i32
    %dma_wait3A_81 = arith.constant 0 : i32
    %dma_wait3A_82 = tpu.memref_slice %arg7[%dma_wait3A_80, %dma_wait3A_81] : memref<160x64xi32, #tpu.memory_space<vmem>> -> memref<1x64xi32, #tpu.memory_space<vmem>>
    %dma_wait3A_83 = tpu.memref_squeeze %dma_wait3A_82 : memref<1x64xi32, #tpu.memory_space<vmem>> -> memref<64xi32, #tpu.memory_space<vmem>>
    %dma_wait3A_84 = arith.constant 0 : i32
    %dma_wait3A_85 = arith.constant 0 : i32
    %dma_wait3A_86 = tpu.memref_slice %arg14[%dma_wait3A_84, %dma_wait3A_85] : memref<10240x64xf32, #tpu.memory_space<vmem_shared>> -> memref<10240x64xf32, #tpu.memory_space<vmem_shared>>
    tpu.wait_indirect_dma semaphore(%arg18 : memref<!tpu.dma_semaphore, #tpu.memory_space<semaphore_mem>>) src(%dma_wait3A_86 : memref<10240x64xf32, #tpu.memory_space<vmem_shared>>) dst(%arg12 : memref<64x64xf32, #tpu.memory_space<vmem>>)
    %dma_wait3A_87 = arith.constant 156 : i32
    %dma_wait3A_88 = arith.constant 0 : i32
    %dma_wait3A_89 = tpu.memref_slice %arg8[%dma_wait3A_87, %dma_wait3A_88] : memref<160x64xi32, #tpu.memory_space<vmem>> -> memref<1x64xi32, #tpu.memory_space<vmem>>
    %dma_wait3A_90 = tpu.memref_squeeze %dma_wait3A_89 : memref<1x64xi32, #tpu.memory_space<vmem>> -> memref<64xi32, #tpu.memory_space<vmem>>
    %dma_wait3A_91 = arith.constant 0 : i32
    %dma_wait3A_92 = arith.constant 0 : i32
    %dma_wait3A_93 = tpu.memref_slice %arg13[%dma_wait3A_91, %dma_wait3A_92] : memref<10240x64xf32, #tpu.memory_space<vmem_shared>> -> memref<10240x64xf32, #tpu.memory_space<vmem_shared>>
    tpu.wait_indirect_dma semaphore(%arg19 : memref<!tpu.dma_semaphore, #tpu.memory_space<semaphore_mem>>) src(%arg9 : memref<64x64xf32, #tpu.memory_space<vmem>>) dst(%dma_wait3A_93 : memref<10240x64xf32, #tpu.memory_space<vmem_shared>>)
    %dma_start3A_94 = arith.constant 159 : i32
    %dma_start3A_95 = arith.constant 0 : i32
    %dma_start3A_96 = tpu.memref_slice %arg8[%dma_start3A_94, %dma_start3A_95] : memref<160x64xi32, #tpu.memory_space<vmem>> -> memref<1x64xi32, #tpu.memory_space<vmem>>
    %dma_start3A_97 = tpu.memref_squeeze %dma_start3A_96 : memref<1x64xi32, #tpu.memory_space<vmem>> -> memref<64xi32, #tpu.memory_space<vmem>>
    %dma_start3A_98 = arith.constant 0 : i32
    %dma_start3A_99 = arith.constant 0 : i32
    %dma_start3A_100 = tpu.memref_slice %arg13[%dma_start3A_98, %dma_start3A_99] : memref<10240x64xf32, #tpu.memory_space<vmem_shared>> -> memref<10240x64xf32, #tpu.memory_space<vmem_shared>>
    tpu.enqueue_indirect_dma source(%arg12 : memref<64x64xf32, #tpu.memory_space<vmem>>) target(%dma_start3A_100 : memref<10240x64xf32, #tpu.memory_space<vmem_shared>>) offsets(%dma_start3A_97 : memref<64xi32, #tpu.memory_space<vmem>>) semaphore(%arg22 : memref<!tpu.dma_semaphore, #tpu.memory_space<semaphore_mem>>) {add = true}
    %dma_wait3A_101 = arith.constant 157 : i32
    %dma_wait3A_102 = arith.constant 0 : i32
    %dma_wait3A_103 = tpu.memref_slice %arg8[%dma_wait3A_101, %dma_wait3A_102] : memref<160x64xi32, #tpu.memory_space<vmem>> -> memref<1x64xi32, #tpu.memory_space<vmem>>
    %dma_wait3A_104 = tpu.memref_squeeze %dma_wait3A_103 : memref<1x64xi32, #tpu.memory_space<vmem>> -> memref<64xi32, #tpu.memory_space<vmem>>
    %dma_wait3A_105 = arith.constant 0 : i32
    %dma_wait3A_106 = arith.constant 0 : i32
    %dma_wait3A_107 = tpu.memref_slice %arg13[%dma_wait3A_105, %dma_wait3A_106] : memref<10240x64xf32, #tpu.memory_space<vmem_shared>> -> memref<10240x64xf32, #tpu.memory_space<vmem_shared>>
    tpu.wait_indirect_dma semaphore(%arg20 : memref<!tpu.dma_semaphore, #tpu.memory_space<semaphore_mem>>) src(%arg10 : memref<64x64xf32, #tpu.memory_space<vmem>>) dst(%dma_wait3A_107 : memref<10240x64xf32, #tpu.memory_space<vmem_shared>>)
    %dma_wait3A_108 = arith.constant 158 : i32
    %dma_wait3A_109 = arith.constant 0 : i32
    %dma_wait3A_110 = tpu.memref_slice %arg8[%dma_wait3A_108, %dma_wait3A_109] : memref<160x64xi32, #tpu.memory_space<vmem>> -> memref<1x64xi32, #tpu.memory_space<vmem>>
    %dma_wait3A_111 = tpu.memref_squeeze %dma_wait3A_110 : memref<1x64xi32, #tpu.memory_space<vmem>> -> memref<64xi32, #tpu.memory_space<vmem>>
    %dma_wait3A_112 = arith.constant 0 : i32
    %dma_wait3A_113 = arith.constant 0 : i32
    %dma_wait3A_114 = tpu.memref_slice %arg13[%dma_wait3A_112, %dma_wait3A_113] : memref<10240x64xf32, #tpu.memory_space<vmem_shared>> -> memref<10240x64xf32, #tpu.memory_space<vmem_shared>>
    tpu.wait_indirect_dma semaphore(%arg21 : memref<!tpu.dma_semaphore, #tpu.memory_space<semaphore_mem>>) src(%arg11 : memref<64x64xf32, #tpu.memory_space<vmem>>) dst(%dma_wait3A_114 : memref<10240x64xf32, #tpu.memory_space<vmem_shared>>)
    %dma_wait3A_115 = arith.constant 159 : i32
    %dma_wait3A_116 = arith.constant 0 : i32
    %dma_wait3A_117 = tpu.memref_slice %arg8[%dma_wait3A_115, %dma_wait3A_116] : memref<160x64xi32, #tpu.memory_space<vmem>> -> memref<1x64xi32, #tpu.memory_space<vmem>>
    %dma_wait3A_118 = tpu.memref_squeeze %dma_wait3A_117 : memref<1x64xi32, #tpu.memory_space<vmem>> -> memref<64xi32, #tpu.memory_space<vmem>>
    %dma_wait3A_119 = arith.constant 0 : i32
    %dma_wait3A_120 = arith.constant 0 : i32
    %dma_wait3A_121 = tpu.memref_slice %arg13[%dma_wait3A_119, %dma_wait3A_120] : memref<10240x64xf32, #tpu.memory_space<vmem_shared>> -> memref<10240x64xf32, #tpu.memory_space<vmem_shared>>
    tpu.wait_indirect_dma semaphore(%arg22 : memref<!tpu.dma_semaphore, #tpu.memory_space<semaphore_mem>>) src(%arg12 : memref<64x64xf32, #tpu.memory_space<vmem>>) dst(%dma_wait3A_121 : memref<10240x64xf32, #tpu.memory_space<vmem_shared>>)
    %barrier3A_122 = arith.constant 0 : index
    tpu.barrier barrier_id(%barrier3A_122)
    %mul3A_123 = arith.constant 640 : i32
    %mul3A_124 = arith.muli %arg1, %mul3A_123 : i32
    %mul3A_125 = arith.constant 640 : i32
    %mul3A_126 = arith.muli %arg1, %mul3A_125 : i32
    "tpu.region"() ({
      %run_scoped3A = tpu.sem_alloc : memref<!tpu.dma_semaphore, #tpu.memory_space<semaphore_mem>>
      %dma_start3A_127 = arith.constant 0 : i32
      %dma_start3A_128 = tpu.memref_slice %arg6[%arg0, %mul3A_126, %dma_start3A_127] : memref<2x10240x64xf32, #tpu.memory_space<hbm>> -> memref<1x640x64xf32, #tpu.memory_space<hbm>>
      %dma_start3A_129 = tpu.memref_squeeze %dma_start3A_128 : memref<1x640x64xf32, #tpu.memory_space<hbm>> -> memref<640x64xf32, #tpu.memory_space<hbm>>
      %dma_start3A_130 = arith.constant 0 : i32
      %dma_start3A_131 = tpu.memref_slice %arg13[%mul3A_124, %dma_start3A_130] : memref<10240x64xf32, #tpu.memory_space<vmem_shared>> -> memref<640x64xf32, #tpu.memory_space<vmem_shared>>
      tpu.enqueue_dma source(%dma_start3A_131 : memref<640x64xf32, #tpu.memory_space<vmem_shared>>) target(%dma_start3A_129 : memref<640x64xf32, #tpu.memory_space<hbm>>) target_semaphore(%run_scoped3A : memref<!tpu.dma_semaphore, #tpu.memory_space<semaphore_mem>>)
      %dma_wait3A_132 = arith.constant 0 : i32
      %dma_wait3A_133 = tpu.memref_slice %arg6[%arg0, %mul3A_126, %dma_wait3A_132] : memref<2x10240x64xf32, #tpu.memory_space<hbm>> -> memref<1x640x64xf32, #tpu.memory_space<hbm>>
      %dma_wait3A_134 = tpu.memref_squeeze %dma_wait3A_133 : memref<1x640x64xf32, #tpu.memory_space<hbm>> -> memref<640x64xf32, #tpu.memory_space<hbm>>
      %dma_wait3A_135 = arith.constant 0 : i32
      %dma_wait3A_136 = tpu.memref_slice %arg13[%mul3A_124, %dma_wait3A_135] : memref<10240x64xf32, #tpu.memory_space<vmem_shared>> -> memref<640x64xf32, #tpu.memory_space<vmem_shared>>
      tpu.wait_dma2 semaphore(%run_scoped3A : memref<!tpu.dma_semaphore, #tpu.memory_space<semaphore_mem>>) src(%dma_wait3A_136 : memref<640x64xf32, #tpu.memory_space<vmem_shared>>) dst(%dma_wait3A_134 : memref<640x64xf32, #tpu.memory_space<hbm>>)
      tpu.yield
    }) : () -> ()
    return
  }
}

#map = affine_map<(d0, d1) -> (0, 0)>
#map1 = affine_map<(d0, d1) -> (0, 0, 0)>
module attributes {stable_mosaic.version = 14 : i64} {
  func.func @k(%arg0: i32, %arg1: i32, %arg2: memref<10240x32xf32, #tpu.memory_space<hbm>>, %arg3: memref<32x80x128xi32, #tpu.memory_space<hbm>>, %arg4: memref<32x80x128xi32, #tpu.memory_space<hbm>>, %arg5: memref<640x32xf32, #tpu.memory_space<hbm>>, %arg6: memref<2x10240x32xf32, #tpu.memory_space<hbm>>, %arg7: memref<80x128xi32, #tpu.memory_space<vmem>>, %arg8: memref<80x128xi32, #tpu.memory_space<vmem>>, %arg9: memref<128x32xf32, #tpu.memory_space<vmem>>, %arg10: memref<128x32xf32, #tpu.memory_space<vmem>>, %arg11: memref<128x32xf32, #tpu.memory_space<vmem>>, %arg12: memref<128x32xf32, #tpu.memory_space<vmem>>, %arg13: memref<10240x32xf32, #tpu.memory_space<vmem_shared>>, %arg14: memref<10240x32xf32, #tpu.memory_space<vmem_shared>>, %arg15: memref<!tpu.dma_semaphore, #tpu.memory_space<semaphore_mem>>, %arg16: memref<!tpu.dma_semaphore, #tpu.memory_space<semaphore_mem>>, %arg17: memref<!tpu.dma_semaphore, #tpu.memory_space<semaphore_mem>>, %arg18: memref<!tpu.dma_semaphore, #tpu.memory_space<semaphore_mem>>, %arg19: memref<!tpu.dma_semaphore, #tpu.memory_space<semaphore_mem>>, %arg20: memref<!tpu.dma_semaphore, #tpu.memory_space<semaphore_mem>>, %arg21: memref<!tpu.dma_semaphore, #tpu.memory_space<semaphore_mem>>, %arg22: memref<!tpu.dma_semaphore, #tpu.memory_space<semaphore_mem>>) attributes {dimension_semantics = [#tpu.dimension_semantics<core_parallel>, #tpu.dimension_semantics<subcore_parallel>], iteration_bounds = array<i64: 2, 16>, scalar_prefetch = 0 : i64, scratch_operands = 16 : i64, tpu.core_type = #tpu.core_type<sc_vector_subcore>, window_params = [{transform_indices = #map}, {transform_indices = #map1}, {transform_indices = #map1}, {transform_indices = #map}, {transform_indices = #map1}]} {
    %mul3A = arith.constant 16 : i32
    %mul3A_0 = arith.muli %arg0, %mul3A : i32
    %add3A = arith.addi %mul3A_0, %arg1 : i32
    %mul3A_1 = arith.constant 640 : i32
    %mul3A_2 = arith.muli %arg1, %mul3A_1 : i32
    "tpu.region"() ({
      %run_scoped3A = tpu.sem_alloc : memref<!tpu.dma_semaphore, #tpu.memory_space<semaphore_mem>>
      %dma_start3A_127 = arith.constant 0 : i32
      %dma_start3A_128 = tpu.memref_slice %arg13[%mul3A_2, %dma_start3A_127] : memref<10240x32xf32, #tpu.memory_space<vmem_shared>> -> memref<640x32xf32, #tpu.memory_space<vmem_shared>>
      tpu.enqueue_dma source(%arg5 : memref<640x32xf32, #tpu.memory_space<hbm>>) target(%dma_start3A_128 : memref<640x32xf32, #tpu.memory_space<vmem_shared>>) target_semaphore(%run_scoped3A : memref<!tpu.dma_semaphore, #tpu.memory_space<semaphore_mem>>)
      %dma_wait3A_129 = arith.constant 0 : i32
      %dma_wait3A_130 = tpu.memref_slice %arg13[%mul3A_2, %dma_wait3A_129] : memref<10240x32xf32, #tpu.memory_space<vmem_shared>> -> memref<640x32xf32, #tpu.memory_space<vmem_shared>>
      tpu.wait_dma2 semaphore(%run_scoped3A : memref<!tpu.dma_semaphore, #tpu.memory_space<semaphore_mem>>) src(%arg5 : memref<640x32xf32, #tpu.memory_space<hbm>>) dst(%dma_wait3A_130 : memref<640x32xf32, #tpu.memory_space<vmem_shared>>)
      tpu.yield
    }) : () -> ()
    %mul3A_3 = arith.constant 640 : i32
    %mul3A_4 = arith.muli %arg1, %mul3A_3 : i32
    %mul3A_5 = arith.constant 640 : i32
    %mul3A_6 = arith.muli %arg1, %mul3A_5 : i32
    "tpu.region"() ({
      %run_scoped3A = tpu.sem_alloc : memref<!tpu.dma_semaphore, #tpu.memory_space<semaphore_mem>>
      %dma_start3A_127 = arith.constant 0 : i32
      %dma_start3A_128 = tpu.memref_slice %arg14[%mul3A_6, %dma_start3A_127] : memref<10240x32xf32, #tpu.memory_space<vmem_shared>> -> memref<640x32xf32, #tpu.memory_space<vmem_shared>>
      %dma_start3A_129 = arith.constant 0 : i32
      %dma_start3A_130 = tpu.memref_slice %arg2[%mul3A_4, %dma_start3A_129] : memref<10240x32xf32, #tpu.memory_space<hbm>> -> memref<640x32xf32, #tpu.memory_space<hbm>>
      tpu.enqueue_dma source(%dma_start3A_130 : memref<640x32xf32, #tpu.memory_space<hbm>>) target(%dma_start3A_128 : memref<640x32xf32, #tpu.memory_space<vmem_shared>>) target_semaphore(%run_scoped3A : memref<!tpu.dma_semaphore, #tpu.memory_space<semaphore_mem>>)
      %dma_wait3A_131 = arith.constant 0 : i32
      %dma_wait3A_132 = tpu.memref_slice %arg14[%mul3A_6, %dma_wait3A_131] : memref<10240x32xf32, #tpu.memory_space<vmem_shared>> -> memref<640x32xf32, #tpu.memory_space<vmem_shared>>
      %dma_wait3A_133 = arith.constant 0 : i32
      %dma_wait3A_134 = tpu.memref_slice %arg2[%mul3A_4, %dma_wait3A_133] : memref<10240x32xf32, #tpu.memory_space<hbm>> -> memref<640x32xf32, #tpu.memory_space<hbm>>
      tpu.wait_dma2 semaphore(%run_scoped3A : memref<!tpu.dma_semaphore, #tpu.memory_space<semaphore_mem>>) src(%dma_wait3A_134 : memref<640x32xf32, #tpu.memory_space<hbm>>) dst(%dma_wait3A_132 : memref<640x32xf32, #tpu.memory_space<vmem_shared>>)
      tpu.yield
    }) : () -> ()
    "tpu.region"() ({
      %run_scoped3A = tpu.sem_alloc : memref<!tpu.dma_semaphore, #tpu.memory_space<semaphore_mem>>
      %dma_start3A_127 = arith.constant 0 : i32
      %dma_start3A_128 = arith.constant 0 : i32
      %dma_start3A_129 = tpu.memref_slice %arg3[%add3A, %dma_start3A_127, %dma_start3A_128] : memref<32x80x128xi32, #tpu.memory_space<hbm>> -> memref<1x80x128xi32, #tpu.memory_space<hbm>>
      %dma_start3A_130 = tpu.memref_squeeze %dma_start3A_129 : memref<1x80x128xi32, #tpu.memory_space<hbm>> -> memref<80x128xi32, #tpu.memory_space<hbm>>
      %dma_start3A_131 = arith.constant 0 : i32
      %dma_start3A_132 = arith.constant 0 : i32
      %dma_start3A_133 = tpu.memref_slice %arg3[%add3A, %dma_start3A_131, %dma_start3A_132] : memref<32x80x128xi32, #tpu.memory_space<hbm>> -> memref<1x80x128xi32, #tpu.memory_space<hbm>>
      %dma_start3A_134 = tpu.memref_squeeze %dma_start3A_133 : memref<1x80x128xi32, #tpu.memory_space<hbm>> -> memref<80x128xi32, #tpu.memory_space<hbm>>
      tpu.enqueue_dma source(%dma_start3A_134 : memref<80x128xi32, #tpu.memory_space<hbm>>) target(%arg7 : memref<80x128xi32, #tpu.memory_space<vmem>>) target_semaphore(%run_scoped3A : memref<!tpu.dma_semaphore, #tpu.memory_space<semaphore_mem>>)
      %dma_wait3A_135 = arith.constant 0 : i32
      %dma_wait3A_136 = arith.constant 0 : i32
      %dma_wait3A_137 = tpu.memref_slice %arg3[%add3A, %dma_wait3A_135, %dma_wait3A_136] : memref<32x80x128xi32, #tpu.memory_space<hbm>> -> memref<1x80x128xi32, #tpu.memory_space<hbm>>
      %dma_wait3A_138 = tpu.memref_squeeze %dma_wait3A_137 : memref<1x80x128xi32, #tpu.memory_space<hbm>> -> memref<80x128xi32, #tpu.memory_space<hbm>>
      %dma_wait3A_139 = arith.constant 0 : i32
      %dma_wait3A_140 = arith.constant 0 : i32
      %dma_wait3A_141 = tpu.memref_slice %arg3[%add3A, %dma_wait3A_139, %dma_wait3A_140] : memref<32x80x128xi32, #tpu.memory_space<hbm>> -> memref<1x80x128xi32, #tpu.memory_space<hbm>>
      %dma_wait3A_142 = tpu.memref_squeeze %dma_wait3A_141 : memref<1x80x128xi32, #tpu.memory_space<hbm>> -> memref<80x128xi32, #tpu.memory_space<hbm>>
      tpu.wait_dma2 semaphore(%run_scoped3A : memref<!tpu.dma_semaphore, #tpu.memory_space<semaphore_mem>>) src(%dma_wait3A_142 : memref<80x128xi32, #tpu.memory_space<hbm>>) dst(%arg7 : memref<80x128xi32, #tpu.memory_space<vmem>>)
      tpu.yield
    }) : () -> ()
    "tpu.region"() ({
      %run_scoped3A = tpu.sem_alloc : memref<!tpu.dma_semaphore, #tpu.memory_space<semaphore_mem>>
      %dma_start3A_127 = arith.constant 0 : i32
      %dma_start3A_128 = arith.constant 0 : i32
      %dma_start3A_129 = tpu.memref_slice %arg4[%add3A, %dma_start3A_127, %dma_start3A_128] : memref<32x80x128xi32, #tpu.memory_space<hbm>> -> memref<1x80x128xi32, #tpu.memory_space<hbm>>
      %dma_start3A_130 = tpu.memref_squeeze %dma_start3A_129 : memref<1x80x128xi32, #tpu.memory_space<hbm>> -> memref<80x128xi32, #tpu.memory_space<hbm>>
      %dma_start3A_131 = arith.constant 0 : i32
      %dma_start3A_132 = arith.constant 0 : i32
      %dma_start3A_133 = tpu.memref_slice %arg4[%add3A, %dma_start3A_131, %dma_start3A_132] : memref<32x80x128xi32, #tpu.memory_space<hbm>> -> memref<1x80x128xi32, #tpu.memory_space<hbm>>
      %dma_start3A_134 = tpu.memref_squeeze %dma_start3A_133 : memref<1x80x128xi32, #tpu.memory_space<hbm>> -> memref<80x128xi32, #tpu.memory_space<hbm>>
      tpu.enqueue_dma source(%dma_start3A_134 : memref<80x128xi32, #tpu.memory_space<hbm>>) target(%arg8 : memref<80x128xi32, #tpu.memory_space<vmem>>) target_semaphore(%run_scoped3A : memref<!tpu.dma_semaphore, #tpu.memory_space<semaphore_mem>>)
      %dma_wait3A_135 = arith.constant 0 : i32
      %dma_wait3A_136 = arith.constant 0 : i32
      %dma_wait3A_137 = tpu.memref_slice %arg4[%add3A, %dma_wait3A_135, %dma_wait3A_136] : memref<32x80x128xi32, #tpu.memory_space<hbm>> -> memref<1x80x128xi32, #tpu.memory_space<hbm>>
      %dma_wait3A_138 = tpu.memref_squeeze %dma_wait3A_137 : memref<1x80x128xi32, #tpu.memory_space<hbm>> -> memref<80x128xi32, #tpu.memory_space<hbm>>
      %dma_wait3A_139 = arith.constant 0 : i32
      %dma_wait3A_140 = arith.constant 0 : i32
      %dma_wait3A_141 = tpu.memref_slice %arg4[%add3A, %dma_wait3A_139, %dma_wait3A_140] : memref<32x80x128xi32, #tpu.memory_space<hbm>> -> memref<1x80x128xi32, #tpu.memory_space<hbm>>
      %dma_wait3A_142 = tpu.memref_squeeze %dma_wait3A_141 : memref<1x80x128xi32, #tpu.memory_space<hbm>> -> memref<80x128xi32, #tpu.memory_space<hbm>>
      tpu.wait_dma2 semaphore(%run_scoped3A : memref<!tpu.dma_semaphore, #tpu.memory_space<semaphore_mem>>) src(%dma_wait3A_142 : memref<80x128xi32, #tpu.memory_space<hbm>>) dst(%arg8 : memref<80x128xi32, #tpu.memory_space<vmem>>)
      tpu.yield
    }) : () -> ()
    %barrier3A = arith.constant 0 : index
    tpu.barrier barrier_id(%barrier3A)
    %dma_start3A = arith.constant 0 : i32
    %dma_start3A_7 = arith.constant 0 : i32
    %dma_start3A_8 = tpu.memref_slice %arg7[%dma_start3A, %dma_start3A_7] : memref<80x128xi32, #tpu.memory_space<vmem>> -> memref<1x128xi32, #tpu.memory_space<vmem>>
    %dma_start3A_9 = tpu.memref_squeeze %dma_start3A_8 : memref<1x128xi32, #tpu.memory_space<vmem>> -> memref<128xi32, #tpu.memory_space<vmem>>
    %dma_start3A_10 = arith.constant 0 : i32
    %dma_start3A_11 = arith.constant 0 : i32
    %dma_start3A_12 = tpu.memref_slice %arg14[%dma_start3A_10, %dma_start3A_11] : memref<10240x32xf32, #tpu.memory_space<vmem_shared>> -> memref<10240x32xf32, #tpu.memory_space<vmem_shared>>
    tpu.enqueue_indirect_dma source(%dma_start3A_12 : memref<10240x32xf32, #tpu.memory_space<vmem_shared>>) target(%arg9 : memref<128x32xf32, #tpu.memory_space<vmem>>) offsets(%dma_start3A_9 : memref<128xi32, #tpu.memory_space<vmem>>) semaphore(%arg15 : memref<!tpu.dma_semaphore, #tpu.memory_space<semaphore_mem>>)
    %dma_wait3A = arith.constant 0 : i32
    %dma_wait3A_13 = arith.constant 0 : i32
    %dma_wait3A_14 = tpu.memref_slice %arg7[%dma_wait3A, %dma_wait3A_13] : memref<80x128xi32, #tpu.memory_space<vmem>> -> memref<1x128xi32, #tpu.memory_space<vmem>>
    %dma_wait3A_15 = tpu.memref_squeeze %dma_wait3A_14 : memref<1x128xi32, #tpu.memory_space<vmem>> -> memref<128xi32, #tpu.memory_space<vmem>>
    %dma_wait3A_16 = arith.constant 0 : i32
    %dma_wait3A_17 = arith.constant 0 : i32
    %dma_wait3A_18 = tpu.memref_slice %arg14[%dma_wait3A_16, %dma_wait3A_17] : memref<10240x32xf32, #tpu.memory_space<vmem_shared>> -> memref<10240x32xf32, #tpu.memory_space<vmem_shared>>
    tpu.wait_indirect_dma semaphore(%arg15 : memref<!tpu.dma_semaphore, #tpu.memory_space<semaphore_mem>>) src(%dma_wait3A_18 : memref<10240x32xf32, #tpu.memory_space<vmem_shared>>) dst(%arg9 : memref<128x32xf32, #tpu.memory_space<vmem>>)
    %dma_start3A_19 = arith.constant 1 : i32
    %dma_start3A_20 = arith.constant 0 : i32
    %dma_start3A_21 = tpu.memref_slice %arg7[%dma_start3A_19, %dma_start3A_20] : memref<80x128xi32, #tpu.memory_space<vmem>> -> memref<1x128xi32, #tpu.memory_space<vmem>>
    %dma_start3A_22 = tpu.memref_squeeze %dma_start3A_21 : memref<1x128xi32, #tpu.memory_space<vmem>> -> memref<128xi32, #tpu.memory_space<vmem>>
    %dma_start3A_23 = arith.constant 0 : i32
    %dma_start3A_24 = arith.constant 0 : i32
    %dma_start3A_25 = tpu.memref_slice %arg14[%dma_start3A_23, %dma_start3A_24] : memref<10240x32xf32, #tpu.memory_space<vmem_shared>> -> memref<10240x32xf32, #tpu.memory_space<vmem_shared>>
    tpu.enqueue_indirect_dma source(%dma_start3A_25 : memref<10240x32xf32, #tpu.memory_space<vmem_shared>>) target(%arg10 : memref<128x32xf32, #tpu.memory_space<vmem>>) offsets(%dma_start3A_22 : memref<128xi32, #tpu.memory_space<vmem>>) semaphore(%arg16 : memref<!tpu.dma_semaphore, #tpu.memory_space<semaphore_mem>>)
    %dma_start3A_26 = arith.constant 0 : i32
    %dma_start3A_27 = arith.constant 0 : i32
    %dma_start3A_28 = tpu.memref_slice %arg8[%dma_start3A_26, %dma_start3A_27] : memref<80x128xi32, #tpu.memory_space<vmem>> -> memref<1x128xi32, #tpu.memory_space<vmem>>
    %dma_start3A_29 = tpu.memref_squeeze %dma_start3A_28 : memref<1x128xi32, #tpu.memory_space<vmem>> -> memref<128xi32, #tpu.memory_space<vmem>>
    %dma_start3A_30 = arith.constant 0 : i32
    %dma_start3A_31 = arith.constant 0 : i32
    %dma_start3A_32 = tpu.memref_slice %arg13[%dma_start3A_30, %dma_start3A_31] : memref<10240x32xf32, #tpu.memory_space<vmem_shared>> -> memref<10240x32xf32, #tpu.memory_space<vmem_shared>>
    tpu.enqueue_indirect_dma source(%arg9 : memref<128x32xf32, #tpu.memory_space<vmem>>) target(%dma_start3A_32 : memref<10240x32xf32, #tpu.memory_space<vmem_shared>>) offsets(%dma_start3A_29 : memref<128xi32, #tpu.memory_space<vmem>>) semaphore(%arg19 : memref<!tpu.dma_semaphore, #tpu.memory_space<semaphore_mem>>) {add = true}
    %dma_wait3A_33 = arith.constant 1 : i32
    %dma_wait3A_34 = arith.constant 0 : i32
    %dma_wait3A_35 = tpu.memref_slice %arg7[%dma_wait3A_33, %dma_wait3A_34] : memref<80x128xi32, #tpu.memory_space<vmem>> -> memref<1x128xi32, #tpu.memory_space<vmem>>
    %dma_wait3A_36 = tpu.memref_squeeze %dma_wait3A_35 : memref<1x128xi32, #tpu.memory_space<vmem>> -> memref<128xi32, #tpu.memory_space<vmem>>
    %dma_wait3A_37 = arith.constant 0 : i32
    %dma_wait3A_38 = arith.constant 0 : i32
    %dma_wait3A_39 = tpu.memref_slice %arg14[%dma_wait3A_37, %dma_wait3A_38] : memref<10240x32xf32, #tpu.memory_space<vmem_shared>> -> memref<10240x32xf32, #tpu.memory_space<vmem_shared>>
    tpu.wait_indirect_dma semaphore(%arg16 : memref<!tpu.dma_semaphore, #tpu.memory_space<semaphore_mem>>) src(%dma_wait3A_39 : memref<10240x32xf32, #tpu.memory_space<vmem_shared>>) dst(%arg10 : memref<128x32xf32, #tpu.memory_space<vmem>>)
    %dma_start3A_40 = arith.constant 2 : i32
    %dma_start3A_41 = arith.constant 0 : i32
    %dma_start3A_42 = tpu.memref_slice %arg7[%dma_start3A_40, %dma_start3A_41] : memref<80x128xi32, #tpu.memory_space<vmem>> -> memref<1x128xi32, #tpu.memory_space<vmem>>
    %dma_start3A_43 = tpu.memref_squeeze %dma_start3A_42 : memref<1x128xi32, #tpu.memory_space<vmem>> -> memref<128xi32, #tpu.memory_space<vmem>>
    %dma_start3A_44 = arith.constant 0 : i32
    %dma_start3A_45 = arith.constant 0 : i32
    %dma_start3A_46 = tpu.memref_slice %arg14[%dma_start3A_44, %dma_start3A_45] : memref<10240x32xf32, #tpu.memory_space<vmem_shared>> -> memref<10240x32xf32, #tpu.memory_space<vmem_shared>>
    tpu.enqueue_indirect_dma source(%dma_start3A_46 : memref<10240x32xf32, #tpu.memory_space<vmem_shared>>) target(%arg11 : memref<128x32xf32, #tpu.memory_space<vmem>>) offsets(%dma_start3A_43 : memref<128xi32, #tpu.memory_space<vmem>>) semaphore(%arg17 : memref<!tpu.dma_semaphore, #tpu.memory_space<semaphore_mem>>)
    %dma_start3A_47 = arith.constant 1 : i32
    %dma_start3A_48 = arith.constant 0 : i32
    %dma_start3A_49 = tpu.memref_slice %arg8[%dma_start3A_47, %dma_start3A_48] : memref<80x128xi32, #tpu.memory_space<vmem>> -> memref<1x128xi32, #tpu.memory_space<vmem>>
    %dma_start3A_50 = tpu.memref_squeeze %dma_start3A_49 : memref<1x128xi32, #tpu.memory_space<vmem>> -> memref<128xi32, #tpu.memory_space<vmem>>
    %dma_start3A_51 = arith.constant 0 : i32
    %dma_start3A_52 = arith.constant 0 : i32
    %dma_start3A_53 = tpu.memref_slice %arg13[%dma_start3A_51, %dma_start3A_52] : memref<10240x32xf32, #tpu.memory_space<vmem_shared>> -> memref<10240x32xf32, #tpu.memory_space<vmem_shared>>
    tpu.enqueue_indirect_dma source(%arg10 : memref<128x32xf32, #tpu.memory_space<vmem>>) target(%dma_start3A_53 : memref<10240x32xf32, #tpu.memory_space<vmem_shared>>) offsets(%dma_start3A_50 : memref<128xi32, #tpu.memory_space<vmem>>) semaphore(%arg20 : memref<!tpu.dma_semaphore, #tpu.memory_space<semaphore_mem>>) {add = true}
    %dma_wait3A_54 = arith.constant 2 : i32
    %dma_wait3A_55 = arith.constant 0 : i32
    %dma_wait3A_56 = tpu.memref_slice %arg7[%dma_wait3A_54, %dma_wait3A_55] : memref<80x128xi32, #tpu.memory_space<vmem>> -> memref<1x128xi32, #tpu.memory_space<vmem>>
    %dma_wait3A_57 = tpu.memref_squeeze %dma_wait3A_56 : memref<1x128xi32, #tpu.memory_space<vmem>> -> memref<128xi32, #tpu.memory_space<vmem>>
    %dma_wait3A_58 = arith.constant 0 : i32
    %dma_wait3A_59 = arith.constant 0 : i32
    %dma_wait3A_60 = tpu.memref_slice %arg14[%dma_wait3A_58, %dma_wait3A_59] : memref<10240x32xf32, #tpu.memory_space<vmem_shared>> -> memref<10240x32xf32, #tpu.memory_space<vmem_shared>>
    tpu.wait_indirect_dma semaphore(%arg17 : memref<!tpu.dma_semaphore, #tpu.memory_space<semaphore_mem>>) src(%dma_wait3A_60 : memref<10240x32xf32, #tpu.memory_space<vmem_shared>>) dst(%arg11 : memref<128x32xf32, #tpu.memory_space<vmem>>)
    %dma_start3A_61 = arith.constant 3 : i32
    %dma_start3A_62 = arith.constant 0 : i32
    %dma_start3A_63 = tpu.memref_slice %arg7[%dma_start3A_61, %dma_start3A_62] : memref<80x128xi32, #tpu.memory_space<vmem>> -> memref<1x128xi32, #tpu.memory_space<vmem>>
    %dma_start3A_64 = tpu.memref_squeeze %dma_start3A_63 : memref<1x128xi32, #tpu.memory_space<vmem>> -> memref<128xi32, #tpu.memory_space<vmem>>
    %dma_start3A_65 = arith.constant 0 : i32
    %dma_start3A_66 = arith.constant 0 : i32
    %dma_start3A_67 = tpu.memref_slice %arg14[%dma_start3A_65, %dma_start3A_66] : memref<10240x32xf32, #tpu.memory_space<vmem_shared>> -> memref<10240x32xf32, #tpu.memory_space<vmem_shared>>
    tpu.enqueue_indirect_dma source(%dma_start3A_67 : memref<10240x32xf32, #tpu.memory_space<vmem_shared>>) target(%arg12 : memref<128x32xf32, #tpu.memory_space<vmem>>) offsets(%dma_start3A_64 : memref<128xi32, #tpu.memory_space<vmem>>) semaphore(%arg18 : memref<!tpu.dma_semaphore, #tpu.memory_space<semaphore_mem>>)
    %dma_start3A_68 = arith.constant 2 : i32
    %dma_start3A_69 = arith.constant 0 : i32
    %dma_start3A_70 = tpu.memref_slice %arg8[%dma_start3A_68, %dma_start3A_69] : memref<80x128xi32, #tpu.memory_space<vmem>> -> memref<1x128xi32, #tpu.memory_space<vmem>>
    %dma_start3A_71 = tpu.memref_squeeze %dma_start3A_70 : memref<1x128xi32, #tpu.memory_space<vmem>> -> memref<128xi32, #tpu.memory_space<vmem>>
    %dma_start3A_72 = arith.constant 0 : i32
    %dma_start3A_73 = arith.constant 0 : i32
    %dma_start3A_74 = tpu.memref_slice %arg13[%dma_start3A_72, %dma_start3A_73] : memref<10240x32xf32, #tpu.memory_space<vmem_shared>> -> memref<10240x32xf32, #tpu.memory_space<vmem_shared>>
    tpu.enqueue_indirect_dma source(%arg11 : memref<128x32xf32, #tpu.memory_space<vmem>>) target(%dma_start3A_74 : memref<10240x32xf32, #tpu.memory_space<vmem_shared>>) offsets(%dma_start3A_71 : memref<128xi32, #tpu.memory_space<vmem>>) semaphore(%arg21 : memref<!tpu.dma_semaphore, #tpu.memory_space<semaphore_mem>>) {add = true}
    %scan3A = arith.constant 0 : i32
    %scan3A_75 = arith.constant 0 : i32
    %scan3A_76 = arith.constant 19 : i32
    %scan3A_77 = arith.addi %scan3A_75, %scan3A_76 : i32
    %scan3A_78 = arith.constant 1 : i32
    scf.for %scan3A_127 = %scan3A_75 to %scan3A_77 step %scan3A_78  : i32 {
      %mul3A_128 = arith.constant 4 : i32
      %mul3A_129 = arith.muli %scan3A_127, %mul3A_128 : i32
      %add3A_130 = arith.constant 3 : i32
      %add3A_131 = arith.addi %add3A_130, %mul3A_129 : i32
      %add3A_132 = arith.constant 0 : i32
      %add3A_133 = arith.addi %add3A_131, %add3A_132 : i32
      %dma_wait3A_134 = arith.constant 0 : i32
      %dma_wait3A_135 = tpu.memref_slice %arg7[%add3A_133, %dma_wait3A_134] : memref<80x128xi32, #tpu.memory_space<vmem>> -> memref<1x128xi32, #tpu.memory_space<vmem>>
      %dma_wait3A_136 = tpu.memref_squeeze %dma_wait3A_135 : memref<1x128xi32, #tpu.memory_space<vmem>> -> memref<128xi32, #tpu.memory_space<vmem>>
      %dma_wait3A_137 = arith.constant 0 : i32
      %dma_wait3A_138 = arith.constant 0 : i32
      %dma_wait3A_139 = tpu.memref_slice %arg14[%dma_wait3A_137, %dma_wait3A_138] : memref<10240x32xf32, #tpu.memory_space<vmem_shared>> -> memref<10240x32xf32, #tpu.memory_space<vmem_shared>>
      tpu.wait_indirect_dma semaphore(%arg18 : memref<!tpu.dma_semaphore, #tpu.memory_space<semaphore_mem>>) src(%dma_wait3A_139 : memref<10240x32xf32, #tpu.memory_space<vmem_shared>>) dst(%arg12 : memref<128x32xf32, #tpu.memory_space<vmem>>)
      %sub3A = arith.constant 3 : i32
      %sub3A_140 = arith.subi %add3A_133, %sub3A : i32
      %dma_wait3A_141 = arith.constant 0 : i32
      %dma_wait3A_142 = tpu.memref_slice %arg8[%sub3A_140, %dma_wait3A_141] : memref<80x128xi32, #tpu.memory_space<vmem>> -> memref<1x128xi32, #tpu.memory_space<vmem>>
      %dma_wait3A_143 = tpu.memref_squeeze %dma_wait3A_142 : memref<1x128xi32, #tpu.memory_space<vmem>> -> memref<128xi32, #tpu.memory_space<vmem>>
      %dma_wait3A_144 = arith.constant 0 : i32
      %dma_wait3A_145 = arith.constant 0 : i32
      %dma_wait3A_146 = tpu.memref_slice %arg13[%dma_wait3A_144, %dma_wait3A_145] : memref<10240x32xf32, #tpu.memory_space<vmem_shared>> -> memref<10240x32xf32, #tpu.memory_space<vmem_shared>>
      tpu.wait_indirect_dma semaphore(%arg19 : memref<!tpu.dma_semaphore, #tpu.memory_space<semaphore_mem>>) src(%arg9 : memref<128x32xf32, #tpu.memory_space<vmem>>) dst(%dma_wait3A_146 : memref<10240x32xf32, #tpu.memory_space<vmem_shared>>)
      %add3A_147 = arith.constant 1 : i32
      %add3A_148 = arith.addi %add3A_133, %add3A_147 : i32
      %dma_start3A_149 = arith.constant 0 : i32
      %dma_start3A_150 = tpu.memref_slice %arg7[%add3A_148, %dma_start3A_149] : memref<80x128xi32, #tpu.memory_space<vmem>> -> memref<1x128xi32, #tpu.memory_space<vmem>>
      %dma_start3A_151 = tpu.memref_squeeze %dma_start3A_150 : memref<1x128xi32, #tpu.memory_space<vmem>> -> memref<128xi32, #tpu.memory_space<vmem>>
      %dma_start3A_152 = arith.constant 0 : i32
      %dma_start3A_153 = arith.constant 0 : i32
      %dma_start3A_154 = tpu.memref_slice %arg14[%dma_start3A_152, %dma_start3A_153] : memref<10240x32xf32, #tpu.memory_space<vmem_shared>> -> memref<10240x32xf32, #tpu.memory_space<vmem_shared>>
      tpu.enqueue_indirect_dma source(%dma_start3A_154 : memref<10240x32xf32, #tpu.memory_space<vmem_shared>>) target(%arg9 : memref<128x32xf32, #tpu.memory_space<vmem>>) offsets(%dma_start3A_151 : memref<128xi32, #tpu.memory_space<vmem>>) semaphore(%arg15 : memref<!tpu.dma_semaphore, #tpu.memory_space<semaphore_mem>>)
      %dma_start3A_155 = arith.constant 0 : i32
      %dma_start3A_156 = tpu.memref_slice %arg8[%add3A_133, %dma_start3A_155] : memref<80x128xi32, #tpu.memory_space<vmem>> -> memref<1x128xi32, #tpu.memory_space<vmem>>
      %dma_start3A_157 = tpu.memref_squeeze %dma_start3A_156 : memref<1x128xi32, #tpu.memory_space<vmem>> -> memref<128xi32, #tpu.memory_space<vmem>>
      %dma_start3A_158 = arith.constant 0 : i32
      %dma_start3A_159 = arith.constant 0 : i32
      %dma_start3A_160 = tpu.memref_slice %arg13[%dma_start3A_158, %dma_start3A_159] : memref<10240x32xf32, #tpu.memory_space<vmem_shared>> -> memref<10240x32xf32, #tpu.memory_space<vmem_shared>>
      tpu.enqueue_indirect_dma source(%arg12 : memref<128x32xf32, #tpu.memory_space<vmem>>) target(%dma_start3A_160 : memref<10240x32xf32, #tpu.memory_space<vmem_shared>>) offsets(%dma_start3A_157 : memref<128xi32, #tpu.memory_space<vmem>>) semaphore(%arg22 : memref<!tpu.dma_semaphore, #tpu.memory_space<semaphore_mem>>) {add = true}
      %mul3A_161 = arith.constant 4 : i32
      %mul3A_162 = arith.muli %scan3A_127, %mul3A_161 : i32
      %add3A_163 = arith.constant 3 : i32
      %add3A_164 = arith.addi %add3A_163, %mul3A_162 : i32
      %add3A_165 = arith.constant 1 : i32
      %add3A_166 = arith.addi %add3A_164, %add3A_165 : i32
      %dma_wait3A_167 = arith.constant 0 : i32
      %dma_wait3A_168 = tpu.memref_slice %arg7[%add3A_166, %dma_wait3A_167] : memref<80x128xi32, #tpu.memory_space<vmem>> -> memref<1x128xi32, #tpu.memory_space<vmem>>
      %dma_wait3A_169 = tpu.memref_squeeze %dma_wait3A_168 : memref<1x128xi32, #tpu.memory_space<vmem>> -> memref<128xi32, #tpu.memory_space<vmem>>
      %dma_wait3A_170 = arith.constant 0 : i32
      %dma_wait3A_171 = arith.constant 0 : i32
      %dma_wait3A_172 = tpu.memref_slice %arg14[%dma_wait3A_170, %dma_wait3A_171] : memref<10240x32xf32, #tpu.memory_space<vmem_shared>> -> memref<10240x32xf32, #tpu.memory_space<vmem_shared>>
      tpu.wait_indirect_dma semaphore(%arg15 : memref<!tpu.dma_semaphore, #tpu.memory_space<semaphore_mem>>) src(%dma_wait3A_172 : memref<10240x32xf32, #tpu.memory_space<vmem_shared>>) dst(%arg9 : memref<128x32xf32, #tpu.memory_space<vmem>>)
      %sub3A_173 = arith.constant 3 : i32
      %sub3A_174 = arith.subi %add3A_166, %sub3A_173 : i32
      %dma_wait3A_175 = arith.constant 0 : i32
      %dma_wait3A_176 = tpu.memref_slice %arg8[%sub3A_174, %dma_wait3A_175] : memref<80x128xi32, #tpu.memory_space<vmem>> -> memref<1x128xi32, #tpu.memory_space<vmem>>
      %dma_wait3A_177 = tpu.memref_squeeze %dma_wait3A_176 : memref<1x128xi32, #tpu.memory_space<vmem>> -> memref<128xi32, #tpu.memory_space<vmem>>
      %dma_wait3A_178 = arith.constant 0 : i32
      %dma_wait3A_179 = arith.constant 0 : i32
      %dma_wait3A_180 = tpu.memref_slice %arg13[%dma_wait3A_178, %dma_wait3A_179] : memref<10240x32xf32, #tpu.memory_space<vmem_shared>> -> memref<10240x32xf32, #tpu.memory_space<vmem_shared>>
      tpu.wait_indirect_dma semaphore(%arg20 : memref<!tpu.dma_semaphore, #tpu.memory_space<semaphore_mem>>) src(%arg10 : memref<128x32xf32, #tpu.memory_space<vmem>>) dst(%dma_wait3A_180 : memref<10240x32xf32, #tpu.memory_space<vmem_shared>>)
      %add3A_181 = arith.constant 1 : i32
      %add3A_182 = arith.addi %add3A_166, %add3A_181 : i32
      %dma_start3A_183 = arith.constant 0 : i32
      %dma_start3A_184 = tpu.memref_slice %arg7[%add3A_182, %dma_start3A_183] : memref<80x128xi32, #tpu.memory_space<vmem>> -> memref<1x128xi32, #tpu.memory_space<vmem>>
      %dma_start3A_185 = tpu.memref_squeeze %dma_start3A_184 : memref<1x128xi32, #tpu.memory_space<vmem>> -> memref<128xi32, #tpu.memory_space<vmem>>
      %dma_start3A_186 = arith.constant 0 : i32
      %dma_start3A_187 = arith.constant 0 : i32
      %dma_start3A_188 = tpu.memref_slice %arg14[%dma_start3A_186, %dma_start3A_187] : memref<10240x32xf32, #tpu.memory_space<vmem_shared>> -> memref<10240x32xf32, #tpu.memory_space<vmem_shared>>
      tpu.enqueue_indirect_dma source(%dma_start3A_188 : memref<10240x32xf32, #tpu.memory_space<vmem_shared>>) target(%arg10 : memref<128x32xf32, #tpu.memory_space<vmem>>) offsets(%dma_start3A_185 : memref<128xi32, #tpu.memory_space<vmem>>) semaphore(%arg16 : memref<!tpu.dma_semaphore, #tpu.memory_space<semaphore_mem>>)
      %dma_start3A_189 = arith.constant 0 : i32
      %dma_start3A_190 = tpu.memref_slice %arg8[%add3A_166, %dma_start3A_189] : memref<80x128xi32, #tpu.memory_space<vmem>> -> memref<1x128xi32, #tpu.memory_space<vmem>>
      %dma_start3A_191 = tpu.memref_squeeze %dma_start3A_190 : memref<1x128xi32, #tpu.memory_space<vmem>> -> memref<128xi32, #tpu.memory_space<vmem>>
      %dma_start3A_192 = arith.constant 0 : i32
      %dma_start3A_193 = arith.constant 0 : i32
      %dma_start3A_194 = tpu.memref_slice %arg13[%dma_start3A_192, %dma_start3A_193] : memref<10240x32xf32, #tpu.memory_space<vmem_shared>> -> memref<10240x32xf32, #tpu.memory_space<vmem_shared>>
      tpu.enqueue_indirect_dma source(%arg9 : memref<128x32xf32, #tpu.memory_space<vmem>>) target(%dma_start3A_194 : memref<10240x32xf32, #tpu.memory_space<vmem_shared>>) offsets(%dma_start3A_191 : memref<128xi32, #tpu.memory_space<vmem>>) semaphore(%arg19 : memref<!tpu.dma_semaphore, #tpu.memory_space<semaphore_mem>>) {add = true}
      %mul3A_195 = arith.constant 4 : i32
      %mul3A_196 = arith.muli %scan3A_127, %mul3A_195 : i32
      %add3A_197 = arith.constant 3 : i32
      %add3A_198 = arith.addi %add3A_197, %mul3A_196 : i32
      %add3A_199 = arith.constant 2 : i32
      %add3A_200 = arith.addi %add3A_198, %add3A_199 : i32
      %dma_wait3A_201 = arith.constant 0 : i32
      %dma_wait3A_202 = tpu.memref_slice %arg7[%add3A_200, %dma_wait3A_201] : memref<80x128xi32, #tpu.memory_space<vmem>> -> memref<1x128xi32, #tpu.memory_space<vmem>>
      %dma_wait3A_203 = tpu.memref_squeeze %dma_wait3A_202 : memref<1x128xi32, #tpu.memory_space<vmem>> -> memref<128xi32, #tpu.memory_space<vmem>>
      %dma_wait3A_204 = arith.constant 0 : i32
      %dma_wait3A_205 = arith.constant 0 : i32
      %dma_wait3A_206 = tpu.memref_slice %arg14[%dma_wait3A_204, %dma_wait3A_205] : memref<10240x32xf32, #tpu.memory_space<vmem_shared>> -> memref<10240x32xf32, #tpu.memory_space<vmem_shared>>
      tpu.wait_indirect_dma semaphore(%arg16 : memref<!tpu.dma_semaphore, #tpu.memory_space<semaphore_mem>>) src(%dma_wait3A_206 : memref<10240x32xf32, #tpu.memory_space<vmem_shared>>) dst(%arg10 : memref<128x32xf32, #tpu.memory_space<vmem>>)
      %sub3A_207 = arith.constant 3 : i32
      %sub3A_208 = arith.subi %add3A_200, %sub3A_207 : i32
      %dma_wait3A_209 = arith.constant 0 : i32
      %dma_wait3A_210 = tpu.memref_slice %arg8[%sub3A_208, %dma_wait3A_209] : memref<80x128xi32, #tpu.memory_space<vmem>> -> memref<1x128xi32, #tpu.memory_space<vmem>>
      %dma_wait3A_211 = tpu.memref_squeeze %dma_wait3A_210 : memref<1x128xi32, #tpu.memory_space<vmem>> -> memref<128xi32, #tpu.memory_space<vmem>>
      %dma_wait3A_212 = arith.constant 0 : i32
      %dma_wait3A_213 = arith.constant 0 : i32
      %dma_wait3A_214 = tpu.memref_slice %arg13[%dma_wait3A_212, %dma_wait3A_213] : memref<10240x32xf32, #tpu.memory_space<vmem_shared>> -> memref<10240x32xf32, #tpu.memory_space<vmem_shared>>
      tpu.wait_indirect_dma semaphore(%arg21 : memref<!tpu.dma_semaphore, #tpu.memory_space<semaphore_mem>>) src(%arg11 : memref<128x32xf32, #tpu.memory_space<vmem>>) dst(%dma_wait3A_214 : memref<10240x32xf32, #tpu.memory_space<vmem_shared>>)
      %add3A_215 = arith.constant 1 : i32
      %add3A_216 = arith.addi %add3A_200, %add3A_215 : i32
      %dma_start3A_217 = arith.constant 0 : i32
      %dma_start3A_218 = tpu.memref_slice %arg7[%add3A_216, %dma_start3A_217] : memref<80x128xi32, #tpu.memory_space<vmem>> -> memref<1x128xi32, #tpu.memory_space<vmem>>
      %dma_start3A_219 = tpu.memref_squeeze %dma_start3A_218 : memref<1x128xi32, #tpu.memory_space<vmem>> -> memref<128xi32, #tpu.memory_space<vmem>>
      %dma_start3A_220 = arith.constant 0 : i32
      %dma_start3A_221 = arith.constant 0 : i32
      %dma_start3A_222 = tpu.memref_slice %arg14[%dma_start3A_220, %dma_start3A_221] : memref<10240x32xf32, #tpu.memory_space<vmem_shared>> -> memref<10240x32xf32, #tpu.memory_space<vmem_shared>>
      tpu.enqueue_indirect_dma source(%dma_start3A_222 : memref<10240x32xf32, #tpu.memory_space<vmem_shared>>) target(%arg11 : memref<128x32xf32, #tpu.memory_space<vmem>>) offsets(%dma_start3A_219 : memref<128xi32, #tpu.memory_space<vmem>>) semaphore(%arg17 : memref<!tpu.dma_semaphore, #tpu.memory_space<semaphore_mem>>)
      %dma_start3A_223 = arith.constant 0 : i32
      %dma_start3A_224 = tpu.memref_slice %arg8[%add3A_200, %dma_start3A_223] : memref<80x128xi32, #tpu.memory_space<vmem>> -> memref<1x128xi32, #tpu.memory_space<vmem>>
      %dma_start3A_225 = tpu.memref_squeeze %dma_start3A_224 : memref<1x128xi32, #tpu.memory_space<vmem>> -> memref<128xi32, #tpu.memory_space<vmem>>
      %dma_start3A_226 = arith.constant 0 : i32
      %dma_start3A_227 = arith.constant 0 : i32
      %dma_start3A_228 = tpu.memref_slice %arg13[%dma_start3A_226, %dma_start3A_227] : memref<10240x32xf32, #tpu.memory_space<vmem_shared>> -> memref<10240x32xf32, #tpu.memory_space<vmem_shared>>
      tpu.enqueue_indirect_dma source(%arg10 : memref<128x32xf32, #tpu.memory_space<vmem>>) target(%dma_start3A_228 : memref<10240x32xf32, #tpu.memory_space<vmem_shared>>) offsets(%dma_start3A_225 : memref<128xi32, #tpu.memory_space<vmem>>) semaphore(%arg20 : memref<!tpu.dma_semaphore, #tpu.memory_space<semaphore_mem>>) {add = true}
      %mul3A_229 = arith.constant 4 : i32
      %mul3A_230 = arith.muli %scan3A_127, %mul3A_229 : i32
      %add3A_231 = arith.constant 3 : i32
      %add3A_232 = arith.addi %add3A_231, %mul3A_230 : i32
      %add3A_233 = arith.constant 3 : i32
      %add3A_234 = arith.addi %add3A_232, %add3A_233 : i32
      %dma_wait3A_235 = arith.constant 0 : i32
      %dma_wait3A_236 = tpu.memref_slice %arg7[%add3A_234, %dma_wait3A_235] : memref<80x128xi32, #tpu.memory_space<vmem>> -> memref<1x128xi32, #tpu.memory_space<vmem>>
      %dma_wait3A_237 = tpu.memref_squeeze %dma_wait3A_236 : memref<1x128xi32, #tpu.memory_space<vmem>> -> memref<128xi32, #tpu.memory_space<vmem>>
      %dma_wait3A_238 = arith.constant 0 : i32
      %dma_wait3A_239 = arith.constant 0 : i32
      %dma_wait3A_240 = tpu.memref_slice %arg14[%dma_wait3A_238, %dma_wait3A_239] : memref<10240x32xf32, #tpu.memory_space<vmem_shared>> -> memref<10240x32xf32, #tpu.memory_space<vmem_shared>>
      tpu.wait_indirect_dma semaphore(%arg17 : memref<!tpu.dma_semaphore, #tpu.memory_space<semaphore_mem>>) src(%dma_wait3A_240 : memref<10240x32xf32, #tpu.memory_space<vmem_shared>>) dst(%arg11 : memref<128x32xf32, #tpu.memory_space<vmem>>)
      %sub3A_241 = arith.constant 3 : i32
      %sub3A_242 = arith.subi %add3A_234, %sub3A_241 : i32
      %dma_wait3A_243 = arith.constant 0 : i32
      %dma_wait3A_244 = tpu.memref_slice %arg8[%sub3A_242, %dma_wait3A_243] : memref<80x128xi32, #tpu.memory_space<vmem>> -> memref<1x128xi32, #tpu.memory_space<vmem>>
      %dma_wait3A_245 = tpu.memref_squeeze %dma_wait3A_244 : memref<1x128xi32, #tpu.memory_space<vmem>> -> memref<128xi32, #tpu.memory_space<vmem>>
      %dma_wait3A_246 = arith.constant 0 : i32
      %dma_wait3A_247 = arith.constant 0 : i32
      %dma_wait3A_248 = tpu.memref_slice %arg13[%dma_wait3A_246, %dma_wait3A_247] : memref<10240x32xf32, #tpu.memory_space<vmem_shared>> -> memref<10240x32xf32, #tpu.memory_space<vmem_shared>>
      tpu.wait_indirect_dma semaphore(%arg22 : memref<!tpu.dma_semaphore, #tpu.memory_space<semaphore_mem>>) src(%arg12 : memref<128x32xf32, #tpu.memory_space<vmem>>) dst(%dma_wait3A_248 : memref<10240x32xf32, #tpu.memory_space<vmem_shared>>)
      %add3A_249 = arith.constant 1 : i32
      %add3A_250 = arith.addi %add3A_234, %add3A_249 : i32
      %dma_start3A_251 = arith.constant 0 : i32
      %dma_start3A_252 = tpu.memref_slice %arg7[%add3A_250, %dma_start3A_251] : memref<80x128xi32, #tpu.memory_space<vmem>> -> memref<1x128xi32, #tpu.memory_space<vmem>>
      %dma_start3A_253 = tpu.memref_squeeze %dma_start3A_252 : memref<1x128xi32, #tpu.memory_space<vmem>> -> memref<128xi32, #tpu.memory_space<vmem>>
      %dma_start3A_254 = arith.constant 0 : i32
      %dma_start3A_255 = arith.constant 0 : i32
      %dma_start3A_256 = tpu.memref_slice %arg14[%dma_start3A_254, %dma_start3A_255] : memref<10240x32xf32, #tpu.memory_space<vmem_shared>> -> memref<10240x32xf32, #tpu.memory_space<vmem_shared>>
      tpu.enqueue_indirect_dma source(%dma_start3A_256 : memref<10240x32xf32, #tpu.memory_space<vmem_shared>>) target(%arg12 : memref<128x32xf32, #tpu.memory_space<vmem>>) offsets(%dma_start3A_253 : memref<128xi32, #tpu.memory_space<vmem>>) semaphore(%arg18 : memref<!tpu.dma_semaphore, #tpu.memory_space<semaphore_mem>>)
      %dma_start3A_257 = arith.constant 0 : i32
      %dma_start3A_258 = tpu.memref_slice %arg8[%add3A_234, %dma_start3A_257] : memref<80x128xi32, #tpu.memory_space<vmem>> -> memref<1x128xi32, #tpu.memory_space<vmem>>
      %dma_start3A_259 = tpu.memref_squeeze %dma_start3A_258 : memref<1x128xi32, #tpu.memory_space<vmem>> -> memref<128xi32, #tpu.memory_space<vmem>>
      %dma_start3A_260 = arith.constant 0 : i32
      %dma_start3A_261 = arith.constant 0 : i32
      %dma_start3A_262 = tpu.memref_slice %arg13[%dma_start3A_260, %dma_start3A_261] : memref<10240x32xf32, #tpu.memory_space<vmem_shared>> -> memref<10240x32xf32, #tpu.memory_space<vmem_shared>>
      tpu.enqueue_indirect_dma source(%arg11 : memref<128x32xf32, #tpu.memory_space<vmem>>) target(%dma_start3A_262 : memref<10240x32xf32, #tpu.memory_space<vmem_shared>>) offsets(%dma_start3A_259 : memref<128xi32, #tpu.memory_space<vmem>>) semaphore(%arg21 : memref<!tpu.dma_semaphore, #tpu.memory_space<semaphore_mem>>) {add = true}
    }
    %scan3A_79 = arith.constant 19 : i32
    %dma_wait3A_80 = arith.constant 79 : i32
    %dma_wait3A_81 = arith.constant 0 : i32
    %dma_wait3A_82 = tpu.memref_slice %arg7[%dma_wait3A_80, %dma_wait3A_81] : memref<80x128xi32, #tpu.memory_space<vmem>> -> memref<1x128xi32, #tpu.memory_space<vmem>>
    %dma_wait3A_83 = tpu.memref_squeeze %dma_wait3A_82 : memref<1x128xi32, #tpu.memory_space<vmem>> -> memref<128xi32, #tpu.memory_space<vmem>>
    %dma_wait3A_84 = arith.constant 0 : i32
    %dma_wait3A_85 = arith.constant 0 : i32
    %dma_wait3A_86 = tpu.memref_slice %arg14[%dma_wait3A_84, %dma_wait3A_85] : memref<10240x32xf32, #tpu.memory_space<vmem_shared>> -> memref<10240x32xf32, #tpu.memory_space<vmem_shared>>
    tpu.wait_indirect_dma semaphore(%arg18 : memref<!tpu.dma_semaphore, #tpu.memory_space<semaphore_mem>>) src(%dma_wait3A_86 : memref<10240x32xf32, #tpu.memory_space<vmem_shared>>) dst(%arg12 : memref<128x32xf32, #tpu.memory_space<vmem>>)
    %dma_wait3A_87 = arith.constant 76 : i32
    %dma_wait3A_88 = arith.constant 0 : i32
    %dma_wait3A_89 = tpu.memref_slice %arg8[%dma_wait3A_87, %dma_wait3A_88] : memref<80x128xi32, #tpu.memory_space<vmem>> -> memref<1x128xi32, #tpu.memory_space<vmem>>
    %dma_wait3A_90 = tpu.memref_squeeze %dma_wait3A_89 : memref<1x128xi32, #tpu.memory_space<vmem>> -> memref<128xi32, #tpu.memory_space<vmem>>
    %dma_wait3A_91 = arith.constant 0 : i32
    %dma_wait3A_92 = arith.constant 0 : i32
    %dma_wait3A_93 = tpu.memref_slice %arg13[%dma_wait3A_91, %dma_wait3A_92] : memref<10240x32xf32, #tpu.memory_space<vmem_shared>> -> memref<10240x32xf32, #tpu.memory_space<vmem_shared>>
    tpu.wait_indirect_dma semaphore(%arg19 : memref<!tpu.dma_semaphore, #tpu.memory_space<semaphore_mem>>) src(%arg9 : memref<128x32xf32, #tpu.memory_space<vmem>>) dst(%dma_wait3A_93 : memref<10240x32xf32, #tpu.memory_space<vmem_shared>>)
    %dma_start3A_94 = arith.constant 79 : i32
    %dma_start3A_95 = arith.constant 0 : i32
    %dma_start3A_96 = tpu.memref_slice %arg8[%dma_start3A_94, %dma_start3A_95] : memref<80x128xi32, #tpu.memory_space<vmem>> -> memref<1x128xi32, #tpu.memory_space<vmem>>
    %dma_start3A_97 = tpu.memref_squeeze %dma_start3A_96 : memref<1x128xi32, #tpu.memory_space<vmem>> -> memref<128xi32, #tpu.memory_space<vmem>>
    %dma_start3A_98 = arith.constant 0 : i32
    %dma_start3A_99 = arith.constant 0 : i32
    %dma_start3A_100 = tpu.memref_slice %arg13[%dma_start3A_98, %dma_start3A_99] : memref<10240x32xf32, #tpu.memory_space<vmem_shared>> -> memref<10240x32xf32, #tpu.memory_space<vmem_shared>>
    tpu.enqueue_indirect_dma source(%arg12 : memref<128x32xf32, #tpu.memory_space<vmem>>) target(%dma_start3A_100 : memref<10240x32xf32, #tpu.memory_space<vmem_shared>>) offsets(%dma_start3A_97 : memref<128xi32, #tpu.memory_space<vmem>>) semaphore(%arg22 : memref<!tpu.dma_semaphore, #tpu.memory_space<semaphore_mem>>) {add = true}
    %dma_wait3A_101 = arith.constant 77 : i32
    %dma_wait3A_102 = arith.constant 0 : i32
    %dma_wait3A_103 = tpu.memref_slice %arg8[%dma_wait3A_101, %dma_wait3A_102] : memref<80x128xi32, #tpu.memory_space<vmem>> -> memref<1x128xi32, #tpu.memory_space<vmem>>
    %dma_wait3A_104 = tpu.memref_squeeze %dma_wait3A_103 : memref<1x128xi32, #tpu.memory_space<vmem>> -> memref<128xi32, #tpu.memory_space<vmem>>
    %dma_wait3A_105 = arith.constant 0 : i32
    %dma_wait3A_106 = arith.constant 0 : i32
    %dma_wait3A_107 = tpu.memref_slice %arg13[%dma_wait3A_105, %dma_wait3A_106] : memref<10240x32xf32, #tpu.memory_space<vmem_shared>> -> memref<10240x32xf32, #tpu.memory_space<vmem_shared>>
    tpu.wait_indirect_dma semaphore(%arg20 : memref<!tpu.dma_semaphore, #tpu.memory_space<semaphore_mem>>) src(%arg10 : memref<128x32xf32, #tpu.memory_space<vmem>>) dst(%dma_wait3A_107 : memref<10240x32xf32, #tpu.memory_space<vmem_shared>>)
    %dma_wait3A_108 = arith.constant 78 : i32
    %dma_wait3A_109 = arith.constant 0 : i32
    %dma_wait3A_110 = tpu.memref_slice %arg8[%dma_wait3A_108, %dma_wait3A_109] : memref<80x128xi32, #tpu.memory_space<vmem>> -> memref<1x128xi32, #tpu.memory_space<vmem>>
    %dma_wait3A_111 = tpu.memref_squeeze %dma_wait3A_110 : memref<1x128xi32, #tpu.memory_space<vmem>> -> memref<128xi32, #tpu.memory_space<vmem>>
    %dma_wait3A_112 = arith.constant 0 : i32
    %dma_wait3A_113 = arith.constant 0 : i32
    %dma_wait3A_114 = tpu.memref_slice %arg13[%dma_wait3A_112, %dma_wait3A_113] : memref<10240x32xf32, #tpu.memory_space<vmem_shared>> -> memref<10240x32xf32, #tpu.memory_space<vmem_shared>>
    tpu.wait_indirect_dma semaphore(%arg21 : memref<!tpu.dma_semaphore, #tpu.memory_space<semaphore_mem>>) src(%arg11 : memref<128x32xf32, #tpu.memory_space<vmem>>) dst(%dma_wait3A_114 : memref<10240x32xf32, #tpu.memory_space<vmem_shared>>)
    %dma_wait3A_115 = arith.constant 79 : i32
    %dma_wait3A_116 = arith.constant 0 : i32
    %dma_wait3A_117 = tpu.memref_slice %arg8[%dma_wait3A_115, %dma_wait3A_116] : memref<80x128xi32, #tpu.memory_space<vmem>> -> memref<1x128xi32, #tpu.memory_space<vmem>>
    %dma_wait3A_118 = tpu.memref_squeeze %dma_wait3A_117 : memref<1x128xi32, #tpu.memory_space<vmem>> -> memref<128xi32, #tpu.memory_space<vmem>>
    %dma_wait3A_119 = arith.constant 0 : i32
    %dma_wait3A_120 = arith.constant 0 : i32
    %dma_wait3A_121 = tpu.memref_slice %arg13[%dma_wait3A_119, %dma_wait3A_120] : memref<10240x32xf32, #tpu.memory_space<vmem_shared>> -> memref<10240x32xf32, #tpu.memory_space<vmem_shared>>
    tpu.wait_indirect_dma semaphore(%arg22 : memref<!tpu.dma_semaphore, #tpu.memory_space<semaphore_mem>>) src(%arg12 : memref<128x32xf32, #tpu.memory_space<vmem>>) dst(%dma_wait3A_121 : memref<10240x32xf32, #tpu.memory_space<vmem_shared>>)
    %barrier3A_122 = arith.constant 0 : index
    tpu.barrier barrier_id(%barrier3A_122)
    %mul3A_123 = arith.constant 640 : i32
    %mul3A_124 = arith.muli %arg1, %mul3A_123 : i32
    %mul3A_125 = arith.constant 640 : i32
    %mul3A_126 = arith.muli %arg1, %mul3A_125 : i32
    "tpu.region"() ({
      %run_scoped3A = tpu.sem_alloc : memref<!tpu.dma_semaphore, #tpu.memory_space<semaphore_mem>>
      %dma_start3A_127 = arith.constant 0 : i32
      %dma_start3A_128 = tpu.memref_slice %arg6[%arg0, %mul3A_126, %dma_start3A_127] : memref<2x10240x32xf32, #tpu.memory_space<hbm>> -> memref<1x640x32xf32, #tpu.memory_space<hbm>>
      %dma_start3A_129 = tpu.memref_squeeze %dma_start3A_128 : memref<1x640x32xf32, #tpu.memory_space<hbm>> -> memref<640x32xf32, #tpu.memory_space<hbm>>
      %dma_start3A_130 = arith.constant 0 : i32
      %dma_start3A_131 = tpu.memref_slice %arg13[%mul3A_124, %dma_start3A_130] : memref<10240x32xf32, #tpu.memory_space<vmem_shared>> -> memref<640x32xf32, #tpu.memory_space<vmem_shared>>
      tpu.enqueue_dma source(%dma_start3A_131 : memref<640x32xf32, #tpu.memory_space<vmem_shared>>) target(%dma_start3A_129 : memref<640x32xf32, #tpu.memory_space<hbm>>) target_semaphore(%run_scoped3A : memref<!tpu.dma_semaphore, #tpu.memory_space<semaphore_mem>>)
      %dma_wait3A_132 = arith.constant 0 : i32
      %dma_wait3A_133 = tpu.memref_slice %arg6[%arg0, %mul3A_126, %dma_wait3A_132] : memref<2x10240x32xf32, #tpu.memory_space<hbm>> -> memref<1x640x32xf32, #tpu.memory_space<hbm>>
      %dma_wait3A_134 = tpu.memref_squeeze %dma_wait3A_133 : memref<1x640x32xf32, #tpu.memory_space<hbm>> -> memref<640x32xf32, #tpu.memory_space<hbm>>
      %dma_wait3A_135 = arith.constant 0 : i32
      %dma_wait3A_136 = tpu.memref_slice %arg13[%mul3A_124, %dma_wait3A_135] : memref<10240x32xf32, #tpu.memory_space<vmem_shared>> -> memref<640x32xf32, #tpu.memory_space<vmem_shared>>
      tpu.wait_dma2 semaphore(%run_scoped3A : memref<!tpu.dma_semaphore, #tpu.memory_space<semaphore_mem>>) src(%dma_wait3A_136 : memref<640x32xf32, #tpu.memory_space<vmem_shared>>) dst(%dma_wait3A_134 : memref<640x32xf32, #tpu.memory_space<hbm>>)
      tpu.yield
    }) : () -> ()
    return
  }
}

#map = affine_map<(d0, d1) -> (0, 0, 0)>
#map1 = affine_map<(d0, d1) -> (0, 0)>
module attributes {stable_mosaic.version = 14 : i64} {
  func.func @k(%arg0: i32, %arg1: i32, %arg2: memref<32x80x128xi32, #tpu.memory_space<hbm>>, %arg3: memref<128x8xf32, #tpu.memory_space<hbm>>, %arg4: memref<640x8xf32, #tpu.memory_space<hbm>>, %arg5: memref<2x10240x8xf32, #tpu.memory_space<hbm>>, %arg6: memref<80x128xi32, #tpu.memory_space<vmem>>, %arg7: memref<128x8xf32, #tpu.memory_space<vmem>>, %arg8: memref<10240x8xf32, #tpu.memory_space<vmem_shared>>) attributes {dimension_semantics = [#tpu.dimension_semantics<core_parallel>, #tpu.dimension_semantics<subcore_parallel>], iteration_bounds = array<i64: 2, 16>, scalar_prefetch = 0 : i64, scratch_operands = 3 : i64, tpu.core_type = #tpu.core_type<sc_vector_subcore>, window_params = [{transform_indices = #map}, {transform_indices = #map1}, {transform_indices = #map1}, {transform_indices = #map}]} {
    %mul3A = arith.constant 16 : i32
    %mul3A_0 = arith.muli %arg0, %mul3A : i32
    %add3A = arith.addi %mul3A_0, %arg1 : i32
    %mul3A_1 = arith.constant 640 : i32
    %mul3A_2 = arith.muli %arg1, %mul3A_1 : i32
    "tpu.region"() ({
      %run_scoped3A = tpu.sem_alloc : memref<!tpu.dma_semaphore, #tpu.memory_space<semaphore_mem>>
      %dma_start3A = arith.constant 0 : i32
      %dma_start3A_13 = tpu.memref_slice %arg8[%mul3A_2, %dma_start3A] : memref<10240x8xf32, #tpu.memory_space<vmem_shared>> -> memref<640x8xf32, #tpu.memory_space<vmem_shared>>
      tpu.enqueue_dma source(%arg4 : memref<640x8xf32, #tpu.memory_space<hbm>>) target(%dma_start3A_13 : memref<640x8xf32, #tpu.memory_space<vmem_shared>>) target_semaphore(%run_scoped3A : memref<!tpu.dma_semaphore, #tpu.memory_space<semaphore_mem>>)
      %dma_wait3A = arith.constant 0 : i32
      %dma_wait3A_14 = tpu.memref_slice %arg8[%mul3A_2, %dma_wait3A] : memref<10240x8xf32, #tpu.memory_space<vmem_shared>> -> memref<640x8xf32, #tpu.memory_space<vmem_shared>>
      tpu.wait_dma2 semaphore(%run_scoped3A : memref<!tpu.dma_semaphore, #tpu.memory_space<semaphore_mem>>) src(%arg4 : memref<640x8xf32, #tpu.memory_space<hbm>>) dst(%dma_wait3A_14 : memref<640x8xf32, #tpu.memory_space<vmem_shared>>)
      tpu.yield
    }) : () -> ()
    "tpu.region"() ({
      %run_scoped3A = tpu.sem_alloc : memref<!tpu.dma_semaphore, #tpu.memory_space<semaphore_mem>>
      %dma_start3A = arith.constant 0 : i32
      %dma_start3A_13 = arith.constant 0 : i32
      %dma_start3A_14 = tpu.memref_slice %arg2[%add3A, %dma_start3A, %dma_start3A_13] : memref<32x80x128xi32, #tpu.memory_space<hbm>> -> memref<1x80x128xi32, #tpu.memory_space<hbm>>
      %dma_start3A_15 = tpu.memref_squeeze %dma_start3A_14 : memref<1x80x128xi32, #tpu.memory_space<hbm>> -> memref<80x128xi32, #tpu.memory_space<hbm>>
      %dma_start3A_16 = arith.constant 0 : i32
      %dma_start3A_17 = arith.constant 0 : i32
      %dma_start3A_18 = tpu.memref_slice %arg2[%add3A, %dma_start3A_16, %dma_start3A_17] : memref<32x80x128xi32, #tpu.memory_space<hbm>> -> memref<1x80x128xi32, #tpu.memory_space<hbm>>
      %dma_start3A_19 = tpu.memref_squeeze %dma_start3A_18 : memref<1x80x128xi32, #tpu.memory_space<hbm>> -> memref<80x128xi32, #tpu.memory_space<hbm>>
      tpu.enqueue_dma source(%dma_start3A_19 : memref<80x128xi32, #tpu.memory_space<hbm>>) target(%arg6 : memref<80x128xi32, #tpu.memory_space<vmem>>) target_semaphore(%run_scoped3A : memref<!tpu.dma_semaphore, #tpu.memory_space<semaphore_mem>>)
      %dma_wait3A = arith.constant 0 : i32
      %dma_wait3A_20 = arith.constant 0 : i32
      %dma_wait3A_21 = tpu.memref_slice %arg2[%add3A, %dma_wait3A, %dma_wait3A_20] : memref<32x80x128xi32, #tpu.memory_space<hbm>> -> memref<1x80x128xi32, #tpu.memory_space<hbm>>
      %dma_wait3A_22 = tpu.memref_squeeze %dma_wait3A_21 : memref<1x80x128xi32, #tpu.memory_space<hbm>> -> memref<80x128xi32, #tpu.memory_space<hbm>>
      %dma_wait3A_23 = arith.constant 0 : i32
      %dma_wait3A_24 = arith.constant 0 : i32
      %dma_wait3A_25 = tpu.memref_slice %arg2[%add3A, %dma_wait3A_23, %dma_wait3A_24] : memref<32x80x128xi32, #tpu.memory_space<hbm>> -> memref<1x80x128xi32, #tpu.memory_space<hbm>>
      %dma_wait3A_26 = tpu.memref_squeeze %dma_wait3A_25 : memref<1x80x128xi32, #tpu.memory_space<hbm>> -> memref<80x128xi32, #tpu.memory_space<hbm>>
      tpu.wait_dma2 semaphore(%run_scoped3A : memref<!tpu.dma_semaphore, #tpu.memory_space<semaphore_mem>>) src(%dma_wait3A_26 : memref<80x128xi32, #tpu.memory_space<hbm>>) dst(%arg6 : memref<80x128xi32, #tpu.memory_space<vmem>>)
      tpu.yield
    }) : () -> ()
    "tpu.region"() ({
      %run_scoped3A = tpu.sem_alloc : memref<!tpu.dma_semaphore, #tpu.memory_space<semaphore_mem>>
      tpu.enqueue_dma source(%arg3 : memref<128x8xf32, #tpu.memory_space<hbm>>) target(%arg7 : memref<128x8xf32, #tpu.memory_space<vmem>>) target_semaphore(%run_scoped3A : memref<!tpu.dma_semaphore, #tpu.memory_space<semaphore_mem>>)
      tpu.wait_dma2 semaphore(%run_scoped3A : memref<!tpu.dma_semaphore, #tpu.memory_space<semaphore_mem>>) src(%arg3 : memref<128x8xf32, #tpu.memory_space<hbm>>) dst(%arg7 : memref<128x8xf32, #tpu.memory_space<vmem>>)
      tpu.yield
    }) : () -> ()
    %barrier3A = arith.constant 0 : index
    tpu.barrier barrier_id(%barrier3A)
    %scan3A = arith.constant 0 : i32
    %scan3A_3 = arith.constant 0 : i32
    %scan3A_4 = arith.constant 80 : i32
    %scan3A_5 = arith.addi %scan3A_3, %scan3A_4 : i32
    %scan3A_6 = arith.constant 1 : i32
    scf.for %scan3A_13 = %scan3A_3 to %scan3A_5 step %scan3A_6  : i32 {
      "tpu.region"() ({
        %run_scoped3A = tpu.sem_alloc : memref<!tpu.dma_semaphore, #tpu.memory_space<semaphore_mem>>
        %dma_start3A = arith.constant 0 : i32
        %dma_start3A_14 = tpu.memref_slice %arg6[%scan3A_13, %dma_start3A] : memref<80x128xi32, #tpu.memory_space<vmem>> -> memref<1x128xi32, #tpu.memory_space<vmem>>
        %dma_start3A_15 = tpu.memref_squeeze %dma_start3A_14 : memref<1x128xi32, #tpu.memory_space<vmem>> -> memref<128xi32, #tpu.memory_space<vmem>>
        %dma_start3A_16 = arith.constant 0 : i32
        %dma_start3A_17 = arith.constant 0 : i32
        %dma_start3A_18 = tpu.memref_slice %arg8[%dma_start3A_16, %dma_start3A_17] : memref<10240x8xf32, #tpu.memory_space<vmem_shared>> -> memref<10240x8xf32, #tpu.memory_space<vmem_shared>>
        tpu.enqueue_indirect_dma source(%arg7 : memref<128x8xf32, #tpu.memory_space<vmem>>) target(%dma_start3A_18 : memref<10240x8xf32, #tpu.memory_space<vmem_shared>>) offsets(%dma_start3A_15 : memref<128xi32, #tpu.memory_space<vmem>>) semaphore(%run_scoped3A : memref<!tpu.dma_semaphore, #tpu.memory_space<semaphore_mem>>) {add = true}
        %dma_wait3A = arith.constant 0 : i32
        %dma_wait3A_19 = tpu.memref_slice %arg6[%scan3A_13, %dma_wait3A] : memref<80x128xi32, #tpu.memory_space<vmem>> -> memref<1x128xi32, #tpu.memory_space<vmem>>
        %dma_wait3A_20 = tpu.memref_squeeze %dma_wait3A_19 : memref<1x128xi32, #tpu.memory_space<vmem>> -> memref<128xi32, #tpu.memory_space<vmem>>
        %dma_wait3A_21 = arith.constant 0 : i32
        %dma_wait3A_22 = arith.constant 0 : i32
        %dma_wait3A_23 = tpu.memref_slice %arg8[%dma_wait3A_21, %dma_wait3A_22] : memref<10240x8xf32, #tpu.memory_space<vmem_shared>> -> memref<10240x8xf32, #tpu.memory_space<vmem_shared>>
        tpu.wait_indirect_dma semaphore(%run_scoped3A : memref<!tpu.dma_semaphore, #tpu.memory_space<semaphore_mem>>) src(%arg7 : memref<128x8xf32, #tpu.memory_space<vmem>>) dst(%dma_wait3A_23 : memref<10240x8xf32, #tpu.memory_space<vmem_shared>>)
        tpu.yield
      }) : () -> ()
    }
    %scan3A_7 = arith.constant 80 : i32
    %barrier3A_8 = arith.constant 0 : index
    tpu.barrier barrier_id(%barrier3A_8)
    %mul3A_9 = arith.constant 640 : i32
    %mul3A_10 = arith.muli %arg1, %mul3A_9 : i32
    %mul3A_11 = arith.constant 640 : i32
    %mul3A_12 = arith.muli %arg1, %mul3A_11 : i32
    "tpu.region"() ({
      %run_scoped3A = tpu.sem_alloc : memref<!tpu.dma_semaphore, #tpu.memory_space<semaphore_mem>>
      %dma_start3A = arith.constant 0 : i32
      %dma_start3A_13 = tpu.memref_slice %arg5[%arg0, %mul3A_12, %dma_start3A] : memref<2x10240x8xf32, #tpu.memory_space<hbm>> -> memref<1x640x8xf32, #tpu.memory_space<hbm>>
      %dma_start3A_14 = tpu.memref_squeeze %dma_start3A_13 : memref<1x640x8xf32, #tpu.memory_space<hbm>> -> memref<640x8xf32, #tpu.memory_space<hbm>>
      %dma_start3A_15 = arith.constant 0 : i32
      %dma_start3A_16 = tpu.memref_slice %arg8[%mul3A_10, %dma_start3A_15] : memref<10240x8xf32, #tpu.memory_space<vmem_shared>> -> memref<640x8xf32, #tpu.memory_space<vmem_shared>>
      tpu.enqueue_dma source(%dma_start3A_16 : memref<640x8xf32, #tpu.memory_space<vmem_shared>>) target(%dma_start3A_14 : memref<640x8xf32, #tpu.memory_space<hbm>>) target_semaphore(%run_scoped3A : memref<!tpu.dma_semaphore, #tpu.memory_space<semaphore_mem>>)
      %dma_wait3A = arith.constant 0 : i32
      %dma_wait3A_17 = tpu.memref_slice %arg5[%arg0, %mul3A_12, %dma_wait3A] : memref<2x10240x8xf32, #tpu.memory_space<hbm>> -> memref<1x640x8xf32, #tpu.memory_space<hbm>>
      %dma_wait3A_18 = tpu.memref_squeeze %dma_wait3A_17 : memref<1x640x8xf32, #tpu.memory_space<hbm>> -> memref<640x8xf32, #tpu.memory_space<hbm>>
      %dma_wait3A_19 = arith.constant 0 : i32
      %dma_wait3A_20 = tpu.memref_slice %arg8[%mul3A_10, %dma_wait3A_19] : memref<10240x8xf32, #tpu.memory_space<vmem_shared>> -> memref<640x8xf32, #tpu.memory_space<vmem_shared>>
      tpu.wait_dma2 semaphore(%run_scoped3A : memref<!tpu.dma_semaphore, #tpu.memory_space<semaphore_mem>>) src(%dma_wait3A_20 : memref<640x8xf32, #tpu.memory_space<vmem_shared>>) dst(%dma_wait3A_18 : memref<640x8xf32, #tpu.memory_space<hbm>>)
      tpu.yield
    }) : () -> ()
    return
  }
}

#map = affine_map<(d0, d1) -> (0, 0)>
#map1 = affine_map<(d0, d1) -> (0, 0, 0)>
module attributes {stable_mosaic.version = 14 : i64} {
  func.func @k(%arg0: i32, %arg1: i32, %arg2: memref<10240x64xf32, #tpu.memory_space<hbm>>, %arg3: memref<32x160x64xi32, #tpu.memory_space<hbm>>, %arg4: memref<32x160x64xi32, #tpu.memory_space<hbm>>, %arg5: memref<640x64xf32, #tpu.memory_space<hbm>>, %arg6: memref<2x10240x64xf32, #tpu.memory_space<hbm>>, %arg7: memref<160x64xi32, #tpu.memory_space<vmem>>, %arg8: memref<160x64xi32, #tpu.memory_space<vmem>>, %arg9: memref<64x64xf32, #tpu.memory_space<vmem>>, %arg10: memref<64x64xf32, #tpu.memory_space<vmem>>, %arg11: memref<64x64xf32, #tpu.memory_space<vmem>>, %arg12: memref<64x64xf32, #tpu.memory_space<vmem>>, %arg13: memref<10240x64xf32, #tpu.memory_space<vmem_shared>>, %arg14: memref<10240x64xf32, #tpu.memory_space<vmem_shared>>, %arg15: memref<!tpu.dma_semaphore, #tpu.memory_space<semaphore_mem>>, %arg16: memref<!tpu.dma_semaphore, #tpu.memory_space<semaphore_mem>>, %arg17: memref<!tpu.dma_semaphore, #tpu.memory_space<semaphore_mem>>, %arg18: memref<!tpu.dma_semaphore, #tpu.memory_space<semaphore_mem>>, %arg19: memref<!tpu.dma_semaphore, #tpu.memory_space<semaphore_mem>>, %arg20: memref<!tpu.dma_semaphore, #tpu.memory_space<semaphore_mem>>, %arg21: memref<!tpu.dma_semaphore, #tpu.memory_space<semaphore_mem>>, %arg22: memref<!tpu.dma_semaphore, #tpu.memory_space<semaphore_mem>>) attributes {dimension_semantics = [#tpu.dimension_semantics<core_parallel>, #tpu.dimension_semantics<subcore_parallel>], iteration_bounds = array<i64: 2, 16>, scalar_prefetch = 0 : i64, scratch_operands = 16 : i64, tpu.core_type = #tpu.core_type<sc_vector_subcore>, window_params = [{transform_indices = #map}, {transform_indices = #map1}, {transform_indices = #map1}, {transform_indices = #map}, {transform_indices = #map1}]} {
    %mul3A = arith.constant 16 : i32
    %mul3A_0 = arith.muli %arg0, %mul3A : i32
    %add3A = arith.addi %mul3A_0, %arg1 : i32
    %mul3A_1 = arith.constant 640 : i32
    %mul3A_2 = arith.muli %arg1, %mul3A_1 : i32
    "tpu.region"() ({
      %run_scoped3A = tpu.sem_alloc : memref<!tpu.dma_semaphore, #tpu.memory_space<semaphore_mem>>
      %dma_start3A_127 = arith.constant 0 : i32
      %dma_start3A_128 = tpu.memref_slice %arg13[%mul3A_2, %dma_start3A_127] : memref<10240x64xf32, #tpu.memory_space<vmem_shared>> -> memref<640x64xf32, #tpu.memory_space<vmem_shared>>
      tpu.enqueue_dma source(%arg5 : memref<640x64xf32, #tpu.memory_space<hbm>>) target(%dma_start3A_128 : memref<640x64xf32, #tpu.memory_space<vmem_shared>>) target_semaphore(%run_scoped3A : memref<!tpu.dma_semaphore, #tpu.memory_space<semaphore_mem>>)
      %dma_wait3A_129 = arith.constant 0 : i32
      %dma_wait3A_130 = tpu.memref_slice %arg13[%mul3A_2, %dma_wait3A_129] : memref<10240x64xf32, #tpu.memory_space<vmem_shared>> -> memref<640x64xf32, #tpu.memory_space<vmem_shared>>
      tpu.wait_dma2 semaphore(%run_scoped3A : memref<!tpu.dma_semaphore, #tpu.memory_space<semaphore_mem>>) src(%arg5 : memref<640x64xf32, #tpu.memory_space<hbm>>) dst(%dma_wait3A_130 : memref<640x64xf32, #tpu.memory_space<vmem_shared>>)
      tpu.yield
    }) : () -> ()
    %mul3A_3 = arith.constant 640 : i32
    %mul3A_4 = arith.muli %arg1, %mul3A_3 : i32
    %mul3A_5 = arith.constant 640 : i32
    %mul3A_6 = arith.muli %arg1, %mul3A_5 : i32
    "tpu.region"() ({
      %run_scoped3A = tpu.sem_alloc : memref<!tpu.dma_semaphore, #tpu.memory_space<semaphore_mem>>
      %dma_start3A_127 = arith.constant 0 : i32
      %dma_start3A_128 = tpu.memref_slice %arg14[%mul3A_6, %dma_start3A_127] : memref<10240x64xf32, #tpu.memory_space<vmem_shared>> -> memref<640x64xf32, #tpu.memory_space<vmem_shared>>
      %dma_start3A_129 = arith.constant 0 : i32
      %dma_start3A_130 = tpu.memref_slice %arg2[%mul3A_4, %dma_start3A_129] : memref<10240x64xf32, #tpu.memory_space<hbm>> -> memref<640x64xf32, #tpu.memory_space<hbm>>
      tpu.enqueue_dma source(%dma_start3A_130 : memref<640x64xf32, #tpu.memory_space<hbm>>) target(%dma_start3A_128 : memref<640x64xf32, #tpu.memory_space<vmem_shared>>) target_semaphore(%run_scoped3A : memref<!tpu.dma_semaphore, #tpu.memory_space<semaphore_mem>>)
      %dma_wait3A_131 = arith.constant 0 : i32
      %dma_wait3A_132 = tpu.memref_slice %arg14[%mul3A_6, %dma_wait3A_131] : memref<10240x64xf32, #tpu.memory_space<vmem_shared>> -> memref<640x64xf32, #tpu.memory_space<vmem_shared>>
      %dma_wait3A_133 = arith.constant 0 : i32
      %dma_wait3A_134 = tpu.memref_slice %arg2[%mul3A_4, %dma_wait3A_133] : memref<10240x64xf32, #tpu.memory_space<hbm>> -> memref<640x64xf32, #tpu.memory_space<hbm>>
      tpu.wait_dma2 semaphore(%run_scoped3A : memref<!tpu.dma_semaphore, #tpu.memory_space<semaphore_mem>>) src(%dma_wait3A_134 : memref<640x64xf32, #tpu.memory_space<hbm>>) dst(%dma_wait3A_132 : memref<640x64xf32, #tpu.memory_space<vmem_shared>>)
      tpu.yield
    }) : () -> ()
    "tpu.region"() ({
      %run_scoped3A = tpu.sem_alloc : memref<!tpu.dma_semaphore, #tpu.memory_space<semaphore_mem>>
      %dma_start3A_127 = arith.constant 0 : i32
      %dma_start3A_128 = arith.constant 0 : i32
      %dma_start3A_129 = tpu.memref_slice %arg3[%add3A, %dma_start3A_127, %dma_start3A_128] : memref<32x160x64xi32, #tpu.memory_space<hbm>> -> memref<1x160x64xi32, #tpu.memory_space<hbm>>
      %dma_start3A_130 = tpu.memref_squeeze %dma_start3A_129 : memref<1x160x64xi32, #tpu.memory_space<hbm>> -> memref<160x64xi32, #tpu.memory_space<hbm>>
      %dma_start3A_131 = arith.constant 0 : i32
      %dma_start3A_132 = arith.constant 0 : i32
      %dma_start3A_133 = tpu.memref_slice %arg3[%add3A, %dma_start3A_131, %dma_start3A_132] : memref<32x160x64xi32, #tpu.memory_space<hbm>> -> memref<1x160x64xi32, #tpu.memory_space<hbm>>
      %dma_start3A_134 = tpu.memref_squeeze %dma_start3A_133 : memref<1x160x64xi32, #tpu.memory_space<hbm>> -> memref<160x64xi32, #tpu.memory_space<hbm>>
      tpu.enqueue_dma source(%dma_start3A_134 : memref<160x64xi32, #tpu.memory_space<hbm>>) target(%arg7 : memref<160x64xi32, #tpu.memory_space<vmem>>) target_semaphore(%run_scoped3A : memref<!tpu.dma_semaphore, #tpu.memory_space<semaphore_mem>>)
      %dma_wait3A_135 = arith.constant 0 : i32
      %dma_wait3A_136 = arith.constant 0 : i32
      %dma_wait3A_137 = tpu.memref_slice %arg3[%add3A, %dma_wait3A_135, %dma_wait3A_136] : memref<32x160x64xi32, #tpu.memory_space<hbm>> -> memref<1x160x64xi32, #tpu.memory_space<hbm>>
      %dma_wait3A_138 = tpu.memref_squeeze %dma_wait3A_137 : memref<1x160x64xi32, #tpu.memory_space<hbm>> -> memref<160x64xi32, #tpu.memory_space<hbm>>
      %dma_wait3A_139 = arith.constant 0 : i32
      %dma_wait3A_140 = arith.constant 0 : i32
      %dma_wait3A_141 = tpu.memref_slice %arg3[%add3A, %dma_wait3A_139, %dma_wait3A_140] : memref<32x160x64xi32, #tpu.memory_space<hbm>> -> memref<1x160x64xi32, #tpu.memory_space<hbm>>
      %dma_wait3A_142 = tpu.memref_squeeze %dma_wait3A_141 : memref<1x160x64xi32, #tpu.memory_space<hbm>> -> memref<160x64xi32, #tpu.memory_space<hbm>>
      tpu.wait_dma2 semaphore(%run_scoped3A : memref<!tpu.dma_semaphore, #tpu.memory_space<semaphore_mem>>) src(%dma_wait3A_142 : memref<160x64xi32, #tpu.memory_space<hbm>>) dst(%arg7 : memref<160x64xi32, #tpu.memory_space<vmem>>)
      tpu.yield
    }) : () -> ()
    "tpu.region"() ({
      %run_scoped3A = tpu.sem_alloc : memref<!tpu.dma_semaphore, #tpu.memory_space<semaphore_mem>>
      %dma_start3A_127 = arith.constant 0 : i32
      %dma_start3A_128 = arith.constant 0 : i32
      %dma_start3A_129 = tpu.memref_slice %arg4[%add3A, %dma_start3A_127, %dma_start3A_128] : memref<32x160x64xi32, #tpu.memory_space<hbm>> -> memref<1x160x64xi32, #tpu.memory_space<hbm>>
      %dma_start3A_130 = tpu.memref_squeeze %dma_start3A_129 : memref<1x160x64xi32, #tpu.memory_space<hbm>> -> memref<160x64xi32, #tpu.memory_space<hbm>>
      %dma_start3A_131 = arith.constant 0 : i32
      %dma_start3A_132 = arith.constant 0 : i32
      %dma_start3A_133 = tpu.memref_slice %arg4[%add3A, %dma_start3A_131, %dma_start3A_132] : memref<32x160x64xi32, #tpu.memory_space<hbm>> -> memref<1x160x64xi32, #tpu.memory_space<hbm>>
      %dma_start3A_134 = tpu.memref_squeeze %dma_start3A_133 : memref<1x160x64xi32, #tpu.memory_space<hbm>> -> memref<160x64xi32, #tpu.memory_space<hbm>>
      tpu.enqueue_dma source(%dma_start3A_134 : memref<160x64xi32, #tpu.memory_space<hbm>>) target(%arg8 : memref<160x64xi32, #tpu.memory_space<vmem>>) target_semaphore(%run_scoped3A : memref<!tpu.dma_semaphore, #tpu.memory_space<semaphore_mem>>)
      %dma_wait3A_135 = arith.constant 0 : i32
      %dma_wait3A_136 = arith.constant 0 : i32
      %dma_wait3A_137 = tpu.memref_slice %arg4[%add3A, %dma_wait3A_135, %dma_wait3A_136] : memref<32x160x64xi32, #tpu.memory_space<hbm>> -> memref<1x160x64xi32, #tpu.memory_space<hbm>>
      %dma_wait3A_138 = tpu.memref_squeeze %dma_wait3A_137 : memref<1x160x64xi32, #tpu.memory_space<hbm>> -> memref<160x64xi32, #tpu.memory_space<hbm>>
      %dma_wait3A_139 = arith.constant 0 : i32
      %dma_wait3A_140 = arith.constant 0 : i32
      %dma_wait3A_141 = tpu.memref_slice %arg4[%add3A, %dma_wait3A_139, %dma_wait3A_140] : memref<32x160x64xi32, #tpu.memory_space<hbm>> -> memref<1x160x64xi32, #tpu.memory_space<hbm>>
      %dma_wait3A_142 = tpu.memref_squeeze %dma_wait3A_141 : memref<1x160x64xi32, #tpu.memory_space<hbm>> -> memref<160x64xi32, #tpu.memory_space<hbm>>
      tpu.wait_dma2 semaphore(%run_scoped3A : memref<!tpu.dma_semaphore, #tpu.memory_space<semaphore_mem>>) src(%dma_wait3A_142 : memref<160x64xi32, #tpu.memory_space<hbm>>) dst(%arg8 : memref<160x64xi32, #tpu.memory_space<vmem>>)
      tpu.yield
    }) : () -> ()
    %barrier3A = arith.constant 0 : index
    tpu.barrier barrier_id(%barrier3A)
    %dma_start3A = arith.constant 0 : i32
    %dma_start3A_7 = arith.constant 0 : i32
    %dma_start3A_8 = tpu.memref_slice %arg7[%dma_start3A, %dma_start3A_7] : memref<160x64xi32, #tpu.memory_space<vmem>> -> memref<1x64xi32, #tpu.memory_space<vmem>>
    %dma_start3A_9 = tpu.memref_squeeze %dma_start3A_8 : memref<1x64xi32, #tpu.memory_space<vmem>> -> memref<64xi32, #tpu.memory_space<vmem>>
    %dma_start3A_10 = arith.constant 0 : i32
    %dma_start3A_11 = arith.constant 0 : i32
    %dma_start3A_12 = tpu.memref_slice %arg14[%dma_start3A_10, %dma_start3A_11] : memref<10240x64xf32, #tpu.memory_space<vmem_shared>> -> memref<10240x64xf32, #tpu.memory_space<vmem_shared>>
    tpu.enqueue_indirect_dma source(%dma_start3A_12 : memref<10240x64xf32, #tpu.memory_space<vmem_shared>>) target(%arg9 : memref<64x64xf32, #tpu.memory_space<vmem>>) offsets(%dma_start3A_9 : memref<64xi32, #tpu.memory_space<vmem>>) semaphore(%arg15 : memref<!tpu.dma_semaphore, #tpu.memory_space<semaphore_mem>>)
    %dma_wait3A = arith.constant 0 : i32
    %dma_wait3A_13 = arith.constant 0 : i32
    %dma_wait3A_14 = tpu.memref_slice %arg7[%dma_wait3A, %dma_wait3A_13] : memref<160x64xi32, #tpu.memory_space<vmem>> -> memref<1x64xi32, #tpu.memory_space<vmem>>
    %dma_wait3A_15 = tpu.memref_squeeze %dma_wait3A_14 : memref<1x64xi32, #tpu.memory_space<vmem>> -> memref<64xi32, #tpu.memory_space<vmem>>
    %dma_wait3A_16 = arith.constant 0 : i32
    %dma_wait3A_17 = arith.constant 0 : i32
    %dma_wait3A_18 = tpu.memref_slice %arg14[%dma_wait3A_16, %dma_wait3A_17] : memref<10240x64xf32, #tpu.memory_space<vmem_shared>> -> memref<10240x64xf32, #tpu.memory_space<vmem_shared>>
    tpu.wait_indirect_dma semaphore(%arg15 : memref<!tpu.dma_semaphore, #tpu.memory_space<semaphore_mem>>) src(%dma_wait3A_18 : memref<10240x64xf32, #tpu.memory_space<vmem_shared>>) dst(%arg9 : memref<64x64xf32, #tpu.memory_space<vmem>>)
    %dma_start3A_19 = arith.constant 1 : i32
    %dma_start3A_20 = arith.constant 0 : i32
    %dma_start3A_21 = tpu.memref_slice %arg7[%dma_start3A_19, %dma_start3A_20] : memref<160x64xi32, #tpu.memory_space<vmem>> -> memref<1x64xi32, #tpu.memory_space<vmem>>
    %dma_start3A_22 = tpu.memref_squeeze %dma_start3A_21 : memref<1x64xi32, #tpu.memory_space<vmem>> -> memref<64xi32, #tpu.memory_space<vmem>>
    %dma_start3A_23 = arith.constant 0 : i32
    %dma_start3A_24 = arith.constant 0 : i32
    %dma_start3A_25 = tpu.memref_slice %arg14[%dma_start3A_23, %dma_start3A_24] : memref<10240x64xf32, #tpu.memory_space<vmem_shared>> -> memref<10240x64xf32, #tpu.memory_space<vmem_shared>>
    tpu.enqueue_indirect_dma source(%dma_start3A_25 : memref<10240x64xf32, #tpu.memory_space<vmem_shared>>) target(%arg10 : memref<64x64xf32, #tpu.memory_space<vmem>>) offsets(%dma_start3A_22 : memref<64xi32, #tpu.memory_space<vmem>>) semaphore(%arg16 : memref<!tpu.dma_semaphore, #tpu.memory_space<semaphore_mem>>)
    %dma_start3A_26 = arith.constant 0 : i32
    %dma_start3A_27 = arith.constant 0 : i32
    %dma_start3A_28 = tpu.memref_slice %arg8[%dma_start3A_26, %dma_start3A_27] : memref<160x64xi32, #tpu.memory_space<vmem>> -> memref<1x64xi32, #tpu.memory_space<vmem>>
    %dma_start3A_29 = tpu.memref_squeeze %dma_start3A_28 : memref<1x64xi32, #tpu.memory_space<vmem>> -> memref<64xi32, #tpu.memory_space<vmem>>
    %dma_start3A_30 = arith.constant 0 : i32
    %dma_start3A_31 = arith.constant 0 : i32
    %dma_start3A_32 = tpu.memref_slice %arg13[%dma_start3A_30, %dma_start3A_31] : memref<10240x64xf32, #tpu.memory_space<vmem_shared>> -> memref<10240x64xf32, #tpu.memory_space<vmem_shared>>
    tpu.enqueue_indirect_dma source(%arg9 : memref<64x64xf32, #tpu.memory_space<vmem>>) target(%dma_start3A_32 : memref<10240x64xf32, #tpu.memory_space<vmem_shared>>) offsets(%dma_start3A_29 : memref<64xi32, #tpu.memory_space<vmem>>) semaphore(%arg19 : memref<!tpu.dma_semaphore, #tpu.memory_space<semaphore_mem>>) {add = true}
    %dma_wait3A_33 = arith.constant 1 : i32
    %dma_wait3A_34 = arith.constant 0 : i32
    %dma_wait3A_35 = tpu.memref_slice %arg7[%dma_wait3A_33, %dma_wait3A_34] : memref<160x64xi32, #tpu.memory_space<vmem>> -> memref<1x64xi32, #tpu.memory_space<vmem>>
    %dma_wait3A_36 = tpu.memref_squeeze %dma_wait3A_35 : memref<1x64xi32, #tpu.memory_space<vmem>> -> memref<64xi32, #tpu.memory_space<vmem>>
    %dma_wait3A_37 = arith.constant 0 : i32
    %dma_wait3A_38 = arith.constant 0 : i32
    %dma_wait3A_39 = tpu.memref_slice %arg14[%dma_wait3A_37, %dma_wait3A_38] : memref<10240x64xf32, #tpu.memory_space<vmem_shared>> -> memref<10240x64xf32, #tpu.memory_space<vmem_shared>>
    tpu.wait_indirect_dma semaphore(%arg16 : memref<!tpu.dma_semaphore, #tpu.memory_space<semaphore_mem>>) src(%dma_wait3A_39 : memref<10240x64xf32, #tpu.memory_space<vmem_shared>>) dst(%arg10 : memref<64x64xf32, #tpu.memory_space<vmem>>)
    %dma_start3A_40 = arith.constant 2 : i32
    %dma_start3A_41 = arith.constant 0 : i32
    %dma_start3A_42 = tpu.memref_slice %arg7[%dma_start3A_40, %dma_start3A_41] : memref<160x64xi32, #tpu.memory_space<vmem>> -> memref<1x64xi32, #tpu.memory_space<vmem>>
    %dma_start3A_43 = tpu.memref_squeeze %dma_start3A_42 : memref<1x64xi32, #tpu.memory_space<vmem>> -> memref<64xi32, #tpu.memory_space<vmem>>
    %dma_start3A_44 = arith.constant 0 : i32
    %dma_start3A_45 = arith.constant 0 : i32
    %dma_start3A_46 = tpu.memref_slice %arg14[%dma_start3A_44, %dma_start3A_45] : memref<10240x64xf32, #tpu.memory_space<vmem_shared>> -> memref<10240x64xf32, #tpu.memory_space<vmem_shared>>
    tpu.enqueue_indirect_dma source(%dma_start3A_46 : memref<10240x64xf32, #tpu.memory_space<vmem_shared>>) target(%arg11 : memref<64x64xf32, #tpu.memory_space<vmem>>) offsets(%dma_start3A_43 : memref<64xi32, #tpu.memory_space<vmem>>) semaphore(%arg17 : memref<!tpu.dma_semaphore, #tpu.memory_space<semaphore_mem>>)
    %dma_start3A_47 = arith.constant 1 : i32
    %dma_start3A_48 = arith.constant 0 : i32
    %dma_start3A_49 = tpu.memref_slice %arg8[%dma_start3A_47, %dma_start3A_48] : memref<160x64xi32, #tpu.memory_space<vmem>> -> memref<1x64xi32, #tpu.memory_space<vmem>>
    %dma_start3A_50 = tpu.memref_squeeze %dma_start3A_49 : memref<1x64xi32, #tpu.memory_space<vmem>> -> memref<64xi32, #tpu.memory_space<vmem>>
    %dma_start3A_51 = arith.constant 0 : i32
    %dma_start3A_52 = arith.constant 0 : i32
    %dma_start3A_53 = tpu.memref_slice %arg13[%dma_start3A_51, %dma_start3A_52] : memref<10240x64xf32, #tpu.memory_space<vmem_shared>> -> memref<10240x64xf32, #tpu.memory_space<vmem_shared>>
    tpu.enqueue_indirect_dma source(%arg10 : memref<64x64xf32, #tpu.memory_space<vmem>>) target(%dma_start3A_53 : memref<10240x64xf32, #tpu.memory_space<vmem_shared>>) offsets(%dma_start3A_50 : memref<64xi32, #tpu.memory_space<vmem>>) semaphore(%arg20 : memref<!tpu.dma_semaphore, #tpu.memory_space<semaphore_mem>>) {add = true}
    %dma_wait3A_54 = arith.constant 2 : i32
    %dma_wait3A_55 = arith.constant 0 : i32
    %dma_wait3A_56 = tpu.memref_slice %arg7[%dma_wait3A_54, %dma_wait3A_55] : memref<160x64xi32, #tpu.memory_space<vmem>> -> memref<1x64xi32, #tpu.memory_space<vmem>>
    %dma_wait3A_57 = tpu.memref_squeeze %dma_wait3A_56 : memref<1x64xi32, #tpu.memory_space<vmem>> -> memref<64xi32, #tpu.memory_space<vmem>>
    %dma_wait3A_58 = arith.constant 0 : i32
    %dma_wait3A_59 = arith.constant 0 : i32
    %dma_wait3A_60 = tpu.memref_slice %arg14[%dma_wait3A_58, %dma_wait3A_59] : memref<10240x64xf32, #tpu.memory_space<vmem_shared>> -> memref<10240x64xf32, #tpu.memory_space<vmem_shared>>
    tpu.wait_indirect_dma semaphore(%arg17 : memref<!tpu.dma_semaphore, #tpu.memory_space<semaphore_mem>>) src(%dma_wait3A_60 : memref<10240x64xf32, #tpu.memory_space<vmem_shared>>) dst(%arg11 : memref<64x64xf32, #tpu.memory_space<vmem>>)
    %dma_start3A_61 = arith.constant 3 : i32
    %dma_start3A_62 = arith.constant 0 : i32
    %dma_start3A_63 = tpu.memref_slice %arg7[%dma_start3A_61, %dma_start3A_62] : memref<160x64xi32, #tpu.memory_space<vmem>> -> memref<1x64xi32, #tpu.memory_space<vmem>>
    %dma_start3A_64 = tpu.memref_squeeze %dma_start3A_63 : memref<1x64xi32, #tpu.memory_space<vmem>> -> memref<64xi32, #tpu.memory_space<vmem>>
    %dma_start3A_65 = arith.constant 0 : i32
    %dma_start3A_66 = arith.constant 0 : i32
    %dma_start3A_67 = tpu.memref_slice %arg14[%dma_start3A_65, %dma_start3A_66] : memref<10240x64xf32, #tpu.memory_space<vmem_shared>> -> memref<10240x64xf32, #tpu.memory_space<vmem_shared>>
    tpu.enqueue_indirect_dma source(%dma_start3A_67 : memref<10240x64xf32, #tpu.memory_space<vmem_shared>>) target(%arg12 : memref<64x64xf32, #tpu.memory_space<vmem>>) offsets(%dma_start3A_64 : memref<64xi32, #tpu.memory_space<vmem>>) semaphore(%arg18 : memref<!tpu.dma_semaphore, #tpu.memory_space<semaphore_mem>>)
    %dma_start3A_68 = arith.constant 2 : i32
    %dma_start3A_69 = arith.constant 0 : i32
    %dma_start3A_70 = tpu.memref_slice %arg8[%dma_start3A_68, %dma_start3A_69] : memref<160x64xi32, #tpu.memory_space<vmem>> -> memref<1x64xi32, #tpu.memory_space<vmem>>
    %dma_start3A_71 = tpu.memref_squeeze %dma_start3A_70 : memref<1x64xi32, #tpu.memory_space<vmem>> -> memref<64xi32, #tpu.memory_space<vmem>>
    %dma_start3A_72 = arith.constant 0 : i32
    %dma_start3A_73 = arith.constant 0 : i32
    %dma_start3A_74 = tpu.memref_slice %arg13[%dma_start3A_72, %dma_start3A_73] : memref<10240x64xf32, #tpu.memory_space<vmem_shared>> -> memref<10240x64xf32, #tpu.memory_space<vmem_shared>>
    tpu.enqueue_indirect_dma source(%arg11 : memref<64x64xf32, #tpu.memory_space<vmem>>) target(%dma_start3A_74 : memref<10240x64xf32, #tpu.memory_space<vmem_shared>>) offsets(%dma_start3A_71 : memref<64xi32, #tpu.memory_space<vmem>>) semaphore(%arg21 : memref<!tpu.dma_semaphore, #tpu.memory_space<semaphore_mem>>) {add = true}
    %scan3A = arith.constant 0 : i32
    %scan3A_75 = arith.constant 0 : i32
    %scan3A_76 = arith.constant 39 : i32
    %scan3A_77 = arith.addi %scan3A_75, %scan3A_76 : i32
    %scan3A_78 = arith.constant 1 : i32
    scf.for %scan3A_127 = %scan3A_75 to %scan3A_77 step %scan3A_78  : i32 {
      %mul3A_128 = arith.constant 4 : i32
      %mul3A_129 = arith.muli %scan3A_127, %mul3A_128 : i32
      %add3A_130 = arith.constant 3 : i32
      %add3A_131 = arith.addi %add3A_130, %mul3A_129 : i32
      %add3A_132 = arith.constant 0 : i32
      %add3A_133 = arith.addi %add3A_131, %add3A_132 : i32
      %dma_wait3A_134 = arith.constant 0 : i32
      %dma_wait3A_135 = tpu.memref_slice %arg7[%add3A_133, %dma_wait3A_134] : memref<160x64xi32, #tpu.memory_space<vmem>> -> memref<1x64xi32, #tpu.memory_space<vmem>>
      %dma_wait3A_136 = tpu.memref_squeeze %dma_wait3A_135 : memref<1x64xi32, #tpu.memory_space<vmem>> -> memref<64xi32, #tpu.memory_space<vmem>>
      %dma_wait3A_137 = arith.constant 0 : i32
      %dma_wait3A_138 = arith.constant 0 : i32
      %dma_wait3A_139 = tpu.memref_slice %arg14[%dma_wait3A_137, %dma_wait3A_138] : memref<10240x64xf32, #tpu.memory_space<vmem_shared>> -> memref<10240x64xf32, #tpu.memory_space<vmem_shared>>
      tpu.wait_indirect_dma semaphore(%arg18 : memref<!tpu.dma_semaphore, #tpu.memory_space<semaphore_mem>>) src(%dma_wait3A_139 : memref<10240x64xf32, #tpu.memory_space<vmem_shared>>) dst(%arg12 : memref<64x64xf32, #tpu.memory_space<vmem>>)
      %sub3A = arith.constant 3 : i32
      %sub3A_140 = arith.subi %add3A_133, %sub3A : i32
      %dma_wait3A_141 = arith.constant 0 : i32
      %dma_wait3A_142 = tpu.memref_slice %arg8[%sub3A_140, %dma_wait3A_141] : memref<160x64xi32, #tpu.memory_space<vmem>> -> memref<1x64xi32, #tpu.memory_space<vmem>>
      %dma_wait3A_143 = tpu.memref_squeeze %dma_wait3A_142 : memref<1x64xi32, #tpu.memory_space<vmem>> -> memref<64xi32, #tpu.memory_space<vmem>>
      %dma_wait3A_144 = arith.constant 0 : i32
      %dma_wait3A_145 = arith.constant 0 : i32
      %dma_wait3A_146 = tpu.memref_slice %arg13[%dma_wait3A_144, %dma_wait3A_145] : memref<10240x64xf32, #tpu.memory_space<vmem_shared>> -> memref<10240x64xf32, #tpu.memory_space<vmem_shared>>
      tpu.wait_indirect_dma semaphore(%arg19 : memref<!tpu.dma_semaphore, #tpu.memory_space<semaphore_mem>>) src(%arg9 : memref<64x64xf32, #tpu.memory_space<vmem>>) dst(%dma_wait3A_146 : memref<10240x64xf32, #tpu.memory_space<vmem_shared>>)
      %add3A_147 = arith.constant 1 : i32
      %add3A_148 = arith.addi %add3A_133, %add3A_147 : i32
      %dma_start3A_149 = arith.constant 0 : i32
      %dma_start3A_150 = tpu.memref_slice %arg7[%add3A_148, %dma_start3A_149] : memref<160x64xi32, #tpu.memory_space<vmem>> -> memref<1x64xi32, #tpu.memory_space<vmem>>
      %dma_start3A_151 = tpu.memref_squeeze %dma_start3A_150 : memref<1x64xi32, #tpu.memory_space<vmem>> -> memref<64xi32, #tpu.memory_space<vmem>>
      %dma_start3A_152 = arith.constant 0 : i32
      %dma_start3A_153 = arith.constant 0 : i32
      %dma_start3A_154 = tpu.memref_slice %arg14[%dma_start3A_152, %dma_start3A_153] : memref<10240x64xf32, #tpu.memory_space<vmem_shared>> -> memref<10240x64xf32, #tpu.memory_space<vmem_shared>>
      tpu.enqueue_indirect_dma source(%dma_start3A_154 : memref<10240x64xf32, #tpu.memory_space<vmem_shared>>) target(%arg9 : memref<64x64xf32, #tpu.memory_space<vmem>>) offsets(%dma_start3A_151 : memref<64xi32, #tpu.memory_space<vmem>>) semaphore(%arg15 : memref<!tpu.dma_semaphore, #tpu.memory_space<semaphore_mem>>)
      %dma_start3A_155 = arith.constant 0 : i32
      %dma_start3A_156 = tpu.memref_slice %arg8[%add3A_133, %dma_start3A_155] : memref<160x64xi32, #tpu.memory_space<vmem>> -> memref<1x64xi32, #tpu.memory_space<vmem>>
      %dma_start3A_157 = tpu.memref_squeeze %dma_start3A_156 : memref<1x64xi32, #tpu.memory_space<vmem>> -> memref<64xi32, #tpu.memory_space<vmem>>
      %dma_start3A_158 = arith.constant 0 : i32
      %dma_start3A_159 = arith.constant 0 : i32
      %dma_start3A_160 = tpu.memref_slice %arg13[%dma_start3A_158, %dma_start3A_159] : memref<10240x64xf32, #tpu.memory_space<vmem_shared>> -> memref<10240x64xf32, #tpu.memory_space<vmem_shared>>
      tpu.enqueue_indirect_dma source(%arg12 : memref<64x64xf32, #tpu.memory_space<vmem>>) target(%dma_start3A_160 : memref<10240x64xf32, #tpu.memory_space<vmem_shared>>) offsets(%dma_start3A_157 : memref<64xi32, #tpu.memory_space<vmem>>) semaphore(%arg22 : memref<!tpu.dma_semaphore, #tpu.memory_space<semaphore_mem>>) {add = true}
      %mul3A_161 = arith.constant 4 : i32
      %mul3A_162 = arith.muli %scan3A_127, %mul3A_161 : i32
      %add3A_163 = arith.constant 3 : i32
      %add3A_164 = arith.addi %add3A_163, %mul3A_162 : i32
      %add3A_165 = arith.constant 1 : i32
      %add3A_166 = arith.addi %add3A_164, %add3A_165 : i32
      %dma_wait3A_167 = arith.constant 0 : i32
      %dma_wait3A_168 = tpu.memref_slice %arg7[%add3A_166, %dma_wait3A_167] : memref<160x64xi32, #tpu.memory_space<vmem>> -> memref<1x64xi32, #tpu.memory_space<vmem>>
      %dma_wait3A_169 = tpu.memref_squeeze %dma_wait3A_168 : memref<1x64xi32, #tpu.memory_space<vmem>> -> memref<64xi32, #tpu.memory_space<vmem>>
      %dma_wait3A_170 = arith.constant 0 : i32
      %dma_wait3A_171 = arith.constant 0 : i32
      %dma_wait3A_172 = tpu.memref_slice %arg14[%dma_wait3A_170, %dma_wait3A_171] : memref<10240x64xf32, #tpu.memory_space<vmem_shared>> -> memref<10240x64xf32, #tpu.memory_space<vmem_shared>>
      tpu.wait_indirect_dma semaphore(%arg15 : memref<!tpu.dma_semaphore, #tpu.memory_space<semaphore_mem>>) src(%dma_wait3A_172 : memref<10240x64xf32, #tpu.memory_space<vmem_shared>>) dst(%arg9 : memref<64x64xf32, #tpu.memory_space<vmem>>)
      %sub3A_173 = arith.constant 3 : i32
      %sub3A_174 = arith.subi %add3A_166, %sub3A_173 : i32
      %dma_wait3A_175 = arith.constant 0 : i32
      %dma_wait3A_176 = tpu.memref_slice %arg8[%sub3A_174, %dma_wait3A_175] : memref<160x64xi32, #tpu.memory_space<vmem>> -> memref<1x64xi32, #tpu.memory_space<vmem>>
      %dma_wait3A_177 = tpu.memref_squeeze %dma_wait3A_176 : memref<1x64xi32, #tpu.memory_space<vmem>> -> memref<64xi32, #tpu.memory_space<vmem>>
      %dma_wait3A_178 = arith.constant 0 : i32
      %dma_wait3A_179 = arith.constant 0 : i32
      %dma_wait3A_180 = tpu.memref_slice %arg13[%dma_wait3A_178, %dma_wait3A_179] : memref<10240x64xf32, #tpu.memory_space<vmem_shared>> -> memref<10240x64xf32, #tpu.memory_space<vmem_shared>>
      tpu.wait_indirect_dma semaphore(%arg20 : memref<!tpu.dma_semaphore, #tpu.memory_space<semaphore_mem>>) src(%arg10 : memref<64x64xf32, #tpu.memory_space<vmem>>) dst(%dma_wait3A_180 : memref<10240x64xf32, #tpu.memory_space<vmem_shared>>)
      %add3A_181 = arith.constant 1 : i32
      %add3A_182 = arith.addi %add3A_166, %add3A_181 : i32
      %dma_start3A_183 = arith.constant 0 : i32
      %dma_start3A_184 = tpu.memref_slice %arg7[%add3A_182, %dma_start3A_183] : memref<160x64xi32, #tpu.memory_space<vmem>> -> memref<1x64xi32, #tpu.memory_space<vmem>>
      %dma_start3A_185 = tpu.memref_squeeze %dma_start3A_184 : memref<1x64xi32, #tpu.memory_space<vmem>> -> memref<64xi32, #tpu.memory_space<vmem>>
      %dma_start3A_186 = arith.constant 0 : i32
      %dma_start3A_187 = arith.constant 0 : i32
      %dma_start3A_188 = tpu.memref_slice %arg14[%dma_start3A_186, %dma_start3A_187] : memref<10240x64xf32, #tpu.memory_space<vmem_shared>> -> memref<10240x64xf32, #tpu.memory_space<vmem_shared>>
      tpu.enqueue_indirect_dma source(%dma_start3A_188 : memref<10240x64xf32, #tpu.memory_space<vmem_shared>>) target(%arg10 : memref<64x64xf32, #tpu.memory_space<vmem>>) offsets(%dma_start3A_185 : memref<64xi32, #tpu.memory_space<vmem>>) semaphore(%arg16 : memref<!tpu.dma_semaphore, #tpu.memory_space<semaphore_mem>>)
      %dma_start3A_189 = arith.constant 0 : i32
      %dma_start3A_190 = tpu.memref_slice %arg8[%add3A_166, %dma_start3A_189] : memref<160x64xi32, #tpu.memory_space<vmem>> -> memref<1x64xi32, #tpu.memory_space<vmem>>
      %dma_start3A_191 = tpu.memref_squeeze %dma_start3A_190 : memref<1x64xi32, #tpu.memory_space<vmem>> -> memref<64xi32, #tpu.memory_space<vmem>>
      %dma_start3A_192 = arith.constant 0 : i32
      %dma_start3A_193 = arith.constant 0 : i32
      %dma_start3A_194 = tpu.memref_slice %arg13[%dma_start3A_192, %dma_start3A_193] : memref<10240x64xf32, #tpu.memory_space<vmem_shared>> -> memref<10240x64xf32, #tpu.memory_space<vmem_shared>>
      tpu.enqueue_indirect_dma source(%arg9 : memref<64x64xf32, #tpu.memory_space<vmem>>) target(%dma_start3A_194 : memref<10240x64xf32, #tpu.memory_space<vmem_shared>>) offsets(%dma_start3A_191 : memref<64xi32, #tpu.memory_space<vmem>>) semaphore(%arg19 : memref<!tpu.dma_semaphore, #tpu.memory_space<semaphore_mem>>) {add = true}
      %mul3A_195 = arith.constant 4 : i32
      %mul3A_196 = arith.muli %scan3A_127, %mul3A_195 : i32
      %add3A_197 = arith.constant 3 : i32
      %add3A_198 = arith.addi %add3A_197, %mul3A_196 : i32
      %add3A_199 = arith.constant 2 : i32
      %add3A_200 = arith.addi %add3A_198, %add3A_199 : i32
      %dma_wait3A_201 = arith.constant 0 : i32
      %dma_wait3A_202 = tpu.memref_slice %arg7[%add3A_200, %dma_wait3A_201] : memref<160x64xi32, #tpu.memory_space<vmem>> -> memref<1x64xi32, #tpu.memory_space<vmem>>
      %dma_wait3A_203 = tpu.memref_squeeze %dma_wait3A_202 : memref<1x64xi32, #tpu.memory_space<vmem>> -> memref<64xi32, #tpu.memory_space<vmem>>
      %dma_wait3A_204 = arith.constant 0 : i32
      %dma_wait3A_205 = arith.constant 0 : i32
      %dma_wait3A_206 = tpu.memref_slice %arg14[%dma_wait3A_204, %dma_wait3A_205] : memref<10240x64xf32, #tpu.memory_space<vmem_shared>> -> memref<10240x64xf32, #tpu.memory_space<vmem_shared>>
      tpu.wait_indirect_dma semaphore(%arg16 : memref<!tpu.dma_semaphore, #tpu.memory_space<semaphore_mem>>) src(%dma_wait3A_206 : memref<10240x64xf32, #tpu.memory_space<vmem_shared>>) dst(%arg10 : memref<64x64xf32, #tpu.memory_space<vmem>>)
      %sub3A_207 = arith.constant 3 : i32
      %sub3A_208 = arith.subi %add3A_200, %sub3A_207 : i32
      %dma_wait3A_209 = arith.constant 0 : i32
      %dma_wait3A_210 = tpu.memref_slice %arg8[%sub3A_208, %dma_wait3A_209] : memref<160x64xi32, #tpu.memory_space<vmem>> -> memref<1x64xi32, #tpu.memory_space<vmem>>
      %dma_wait3A_211 = tpu.memref_squeeze %dma_wait3A_210 : memref<1x64xi32, #tpu.memory_space<vmem>> -> memref<64xi32, #tpu.memory_space<vmem>>
      %dma_wait3A_212 = arith.constant 0 : i32
      %dma_wait3A_213 = arith.constant 0 : i32
      %dma_wait3A_214 = tpu.memref_slice %arg13[%dma_wait3A_212, %dma_wait3A_213] : memref<10240x64xf32, #tpu.memory_space<vmem_shared>> -> memref<10240x64xf32, #tpu.memory_space<vmem_shared>>
      tpu.wait_indirect_dma semaphore(%arg21 : memref<!tpu.dma_semaphore, #tpu.memory_space<semaphore_mem>>) src(%arg11 : memref<64x64xf32, #tpu.memory_space<vmem>>) dst(%dma_wait3A_214 : memref<10240x64xf32, #tpu.memory_space<vmem_shared>>)
      %add3A_215 = arith.constant 1 : i32
      %add3A_216 = arith.addi %add3A_200, %add3A_215 : i32
      %dma_start3A_217 = arith.constant 0 : i32
      %dma_start3A_218 = tpu.memref_slice %arg7[%add3A_216, %dma_start3A_217] : memref<160x64xi32, #tpu.memory_space<vmem>> -> memref<1x64xi32, #tpu.memory_space<vmem>>
      %dma_start3A_219 = tpu.memref_squeeze %dma_start3A_218 : memref<1x64xi32, #tpu.memory_space<vmem>> -> memref<64xi32, #tpu.memory_space<vmem>>
      %dma_start3A_220 = arith.constant 0 : i32
      %dma_start3A_221 = arith.constant 0 : i32
      %dma_start3A_222 = tpu.memref_slice %arg14[%dma_start3A_220, %dma_start3A_221] : memref<10240x64xf32, #tpu.memory_space<vmem_shared>> -> memref<10240x64xf32, #tpu.memory_space<vmem_shared>>
      tpu.enqueue_indirect_dma source(%dma_start3A_222 : memref<10240x64xf32, #tpu.memory_space<vmem_shared>>) target(%arg11 : memref<64x64xf32, #tpu.memory_space<vmem>>) offsets(%dma_start3A_219 : memref<64xi32, #tpu.memory_space<vmem>>) semaphore(%arg17 : memref<!tpu.dma_semaphore, #tpu.memory_space<semaphore_mem>>)
      %dma_start3A_223 = arith.constant 0 : i32
      %dma_start3A_224 = tpu.memref_slice %arg8[%add3A_200, %dma_start3A_223] : memref<160x64xi32, #tpu.memory_space<vmem>> -> memref<1x64xi32, #tpu.memory_space<vmem>>
      %dma_start3A_225 = tpu.memref_squeeze %dma_start3A_224 : memref<1x64xi32, #tpu.memory_space<vmem>> -> memref<64xi32, #tpu.memory_space<vmem>>
      %dma_start3A_226 = arith.constant 0 : i32
      %dma_start3A_227 = arith.constant 0 : i32
      %dma_start3A_228 = tpu.memref_slice %arg13[%dma_start3A_226, %dma_start3A_227] : memref<10240x64xf32, #tpu.memory_space<vmem_shared>> -> memref<10240x64xf32, #tpu.memory_space<vmem_shared>>
      tpu.enqueue_indirect_dma source(%arg10 : memref<64x64xf32, #tpu.memory_space<vmem>>) target(%dma_start3A_228 : memref<10240x64xf32, #tpu.memory_space<vmem_shared>>) offsets(%dma_start3A_225 : memref<64xi32, #tpu.memory_space<vmem>>) semaphore(%arg20 : memref<!tpu.dma_semaphore, #tpu.memory_space<semaphore_mem>>) {add = true}
      %mul3A_229 = arith.constant 4 : i32
      %mul3A_230 = arith.muli %scan3A_127, %mul3A_229 : i32
      %add3A_231 = arith.constant 3 : i32
      %add3A_232 = arith.addi %add3A_231, %mul3A_230 : i32
      %add3A_233 = arith.constant 3 : i32
      %add3A_234 = arith.addi %add3A_232, %add3A_233 : i32
      %dma_wait3A_235 = arith.constant 0 : i32
      %dma_wait3A_236 = tpu.memref_slice %arg7[%add3A_234, %dma_wait3A_235] : memref<160x64xi32, #tpu.memory_space<vmem>> -> memref<1x64xi32, #tpu.memory_space<vmem>>
      %dma_wait3A_237 = tpu.memref_squeeze %dma_wait3A_236 : memref<1x64xi32, #tpu.memory_space<vmem>> -> memref<64xi32, #tpu.memory_space<vmem>>
      %dma_wait3A_238 = arith.constant 0 : i32
      %dma_wait3A_239 = arith.constant 0 : i32
      %dma_wait3A_240 = tpu.memref_slice %arg14[%dma_wait3A_238, %dma_wait3A_239] : memref<10240x64xf32, #tpu.memory_space<vmem_shared>> -> memref<10240x64xf32, #tpu.memory_space<vmem_shared>>
      tpu.wait_indirect_dma semaphore(%arg17 : memref<!tpu.dma_semaphore, #tpu.memory_space<semaphore_mem>>) src(%dma_wait3A_240 : memref<10240x64xf32, #tpu.memory_space<vmem_shared>>) dst(%arg11 : memref<64x64xf32, #tpu.memory_space<vmem>>)
      %sub3A_241 = arith.constant 3 : i32
      %sub3A_242 = arith.subi %add3A_234, %sub3A_241 : i32
      %dma_wait3A_243 = arith.constant 0 : i32
      %dma_wait3A_244 = tpu.memref_slice %arg8[%sub3A_242, %dma_wait3A_243] : memref<160x64xi32, #tpu.memory_space<vmem>> -> memref<1x64xi32, #tpu.memory_space<vmem>>
      %dma_wait3A_245 = tpu.memref_squeeze %dma_wait3A_244 : memref<1x64xi32, #tpu.memory_space<vmem>> -> memref<64xi32, #tpu.memory_space<vmem>>
      %dma_wait3A_246 = arith.constant 0 : i32
      %dma_wait3A_247 = arith.constant 0 : i32
      %dma_wait3A_248 = tpu.memref_slice %arg13[%dma_wait3A_246, %dma_wait3A_247] : memref<10240x64xf32, #tpu.memory_space<vmem_shared>> -> memref<10240x64xf32, #tpu.memory_space<vmem_shared>>
      tpu.wait_indirect_dma semaphore(%arg22 : memref<!tpu.dma_semaphore, #tpu.memory_space<semaphore_mem>>) src(%arg12 : memref<64x64xf32, #tpu.memory_space<vmem>>) dst(%dma_wait3A_248 : memref<10240x64xf32, #tpu.memory_space<vmem_shared>>)
      %add3A_249 = arith.constant 1 : i32
      %add3A_250 = arith.addi %add3A_234, %add3A_249 : i32
      %dma_start3A_251 = arith.constant 0 : i32
      %dma_start3A_252 = tpu.memref_slice %arg7[%add3A_250, %dma_start3A_251] : memref<160x64xi32, #tpu.memory_space<vmem>> -> memref<1x64xi32, #tpu.memory_space<vmem>>
      %dma_start3A_253 = tpu.memref_squeeze %dma_start3A_252 : memref<1x64xi32, #tpu.memory_space<vmem>> -> memref<64xi32, #tpu.memory_space<vmem>>
      %dma_start3A_254 = arith.constant 0 : i32
      %dma_start3A_255 = arith.constant 0 : i32
      %dma_start3A_256 = tpu.memref_slice %arg14[%dma_start3A_254, %dma_start3A_255] : memref<10240x64xf32, #tpu.memory_space<vmem_shared>> -> memref<10240x64xf32, #tpu.memory_space<vmem_shared>>
      tpu.enqueue_indirect_dma source(%dma_start3A_256 : memref<10240x64xf32, #tpu.memory_space<vmem_shared>>) target(%arg12 : memref<64x64xf32, #tpu.memory_space<vmem>>) offsets(%dma_start3A_253 : memref<64xi32, #tpu.memory_space<vmem>>) semaphore(%arg18 : memref<!tpu.dma_semaphore, #tpu.memory_space<semaphore_mem>>)
      %dma_start3A_257 = arith.constant 0 : i32
      %dma_start3A_258 = tpu.memref_slice %arg8[%add3A_234, %dma_start3A_257] : memref<160x64xi32, #tpu.memory_space<vmem>> -> memref<1x64xi32, #tpu.memory_space<vmem>>
      %dma_start3A_259 = tpu.memref_squeeze %dma_start3A_258 : memref<1x64xi32, #tpu.memory_space<vmem>> -> memref<64xi32, #tpu.memory_space<vmem>>
      %dma_start3A_260 = arith.constant 0 : i32
      %dma_start3A_261 = arith.constant 0 : i32
      %dma_start3A_262 = tpu.memref_slice %arg13[%dma_start3A_260, %dma_start3A_261] : memref<10240x64xf32, #tpu.memory_space<vmem_shared>> -> memref<10240x64xf32, #tpu.memory_space<vmem_shared>>
      tpu.enqueue_indirect_dma source(%arg11 : memref<64x64xf32, #tpu.memory_space<vmem>>) target(%dma_start3A_262 : memref<10240x64xf32, #tpu.memory_space<vmem_shared>>) offsets(%dma_start3A_259 : memref<64xi32, #tpu.memory_space<vmem>>) semaphore(%arg21 : memref<!tpu.dma_semaphore, #tpu.memory_space<semaphore_mem>>) {add = true}
    }
    %scan3A_79 = arith.constant 39 : i32
    %dma_wait3A_80 = arith.constant 159 : i32
    %dma_wait3A_81 = arith.constant 0 : i32
    %dma_wait3A_82 = tpu.memref_slice %arg7[%dma_wait3A_80, %dma_wait3A_81] : memref<160x64xi32, #tpu.memory_space<vmem>> -> memref<1x64xi32, #tpu.memory_space<vmem>>
    %dma_wait3A_83 = tpu.memref_squeeze %dma_wait3A_82 : memref<1x64xi32, #tpu.memory_space<vmem>> -> memref<64xi32, #tpu.memory_space<vmem>>
    %dma_wait3A_84 = arith.constant 0 : i32
    %dma_wait3A_85 = arith.constant 0 : i32
    %dma_wait3A_86 = tpu.memref_slice %arg14[%dma_wait3A_84, %dma_wait3A_85] : memref<10240x64xf32, #tpu.memory_space<vmem_shared>> -> memref<10240x64xf32, #tpu.memory_space<vmem_shared>>
    tpu.wait_indirect_dma semaphore(%arg18 : memref<!tpu.dma_semaphore, #tpu.memory_space<semaphore_mem>>) src(%dma_wait3A_86 : memref<10240x64xf32, #tpu.memory_space<vmem_shared>>) dst(%arg12 : memref<64x64xf32, #tpu.memory_space<vmem>>)
    %dma_wait3A_87 = arith.constant 156 : i32
    %dma_wait3A_88 = arith.constant 0 : i32
    %dma_wait3A_89 = tpu.memref_slice %arg8[%dma_wait3A_87, %dma_wait3A_88] : memref<160x64xi32, #tpu.memory_space<vmem>> -> memref<1x64xi32, #tpu.memory_space<vmem>>
    %dma_wait3A_90 = tpu.memref_squeeze %dma_wait3A_89 : memref<1x64xi32, #tpu.memory_space<vmem>> -> memref<64xi32, #tpu.memory_space<vmem>>
    %dma_wait3A_91 = arith.constant 0 : i32
    %dma_wait3A_92 = arith.constant 0 : i32
    %dma_wait3A_93 = tpu.memref_slice %arg13[%dma_wait3A_91, %dma_wait3A_92] : memref<10240x64xf32, #tpu.memory_space<vmem_shared>> -> memref<10240x64xf32, #tpu.memory_space<vmem_shared>>
    tpu.wait_indirect_dma semaphore(%arg19 : memref<!tpu.dma_semaphore, #tpu.memory_space<semaphore_mem>>) src(%arg9 : memref<64x64xf32, #tpu.memory_space<vmem>>) dst(%dma_wait3A_93 : memref<10240x64xf32, #tpu.memory_space<vmem_shared>>)
    %dma_start3A_94 = arith.constant 159 : i32
    %dma_start3A_95 = arith.constant 0 : i32
    %dma_start3A_96 = tpu.memref_slice %arg8[%dma_start3A_94, %dma_start3A_95] : memref<160x64xi32, #tpu.memory_space<vmem>> -> memref<1x64xi32, #tpu.memory_space<vmem>>
    %dma_start3A_97 = tpu.memref_squeeze %dma_start3A_96 : memref<1x64xi32, #tpu.memory_space<vmem>> -> memref<64xi32, #tpu.memory_space<vmem>>
    %dma_start3A_98 = arith.constant 0 : i32
    %dma_start3A_99 = arith.constant 0 : i32
    %dma_start3A_100 = tpu.memref_slice %arg13[%dma_start3A_98, %dma_start3A_99] : memref<10240x64xf32, #tpu.memory_space<vmem_shared>> -> memref<10240x64xf32, #tpu.memory_space<vmem_shared>>
    tpu.enqueue_indirect_dma source(%arg12 : memref<64x64xf32, #tpu.memory_space<vmem>>) target(%dma_start3A_100 : memref<10240x64xf32, #tpu.memory_space<vmem_shared>>) offsets(%dma_start3A_97 : memref<64xi32, #tpu.memory_space<vmem>>) semaphore(%arg22 : memref<!tpu.dma_semaphore, #tpu.memory_space<semaphore_mem>>) {add = true}
    %dma_wait3A_101 = arith.constant 157 : i32
    %dma_wait3A_102 = arith.constant 0 : i32
    %dma_wait3A_103 = tpu.memref_slice %arg8[%dma_wait3A_101, %dma_wait3A_102] : memref<160x64xi32, #tpu.memory_space<vmem>> -> memref<1x64xi32, #tpu.memory_space<vmem>>
    %dma_wait3A_104 = tpu.memref_squeeze %dma_wait3A_103 : memref<1x64xi32, #tpu.memory_space<vmem>> -> memref<64xi32, #tpu.memory_space<vmem>>
    %dma_wait3A_105 = arith.constant 0 : i32
    %dma_wait3A_106 = arith.constant 0 : i32
    %dma_wait3A_107 = tpu.memref_slice %arg13[%dma_wait3A_105, %dma_wait3A_106] : memref<10240x64xf32, #tpu.memory_space<vmem_shared>> -> memref<10240x64xf32, #tpu.memory_space<vmem_shared>>
    tpu.wait_indirect_dma semaphore(%arg20 : memref<!tpu.dma_semaphore, #tpu.memory_space<semaphore_mem>>) src(%arg10 : memref<64x64xf32, #tpu.memory_space<vmem>>) dst(%dma_wait3A_107 : memref<10240x64xf32, #tpu.memory_space<vmem_shared>>)
    %dma_wait3A_108 = arith.constant 158 : i32
    %dma_wait3A_109 = arith.constant 0 : i32
    %dma_wait3A_110 = tpu.memref_slice %arg8[%dma_wait3A_108, %dma_wait3A_109] : memref<160x64xi32, #tpu.memory_space<vmem>> -> memref<1x64xi32, #tpu.memory_space<vmem>>
    %dma_wait3A_111 = tpu.memref_squeeze %dma_wait3A_110 : memref<1x64xi32, #tpu.memory_space<vmem>> -> memref<64xi32, #tpu.memory_space<vmem>>
    %dma_wait3A_112 = arith.constant 0 : i32
    %dma_wait3A_113 = arith.constant 0 : i32
    %dma_wait3A_114 = tpu.memref_slice %arg13[%dma_wait3A_112, %dma_wait3A_113] : memref<10240x64xf32, #tpu.memory_space<vmem_shared>> -> memref<10240x64xf32, #tpu.memory_space<vmem_shared>>
    tpu.wait_indirect_dma semaphore(%arg21 : memref<!tpu.dma_semaphore, #tpu.memory_space<semaphore_mem>>) src(%arg11 : memref<64x64xf32, #tpu.memory_space<vmem>>) dst(%dma_wait3A_114 : memref<10240x64xf32, #tpu.memory_space<vmem_shared>>)
    %dma_wait3A_115 = arith.constant 159 : i32
    %dma_wait3A_116 = arith.constant 0 : i32
    %dma_wait3A_117 = tpu.memref_slice %arg8[%dma_wait3A_115, %dma_wait3A_116] : memref<160x64xi32, #tpu.memory_space<vmem>> -> memref<1x64xi32, #tpu.memory_space<vmem>>
    %dma_wait3A_118 = tpu.memref_squeeze %dma_wait3A_117 : memref<1x64xi32, #tpu.memory_space<vmem>> -> memref<64xi32, #tpu.memory_space<vmem>>
    %dma_wait3A_119 = arith.constant 0 : i32
    %dma_wait3A_120 = arith.constant 0 : i32
    %dma_wait3A_121 = tpu.memref_slice %arg13[%dma_wait3A_119, %dma_wait3A_120] : memref<10240x64xf32, #tpu.memory_space<vmem_shared>> -> memref<10240x64xf32, #tpu.memory_space<vmem_shared>>
    tpu.wait_indirect_dma semaphore(%arg22 : memref<!tpu.dma_semaphore, #tpu.memory_space<semaphore_mem>>) src(%arg12 : memref<64x64xf32, #tpu.memory_space<vmem>>) dst(%dma_wait3A_121 : memref<10240x64xf32, #tpu.memory_space<vmem_shared>>)
    %barrier3A_122 = arith.constant 0 : index
    tpu.barrier barrier_id(%barrier3A_122)
    %mul3A_123 = arith.constant 640 : i32
    %mul3A_124 = arith.muli %arg1, %mul3A_123 : i32
    %mul3A_125 = arith.constant 640 : i32
    %mul3A_126 = arith.muli %arg1, %mul3A_125 : i32
    "tpu.region"() ({
      %run_scoped3A = tpu.sem_alloc : memref<!tpu.dma_semaphore, #tpu.memory_space<semaphore_mem>>
      %dma_start3A_127 = arith.constant 0 : i32
      %dma_start3A_128 = tpu.memref_slice %arg6[%arg0, %mul3A_126, %dma_start3A_127] : memref<2x10240x64xf32, #tpu.memory_space<hbm>> -> memref<1x640x64xf32, #tpu.memory_space<hbm>>
      %dma_start3A_129 = tpu.memref_squeeze %dma_start3A_128 : memref<1x640x64xf32, #tpu.memory_space<hbm>> -> memref<640x64xf32, #tpu.memory_space<hbm>>
      %dma_start3A_130 = arith.constant 0 : i32
      %dma_start3A_131 = tpu.memref_slice %arg13[%mul3A_124, %dma_start3A_130] : memref<10240x64xf32, #tpu.memory_space<vmem_shared>> -> memref<640x64xf32, #tpu.memory_space<vmem_shared>>
      tpu.enqueue_dma source(%dma_start3A_131 : memref<640x64xf32, #tpu.memory_space<vmem_shared>>) target(%dma_start3A_129 : memref<640x64xf32, #tpu.memory_space<hbm>>) target_semaphore(%run_scoped3A : memref<!tpu.dma_semaphore, #tpu.memory_space<semaphore_mem>>)
      %dma_wait3A_132 = arith.constant 0 : i32
      %dma_wait3A_133 = tpu.memref_slice %arg6[%arg0, %mul3A_126, %dma_wait3A_132] : memref<2x10240x64xf32, #tpu.memory_space<hbm>> -> memref<1x640x64xf32, #tpu.memory_space<hbm>>
      %dma_wait3A_134 = tpu.memref_squeeze %dma_wait3A_133 : memref<1x640x64xf32, #tpu.memory_space<hbm>> -> memref<640x64xf32, #tpu.memory_space<hbm>>
      %dma_wait3A_135 = arith.constant 0 : i32
      %dma_wait3A_136 = tpu.memref_slice %arg13[%mul3A_124, %dma_wait3A_135] : memref<10240x64xf32, #tpu.memory_space<vmem_shared>> -> memref<640x64xf32, #tpu.memory_space<vmem_shared>>
      tpu.wait_dma2 semaphore(%run_scoped3A : memref<!tpu.dma_semaphore, #tpu.memory_space<semaphore_mem>>) src(%dma_wait3A_136 : memref<640x64xf32, #tpu.memory_space<vmem_shared>>) dst(%dma_wait3A_134 : memref<640x64xf32, #tpu.memory_space<hbm>>)
      tpu.yield
    }) : () -> ()
    return
  }
}

module attributes {stable_mosaic.version = 14 : i64} {
  func.func @body(%arg0: i32, %arg1: memref<2x1024x8xf32, #tpu.memory_space<vmem>>, %arg2: memref<1x32xf32, #tpu.memory_space<vmem>>, %arg3: memref<1x32xf32, #tpu.memory_space<vmem>>, %arg4: memref<32x32xf32, #tpu.memory_space<vmem>>, %arg5: memref<1x32xf32, #tpu.memory_space<vmem>>, %arg6: memref<1024x32xf32, #tpu.memory_space<vmem>>, %arg7: memref<1024x1xf32, #tpu.memory_space<vmem>>) attributes {dimension_semantics = [#tpu.dimension_semantics<arbitrary>], iteration_bounds = array<i64: 10>, scalar_prefetch = 0 : i64, scratch_operands = 0 : i64, tpu.core_type = #tpu.core_type<tc>, window_params = [{transform_indices = @transform_0, window_bounds = array<i64: 2, 1024, 8>}, {pipeline_mode = #tpu.pipeline_mode<synchronous>, transform_indices = @transform_1, window_bounds = array<i64: 1, 32>}, {pipeline_mode = #tpu.pipeline_mode<synchronous>, transform_indices = @transform_2, window_bounds = array<i64: 1, 32>}, {pipeline_mode = #tpu.pipeline_mode<synchronous>, transform_indices = @transform_3, window_bounds = array<i64: 32, 32>}, {pipeline_mode = #tpu.pipeline_mode<synchronous>, transform_indices = @transform_4, window_bounds = array<i64: 1, 32>}, {transform_indices = @transform_5, window_bounds = array<i64: 1024, 32>}, {transform_indices = @transform_6, window_bounds = array<i64: 1024, 1>}]} {
    %get3A = arith.constant 0 : index
    %get3A_0 = arith.constant 0 : index
    %get3A_1 = arith.constant 0 : index
    %get3A_2 = vector.load %arg1[%get3A, %get3A_0, %get3A_1] : memref<2x1024x8xf32, #tpu.memory_space<vmem>>, vector<1x1024x1xf32>
    %get3A_3 = vector.shape_cast %get3A_2 : vector<1x1024x1xf32> to vector<1024x1xf32>
    %get3A_4 = arith.constant 1 : index
    %get3A_5 = arith.constant 0 : index
    %get3A_6 = arith.constant 0 : index
    %get3A_7 = vector.load %arg1[%get3A_4, %get3A_5, %get3A_6] : memref<2x1024x8xf32, #tpu.memory_space<vmem>>, vector<1x1024x1xf32>
    %get3A_8 = vector.shape_cast %get3A_7 : vector<1x1024x1xf32> to vector<1024x1xf32>
    %add3A = arith.addf %get3A_3, %get3A_8 : vector<1024x1xf32>
    %add3A_9 = arith.constant 1.000000e+00 : f32
    %add3A_10 = vector.broadcast %add3A_9 : f32 to vector<1024x1xf32>
    %add3A_11 = arith.addf %add3A, %add3A_10 : vector<1024x1xf32>
    %get3A_12 = arith.constant 0 : index
    %get3A_13 = arith.constant 0 : index
    %get3A_14 = vector.load %arg2[%get3A_12, %get3A_13] : memref<1x32xf32, #tpu.memory_space<vmem>>, vector<1x32xf32>
    %mul3A = vector.broadcast %add3A_11 : vector<1024x1xf32> to vector<1024x32xf32>
    %mul3A_15 = vector.broadcast %get3A_14 : vector<1x32xf32> to vector<1024x32xf32>
    %mul3A_16 = arith.mulf %mul3A, %mul3A_15 : vector<1024x32xf32>
    %get3A_17 = arith.constant 0 : index
    %get3A_18 = arith.constant 0 : index
    %get3A_19 = vector.load %arg3[%get3A_17, %get3A_18] : memref<1x32xf32, #tpu.memory_space<vmem>>, vector<1x32xf32>
    %add3A_20 = vector.broadcast %get3A_19 : vector<1x32xf32> to vector<1024x32xf32>
    %add3A_21 = arith.addf %mul3A_16, %add3A_20 : vector<1024x32xf32>
    %max3A = arith.constant 0.000000e+00 : f32
    %max3A_22 = vector.broadcast %max3A : f32 to vector<1024x32xf32>
    %max3A_23 = arith.maximumf %add3A_21, %max3A_22 : vector<1024x32xf32>
    %get3A_24 = arith.constant 0 : index
    %get3A_25 = arith.constant 0 : index
    %get3A_26 = vector.load %arg4[%get3A_24, %get3A_25] : memref<32x32xf32, #tpu.memory_space<vmem>>, vector<32x32xf32>
    %dot_general3A = arith.constant dense<0.000000e+00> : vector<1024x32xf32>
    %dot_general3A_27 = tpu.matmul %max3A_23, %get3A_26, %dot_general3A {dimension_numbers = #tpu.dot_dimension_numbers<[1], [0], [0], [1], [0, 0, 1, 1], [], []>, transpose_lhs_hint = false} : vector<1024x32xf32>, vector<32x32xf32>, vector<1024x32xf32> -> vector<1024x32xf32>
    %get3A_28 = arith.constant 0 : index
    %get3A_29 = arith.constant 0 : index
    %get3A_30 = vector.load %arg5[%get3A_28, %get3A_29] : memref<1x32xf32, #tpu.memory_space<vmem>>, vector<1x32xf32>
    %add3A_31 = vector.broadcast %get3A_30 : vector<1x32xf32> to vector<1024x32xf32>
    %add3A_32 = arith.addf %dot_general3A_27, %add3A_31 : vector<1024x32xf32>
    %max3A_33 = arith.constant 0.000000e+00 : f32
    %max3A_34 = vector.broadcast %max3A_33 : f32 to vector<1024x32xf32>
    %max3A_35 = arith.maximumf %add3A_32, %max3A_34 : vector<1024x32xf32>
    %swap3A = arith.constant 0 : index
    %swap3A_36 = arith.constant 0 : index
    %swap3A_37 = vector.load %arg6[%swap3A, %swap3A_36] : memref<1024x32xf32, #tpu.memory_space<vmem>>, vector<1024x32xf32>
    tpu.vector_store %arg6[%swap3A, %swap3A_36], %max3A_35 {strides = array<i32>} : memref<1024x32xf32, #tpu.memory_space<vmem>>, vector<1024x32xf32>,
    %max3A_38 = arith.constant 1.000000e+00 : f32
    %max3A_39 = vector.broadcast %max3A_38 : f32 to vector<1024x1xf32>
    %max3A_40 = arith.maximumf %add3A, %max3A_39 : vector<1024x1xf32>
    %div3A = arith.constant 1.000000e+00 : f32
    %div3A_41 = vector.broadcast %div3A : f32 to vector<1024x1xf32>
    %div3A_42 = arith.divf %div3A_41, %max3A_40 : vector<1024x1xf32>
    %swap3A_43 = arith.constant 0 : index
    %swap3A_44 = arith.constant 0 : index
    %swap3A_45 = vector.load %arg7[%swap3A_43, %swap3A_44] : memref<1024x1xf32, #tpu.memory_space<vmem>>, vector<1024x1xf32>
    tpu.vector_store %arg7[%swap3A_43, %swap3A_44], %div3A_42 {strides = array<i32>} : memref<1024x1xf32, #tpu.memory_space<vmem>>, vector<1024x1xf32>,
    return
  }
  func.func @transform_0(%arg0: i32) -> (i32, i32, i32) {
    %c0_i32 = arith.constant 0 : i32
    %c0_i32_0 = arith.constant 0 : i32
    %c0_i32_1 = arith.constant 0 : i32
    return %c0_i32, %arg0, %c0_i32_0 : i32, i32, i32
  }
  func.func @transform_1(%arg0: i32) -> (i32, i32) {
    %c0_i32 = arith.constant 0 : i32
    %c0_i32_0 = arith.constant 0 : i32
    %c0_i32_1 = arith.constant 0 : i32
    return %c0_i32, %c0_i32_0 : i32, i32
  }
  func.func @transform_2(%arg0: i32) -> (i32, i32) {
    %c0_i32 = arith.constant 0 : i32
    %c0_i32_0 = arith.constant 0 : i32
    %c0_i32_1 = arith.constant 0 : i32
    return %c0_i32, %c0_i32_0 : i32, i32
  }
  func.func @transform_3(%arg0: i32) -> (i32, i32) {
    %c0_i32 = arith.constant 0 : i32
    %c0_i32_0 = arith.constant 0 : i32
    %c0_i32_1 = arith.constant 0 : i32
    return %c0_i32, %c0_i32_0 : i32, i32
  }
  func.func @transform_4(%arg0: i32) -> (i32, i32) {
    %c0_i32 = arith.constant 0 : i32
    %c0_i32_0 = arith.constant 0 : i32
    %c0_i32_1 = arith.constant 0 : i32
    return %c0_i32, %c0_i32_0 : i32, i32
  }
  func.func @transform_5(%arg0: i32) -> (i32, i32) {
    %c0_i32 = arith.constant 0 : i32
    %c0_i32_0 = arith.constant 0 : i32
    return %arg0, %c0_i32 : i32, i32
  }
  func.func @transform_6(%arg0: i32) -> (i32, i32) {
    %c0_i32 = arith.constant 0 : i32
    %c0_i32_0 = arith.constant 0 : i32
    return %arg0, %c0_i32 : i32, i32
  }
}

module attributes {stable_mosaic.version = 14 : i64} {
  func.func @body(%arg0: i32, %arg1: memref<1024x32xf32, #tpu.memory_space<vmem>>, %arg2: memref<2x1024x32xf32, #tpu.memory_space<vmem>>, %arg3: memref<1024x128xf32, #tpu.memory_space<vmem>>, %arg4: memref<32x32xf32, #tpu.memory_space<vmem>>, %arg5: memref<1x32xf32, #tpu.memory_space<vmem>>, %arg6: memref<32x32xf32, #tpu.memory_space<vmem>>, %arg7: memref<1x32xf32, #tpu.memory_space<vmem>>, %arg8: memref<128x64xf32, #tpu.memory_space<vmem>>, %arg9: memref<32x64xf32, #tpu.memory_space<vmem>>, %arg10: memref<128x64xf32, #tpu.memory_space<vmem>>, %arg11: memref<32x64xf32, #tpu.memory_space<vmem>>, %arg12: memref<1024x64xf32, #tpu.memory_space<vmem>>, %arg13: memref<1024x64xf32, #tpu.memory_space<vmem>>) attributes {dimension_semantics = [#tpu.dimension_semantics<arbitrary>], iteration_bounds = array<i64: 10>, scalar_prefetch = 0 : i64, scratch_operands = 0 : i64, tpu.core_type = #tpu.core_type<tc>, window_params = [{transform_indices = @transform_0, window_bounds = array<i64: 1024, 32>}, {transform_indices = @transform_1, window_bounds = array<i64: 2, 1024, 32>}, {transform_indices = @transform_2, window_bounds = array<i64: 1024, 128>}, {pipeline_mode = #tpu.pipeline_mode<synchronous>, transform_indices = @transform_3, window_bounds = array<i64: 32, 32>}, {pipeline_mode = #tpu.pipeline_mode<synchronous>, transform_indices = @transform_4, window_bounds = array<i64: 1, 32>}, {pipeline_mode = #tpu.pipeline_mode<synchronous>, transform_indices = @transform_5, window_bounds = array<i64: 32, 32>}, {pipeline_mode = #tpu.pipeline_mode<synchronous>, transform_indices = @transform_6, window_bounds = array<i64: 1, 32>}, {pipeline_mode = #tpu.pipeline_mode<synchronous>, transform_indices = @transform_7, window_bounds = array<i64: 128, 64>}, {pipeline_mode = #tpu.pipeline_mode<synchronous>, transform_indices = @transform_8, window_bounds = array<i64: 32, 64>}, {pipeline_mode = #tpu.pipeline_mode<synchronous>, transform_indices = @transform_9, window_bounds = array<i64: 128, 64>}, {pipeline_mode = #tpu.pipeline_mode<synchronous>, transform_indices = @transform_10, window_bounds = array<i64: 32, 64>}, {transform_indices = @transform_11, window_bounds = array<i64: 1024, 64>}, {transform_indices = @transform_12, window_bounds = array<i64: 1024, 64>}]} {
    %get3A = arith.constant 0 : index
    %get3A_0 = arith.constant 0 : index
    %get3A_1 = arith.constant 0 : index
    %get3A_2 = vector.load %arg2[%get3A, %get3A_0, %get3A_1] : memref<2x1024x32xf32, #tpu.memory_space<vmem>>, vector<1x1024x32xf32>
    %get3A_3 = vector.shape_cast %get3A_2 : vector<1x1024x32xf32> to vector<1024x32xf32>
    %get3A_4 = arith.constant 1 : index
    %get3A_5 = arith.constant 0 : index
    %get3A_6 = arith.constant 0 : index
    %get3A_7 = vector.load %arg2[%get3A_4, %get3A_5, %get3A_6] : memref<2x1024x32xf32, #tpu.memory_space<vmem>>, vector<1x1024x32xf32>
    %get3A_8 = vector.shape_cast %get3A_7 : vector<1x1024x32xf32> to vector<1024x32xf32>
    %add3A = arith.addf %get3A_3, %get3A_8 : vector<1024x32xf32>
    %get3A_9 = arith.constant 0 : index
    %get3A_10 = arith.constant 0 : index
    %get3A_11 = vector.load %arg1[%get3A_9, %get3A_10] : memref<1024x32xf32, #tpu.memory_space<vmem>>, vector<1024x32xf32>
    %add3A_12 = arith.addf %get3A_11, %add3A : vector<1024x32xf32>
    %get3A_13 = arith.constant 0 : index
    %get3A_14 = arith.constant 0 : index
    %get3A_15 = vector.load %arg4[%get3A_13, %get3A_14] : memref<32x32xf32, #tpu.memory_space<vmem>>, vector<32x32xf32>
    %dot_general3A = arith.constant dense<0.000000e+00> : vector<1024x32xf32>
    %dot_general3A_16 = tpu.matmul %add3A_12, %get3A_15, %dot_general3A {dimension_numbers = #tpu.dot_dimension_numbers<[1], [0], [0], [1], [0, 0, 1, 1], [], []>, transpose_lhs_hint = false} : vector<1024x32xf32>, vector<32x32xf32>, vector<1024x32xf32> -> vector<1024x32xf32>
    %get3A_17 = arith.constant 0 : index
    %get3A_18 = arith.constant 0 : index
    %get3A_19 = vector.load %arg5[%get3A_17, %get3A_18] : memref<1x32xf32, #tpu.memory_space<vmem>>, vector<1x32xf32>
    %add3A_20 = vector.broadcast %get3A_19 : vector<1x32xf32> to vector<1024x32xf32>
    %add3A_21 = arith.addf %dot_general3A_16, %add3A_20 : vector<1024x32xf32>
    %max3A = arith.constant 0.000000e+00 : f32
    %max3A_22 = vector.broadcast %max3A : f32 to vector<1024x32xf32>
    %max3A_23 = arith.maximumf %add3A_21, %max3A_22 : vector<1024x32xf32>
    %get3A_24 = arith.constant 0 : index
    %get3A_25 = arith.constant 0 : index
    %get3A_26 = vector.load %arg6[%get3A_24, %get3A_25] : memref<32x32xf32, #tpu.memory_space<vmem>>, vector<32x32xf32>
    %dot_general3A_27 = arith.constant dense<0.000000e+00> : vector<1024x32xf32>
    %dot_general3A_28 = tpu.matmul %max3A_23, %get3A_26, %dot_general3A_27 {dimension_numbers = #tpu.dot_dimension_numbers<[1], [0], [0], [1], [0, 0, 1, 1], [], []>, transpose_lhs_hint = false} : vector<1024x32xf32>, vector<32x32xf32>, vector<1024x32xf32> -> vector<1024x32xf32>
    %get3A_29 = arith.constant 0 : index
    %get3A_30 = arith.constant 0 : index
    %get3A_31 = vector.load %arg7[%get3A_29, %get3A_30] : memref<1x32xf32, #tpu.memory_space<vmem>>, vector<1x32xf32>
    %add3A_32 = vector.broadcast %get3A_31 : vector<1x32xf32> to vector<1024x32xf32>
    %add3A_33 = arith.addf %dot_general3A_28, %add3A_32 : vector<1024x32xf32>
    %get3A_34 = arith.constant 0 : index
    %get3A_35 = arith.constant 0 : index
    %get3A_36 = vector.load %arg3[%get3A_34, %get3A_35] : memref<1024x128xf32, #tpu.memory_space<vmem>>, vector<1024x128xf32>
    %get3A_37 = arith.constant 0 : index
    %get3A_38 = arith.constant 0 : index
    %get3A_39 = vector.load %arg8[%get3A_37, %get3A_38] : memref<128x64xf32, #tpu.memory_space<vmem>>, vector<128x64xf32>
    %dot_general3A_40 = arith.constant dense<0.000000e+00> : vector<1024x64xf32>
    %dot_general3A_41 = tpu.matmul %get3A_36, %get3A_39, %dot_general3A_40 {dimension_numbers = #tpu.dot_dimension_numbers<[1], [0], [0], [1], [0, 0, 1, 1], [], []>, transpose_lhs_hint = false} : vector<1024x128xf32>, vector<128x64xf32>, vector<1024x64xf32> -> vector<1024x64xf32>
    %get3A_42 = arith.constant 0 : index
    %get3A_43 = arith.constant 0 : index
    %get3A_44 = vector.load %arg9[%get3A_42, %get3A_43] : memref<32x64xf32, #tpu.memory_space<vmem>>, vector<32x64xf32>
    %dot_general3A_45 = arith.constant dense<0.000000e+00> : vector<1024x64xf32>
    %dot_general3A_46 = tpu.matmul %add3A_33, %get3A_44, %dot_general3A_45 {dimension_numbers = #tpu.dot_dimension_numbers<[1], [0], [0], [1], [0, 0, 1, 1], [], []>, transpose_lhs_hint = false} : vector<1024x32xf32>, vector<32x64xf32>, vector<1024x64xf32> -> vector<1024x64xf32>
    %add3A_47 = arith.addf %dot_general3A_41, %dot_general3A_46 : vector<1024x64xf32>
    %swap3A = arith.constant 0 : index
    %swap3A_48 = arith.constant 0 : index
    %swap3A_49 = vector.load %arg12[%swap3A, %swap3A_48] : memref<1024x64xf32, #tpu.memory_space<vmem>>, vector<1024x64xf32>
    tpu.vector_store %arg12[%swap3A, %swap3A_48], %add3A_47 {strides = array<i32>} : memref<1024x64xf32, #tpu.memory_space<vmem>>, vector<1024x64xf32>,
    %get3A_50 = arith.constant 0 : index
    %get3A_51 = arith.constant 0 : index
    %get3A_52 = vector.load %arg10[%get3A_50, %get3A_51] : memref<128x64xf32, #tpu.memory_space<vmem>>, vector<128x64xf32>
    %dot_general3A_53 = arith.constant dense<0.000000e+00> : vector<1024x64xf32>
    %dot_general3A_54 = tpu.matmul %get3A_36, %get3A_52, %dot_general3A_53 {dimension_numbers = #tpu.dot_dimension_numbers<[1], [0], [0], [1], [0, 0, 1, 1], [], []>, transpose_lhs_hint = false} : vector<1024x128xf32>, vector<128x64xf32>, vector<1024x64xf32> -> vector<1024x64xf32>
    %get3A_55 = arith.constant 0 : index
    %get3A_56 = arith.constant 0 : index
    %get3A_57 = vector.load %arg11[%get3A_55, %get3A_56] : memref<32x64xf32, #tpu.memory_space<vmem>>, vector<32x64xf32>
    %dot_general3A_58 = arith.constant dense<0.000000e+00> : vector<1024x64xf32>
    %dot_general3A_59 = tpu.matmul %add3A_33, %get3A_57, %dot_general3A_58 {dimension_numbers = #tpu.dot_dimension_numbers<[1], [0], [0], [1], [0, 0, 1, 1], [], []>, transpose_lhs_hint = false} : vector<1024x32xf32>, vector<32x64xf32>, vector<1024x64xf32> -> vector<1024x64xf32>
    %add3A_60 = arith.addf %dot_general3A_54, %dot_general3A_59 : vector<1024x64xf32>
    %swap3A_61 = arith.constant 0 : index
    %swap3A_62 = arith.constant 0 : index
    %swap3A_63 = vector.load %arg13[%swap3A_61, %swap3A_62] : memref<1024x64xf32, #tpu.memory_space<vmem>>, vector<1024x64xf32>
    tpu.vector_store %arg13[%swap3A_61, %swap3A_62], %add3A_60 {strides = array<i32>} : memref<1024x64xf32, #tpu.memory_space<vmem>>, vector<1024x64xf32>,
    return
  }
  func.func @transform_0(%arg0: i32) -> (i32, i32) {
    %c0_i32 = arith.constant 0 : i32
    %c0_i32_0 = arith.constant 0 : i32
    return %arg0, %c0_i32 : i32, i32
  }
  func.func @transform_1(%arg0: i32) -> (i32, i32, i32) {
    %c0_i32 = arith.constant 0 : i32
    %c0_i32_0 = arith.constant 0 : i32
    %c0_i32_1 = arith.constant 0 : i32
    return %c0_i32, %arg0, %c0_i32_0 : i32, i32, i32
  }
  func.func @transform_2(%arg0: i32) -> (i32, i32) {
    %c0_i32 = arith.constant 0 : i32
    %c0_i32_0 = arith.constant 0 : i32
    return %arg0, %c0_i32 : i32, i32
  }
  func.func @transform_3(%arg0: i32) -> (i32, i32) {
    %c0_i32 = arith.constant 0 : i32
    %c0_i32_0 = arith.constant 0 : i32
    %c0_i32_1 = arith.constant 0 : i32
    return %c0_i32, %c0_i32_0 : i32, i32
  }
  func.func @transform_4(%arg0: i32) -> (i32, i32) {
    %c0_i32 = arith.constant 0 : i32
    %c0_i32_0 = arith.constant 0 : i32
    %c0_i32_1 = arith.constant 0 : i32
    return %c0_i32, %c0_i32_0 : i32, i32
  }
  func.func @transform_5(%arg0: i32) -> (i32, i32) {
    %c0_i32 = arith.constant 0 : i32
    %c0_i32_0 = arith.constant 0 : i32
    %c0_i32_1 = arith.constant 0 : i32
    return %c0_i32, %c0_i32_0 : i32, i32
  }
  func.func @transform_6(%arg0: i32) -> (i32, i32) {
    %c0_i32 = arith.constant 0 : i32
    %c0_i32_0 = arith.constant 0 : i32
    %c0_i32_1 = arith.constant 0 : i32
    return %c0_i32, %c0_i32_0 : i32, i32
  }
  func.func @transform_7(%arg0: i32) -> (i32, i32) {
    %c0_i32 = arith.constant 0 : i32
    %c0_i32_0 = arith.constant 0 : i32
    %c0_i32_1 = arith.constant 0 : i32
    return %c0_i32, %c0_i32_0 : i32, i32
  }
  func.func @transform_8(%arg0: i32) -> (i32, i32) {
    %c0_i32 = arith.constant 0 : i32
    %c0_i32_0 = arith.constant 0 : i32
    %c0_i32_1 = arith.constant 0 : i32
    return %c0_i32, %c0_i32_0 : i32, i32
  }
  func.func @transform_9(%arg0: i32) -> (i32, i32) {
    %c0_i32 = arith.constant 0 : i32
    %c0_i32_0 = arith.constant 0 : i32
    %c0_i32_1 = arith.constant 0 : i32
    return %c0_i32, %c0_i32_0 : i32, i32
  }
  func.func @transform_10(%arg0: i32) -> (i32, i32) {
    %c0_i32 = arith.constant 0 : i32
    %c0_i32_0 = arith.constant 0 : i32
    %c0_i32_1 = arith.constant 0 : i32
    return %c0_i32, %c0_i32_0 : i32, i32
  }
  func.func @transform_11(%arg0: i32) -> (i32, i32) {
    %c0_i32 = arith.constant 0 : i32
    %c0_i32_0 = arith.constant 0 : i32
    return %arg0, %c0_i32 : i32, i32
  }
  func.func @transform_12(%arg0: i32) -> (i32, i32) {
    %c0_i32 = arith.constant 0 : i32
    %c0_i32_0 = arith.constant 0 : i32
    return %arg0, %c0_i32 : i32, i32
  }
}

module attributes {stable_mosaic.version = 14 : i64} {
  func.func @body(%arg0: i32, %arg1: memref<1024x64xf32, #tpu.memory_space<vmem>>, %arg2: memref<2x1024x64xf32, #tpu.memory_space<vmem>>, %arg3: memref<1024x1xf32, #tpu.memory_space<vmem>>, %arg4: memref<64x64xf32, #tpu.memory_space<vmem>>, %arg5: memref<64x64xf32, #tpu.memory_space<vmem>>, %arg6: memref<1x64xf32, #tpu.memory_space<vmem>>, %arg7: memref<1x64xf32, #tpu.memory_space<vmem>>, %arg8: memref<1024x64xf32, #tpu.memory_space<vmem>>, %arg9: memref<1024x64xf32, #tpu.memory_space<vmem>>) attributes {dimension_semantics = [#tpu.dimension_semantics<arbitrary>], iteration_bounds = array<i64: 10>, scalar_prefetch = 0 : i64, scratch_operands = 0 : i64, tpu.core_type = #tpu.core_type<tc>, window_params = [{transform_indices = @transform_0, window_bounds = array<i64: 1024, 64>}, {transform_indices = @transform_1, window_bounds = array<i64: 2, 1024, 64>}, {transform_indices = @transform_2, window_bounds = array<i64: 1024, 1>}, {pipeline_mode = #tpu.pipeline_mode<synchronous>, transform_indices = @transform_3, window_bounds = array<i64: 64, 64>}, {pipeline_mode = #tpu.pipeline_mode<synchronous>, transform_indices = @transform_4, window_bounds = array<i64: 64, 64>}, {pipeline_mode = #tpu.pipeline_mode<synchronous>, transform_indices = @transform_5, window_bounds = array<i64: 1, 64>}, {pipeline_mode = #tpu.pipeline_mode<synchronous>, transform_indices = @transform_6, window_bounds = array<i64: 1, 64>}, {transform_indices = @transform_7, window_bounds = array<i64: 1024, 64>}, {transform_indices = @transform_8, window_bounds = array<i64: 1024, 64>}]} {
    %get3A = arith.constant 0 : index
    %get3A_0 = arith.constant 0 : index
    %get3A_1 = arith.constant 0 : index
    %get3A_2 = vector.load %arg2[%get3A, %get3A_0, %get3A_1] : memref<2x1024x64xf32, #tpu.memory_space<vmem>>, vector<1x1024x64xf32>
    %get3A_3 = vector.shape_cast %get3A_2 : vector<1x1024x64xf32> to vector<1024x64xf32>
    %get3A_4 = arith.constant 1 : index
    %get3A_5 = arith.constant 0 : index
    %get3A_6 = arith.constant 0 : index
    %get3A_7 = vector.load %arg2[%get3A_4, %get3A_5, %get3A_6] : memref<2x1024x64xf32, #tpu.memory_space<vmem>>, vector<1x1024x64xf32>
    %get3A_8 = vector.shape_cast %get3A_7 : vector<1x1024x64xf32> to vector<1024x64xf32>
    %add3A = arith.addf %get3A_3, %get3A_8 : vector<1024x64xf32>
    %get3A_9 = arith.constant 0 : index
    %get3A_10 = arith.constant 0 : index
    %get3A_11 = vector.load %arg1[%get3A_9, %get3A_10] : memref<1024x64xf32, #tpu.memory_space<vmem>>, vector<1024x64xf32>
    %get3A_12 = arith.constant 0 : index
    %get3A_13 = arith.constant 0 : index
    %get3A_14 = vector.load %arg3[%get3A_12, %get3A_13] : memref<1024x1xf32, #tpu.memory_space<vmem>>, vector<1024x1xf32>
    %mul3A = vector.broadcast %get3A_14 : vector<1024x1xf32> to vector<1024x64xf32>
    %mul3A_15 = arith.mulf %add3A, %mul3A : vector<1024x64xf32>
    %add3A_16 = arith.addf %get3A_11, %mul3A_15 : vector<1024x64xf32>
    %get3A_17 = arith.constant 0 : index
    %get3A_18 = arith.constant 0 : index
    %get3A_19 = vector.load %arg6[%get3A_17, %get3A_18] : memref<1x64xf32, #tpu.memory_space<vmem>>, vector<1x64xf32>
    %add3A_20 = vector.broadcast %get3A_19 : vector<1x64xf32> to vector<1024x64xf32>
    %add3A_21 = arith.addf %add3A_16, %add3A_20 : vector<1024x64xf32>
    %max3A = arith.constant 0.000000e+00 : f32
    %max3A_22 = vector.broadcast %max3A : f32 to vector<1024x64xf32>
    %max3A_23 = arith.maximumf %add3A_21, %max3A_22 : vector<1024x64xf32>
    %get3A_24 = arith.constant 0 : index
    %get3A_25 = arith.constant 0 : index
    %get3A_26 = vector.load %arg4[%get3A_24, %get3A_25] : memref<64x64xf32, #tpu.memory_space<vmem>>, vector<64x64xf32>
    %dot_general3A = arith.constant dense<0.000000e+00> : vector<1024x64xf32>
    %dot_general3A_27 = tpu.matmul %max3A_23, %get3A_26, %dot_general3A {dimension_numbers = #tpu.dot_dimension_numbers<[1], [0], [0], [1], [0, 0, 1, 1], [], []>, transpose_lhs_hint = false} : vector<1024x64xf32>, vector<64x64xf32>, vector<1024x64xf32> -> vector<1024x64xf32>
    %swap3A = arith.constant 0 : index
    %swap3A_28 = arith.constant 0 : index
    %swap3A_29 = vector.load %arg8[%swap3A, %swap3A_28] : memref<1024x64xf32, #tpu.memory_space<vmem>>, vector<1024x64xf32>
    tpu.vector_store %arg8[%swap3A, %swap3A_28], %dot_general3A_27 {strides = array<i32>} : memref<1024x64xf32, #tpu.memory_space<vmem>>, vector<1024x64xf32>,
    %get3A_30 = arith.constant 0 : index
    %get3A_31 = arith.constant 0 : index
    %get3A_32 = vector.load %arg5[%get3A_30, %get3A_31] : memref<64x64xf32, #tpu.memory_space<vmem>>, vector<64x64xf32>
    %dot_general3A_33 = arith.constant dense<0.000000e+00> : vector<1024x64xf32>
    %dot_general3A_34 = tpu.matmul %max3A_23, %get3A_32, %dot_general3A_33 {dimension_numbers = #tpu.dot_dimension_numbers<[1], [0], [0], [1], [0, 0, 1, 1], [], []>, transpose_lhs_hint = false} : vector<1024x64xf32>, vector<64x64xf32>, vector<1024x64xf32> -> vector<1024x64xf32>
    %get3A_35 = arith.constant 0 : index
    %get3A_36 = arith.constant 0 : index
    %get3A_37 = vector.load %arg7[%get3A_35, %get3A_36] : memref<1x64xf32, #tpu.memory_space<vmem>>, vector<1x64xf32>
    %add3A_38 = vector.broadcast %get3A_37 : vector<1x64xf32> to vector<1024x64xf32>
    %add3A_39 = arith.addf %dot_general3A_34, %add3A_38 : vector<1024x64xf32>
    %swap3A_40 = arith.constant 0 : index
    %swap3A_41 = arith.constant 0 : index
    %swap3A_42 = vector.load %arg9[%swap3A_40, %swap3A_41] : memref<1024x64xf32, #tpu.memory_space<vmem>>, vector<1024x64xf32>
    tpu.vector_store %arg9[%swap3A_40, %swap3A_41], %add3A_39 {strides = array<i32>} : memref<1024x64xf32, #tpu.memory_space<vmem>>, vector<1024x64xf32>,
    return
  }
  func.func @transform_0(%arg0: i32) -> (i32, i32) {
    %c0_i32 = arith.constant 0 : i32
    %c0_i32_0 = arith.constant 0 : i32
    return %arg0, %c0_i32 : i32, i32
  }
  func.func @transform_1(%arg0: i32) -> (i32, i32, i32) {
    %c0_i32 = arith.constant 0 : i32
    %c0_i32_0 = arith.constant 0 : i32
    %c0_i32_1 = arith.constant 0 : i32
    return %c0_i32, %arg0, %c0_i32_0 : i32, i32, i32
  }
  func.func @transform_2(%arg0: i32) -> (i32, i32) {
    %c0_i32 = arith.constant 0 : i32
    %c0_i32_0 = arith.constant 0 : i32
    return %arg0, %c0_i32 : i32, i32
  }
  func.func @transform_3(%arg0: i32) -> (i32, i32) {
    %c0_i32 = arith.constant 0 : i32
    %c0_i32_0 = arith.constant 0 : i32
    %c0_i32_1 = arith.constant 0 : i32
    return %c0_i32, %c0_i32_0 : i32, i32
  }
  func.func @transform_4(%arg0: i32) -> (i32, i32) {
    %c0_i32 = arith.constant 0 : i32
    %c0_i32_0 = arith.constant 0 : i32
    %c0_i32_1 = arith.constant 0 : i32
    return %c0_i32, %c0_i32_0 : i32, i32
  }
  func.func @transform_5(%arg0: i32) -> (i32, i32) {
    %c0_i32 = arith.constant 0 : i32
    %c0_i32_0 = arith.constant 0 : i32
    %c0_i32_1 = arith.constant 0 : i32
    return %c0_i32, %c0_i32_0 : i32, i32
  }
  func.func @transform_6(%arg0: i32) -> (i32, i32) {
    %c0_i32 = arith.constant 0 : i32
    %c0_i32_0 = arith.constant 0 : i32
    %c0_i32_1 = arith.constant 0 : i32
    return %c0_i32, %c0_i32_0 : i32, i32
  }
  func.func @transform_7(%arg0: i32) -> (i32, i32) {
    %c0_i32 = arith.constant 0 : i32
    %c0_i32_0 = arith.constant 0 : i32
    return %arg0, %c0_i32 : i32, i32
  }
  func.func @transform_8(%arg0: i32) -> (i32, i32) {
    %c0_i32 = arith.constant 0 : i32
    %c0_i32_0 = arith.constant 0 : i32
    return %arg0, %c0_i32 : i32, i32
  }
}

module attributes {stable_mosaic.version = 14 : i64} {
  func.func @body(%arg0: i32, %arg1: memref<1024x64xf32, #tpu.memory_space<vmem>>, %arg2: memref<2x1024x64xf32, #tpu.memory_space<vmem>>, %arg3: memref<1024x1xf32, #tpu.memory_space<vmem>>, %arg4: memref<1024x64xf32, #tpu.memory_space<vmem>>) attributes {dimension_semantics = [#tpu.dimension_semantics<arbitrary>], iteration_bounds = array<i64: 10>, scalar_prefetch = 0 : i64, scratch_operands = 0 : i64, tpu.core_type = #tpu.core_type<tc>, window_params = [{transform_indices = @transform_0, window_bounds = array<i64: 1024, 64>}, {transform_indices = @transform_1, window_bounds = array<i64: 2, 1024, 64>}, {transform_indices = @transform_2, window_bounds = array<i64: 1024, 1>}, {transform_indices = @transform_3, window_bounds = array<i64: 1024, 64>}]} {
    %get3A = arith.constant 0 : index
    %get3A_0 = arith.constant 0 : index
    %get3A_1 = arith.constant 0 : index
    %get3A_2 = vector.load %arg2[%get3A, %get3A_0, %get3A_1] : memref<2x1024x64xf32, #tpu.memory_space<vmem>>, vector<1x1024x64xf32>
    %get3A_3 = vector.shape_cast %get3A_2 : vector<1x1024x64xf32> to vector<1024x64xf32>
    %get3A_4 = arith.constant 1 : index
    %get3A_5 = arith.constant 0 : index
    %get3A_6 = arith.constant 0 : index
    %get3A_7 = vector.load %arg2[%get3A_4, %get3A_5, %get3A_6] : memref<2x1024x64xf32, #tpu.memory_space<vmem>>, vector<1x1024x64xf32>
    %get3A_8 = vector.shape_cast %get3A_7 : vector<1x1024x64xf32> to vector<1024x64xf32>
    %add3A = arith.addf %get3A_3, %get3A_8 : vector<1024x64xf32>
    %get3A_9 = arith.constant 0 : index
    %get3A_10 = arith.constant 0 : index
    %get3A_11 = vector.load %arg1[%get3A_9, %get3A_10] : memref<1024x64xf32, #tpu.memory_space<vmem>>, vector<1024x64xf32>
    %get3A_12 = arith.constant 0 : index
    %get3A_13 = arith.constant 0 : index
    %get3A_14 = vector.load %arg3[%get3A_12, %get3A_13] : memref<1024x1xf32, #tpu.memory_space<vmem>>, vector<1024x1xf32>
    %mul3A = vector.broadcast %get3A_14 : vector<1024x1xf32> to vector<1024x64xf32>
    %mul3A_15 = arith.mulf %add3A, %mul3A : vector<1024x64xf32>
    %add3A_16 = arith.addf %get3A_11, %mul3A_15 : vector<1024x64xf32>
    %swap3A = arith.constant 0 : index
    %swap3A_17 = arith.constant 0 : index
    %swap3A_18 = vector.load %arg4[%swap3A, %swap3A_17] : memref<1024x64xf32, #tpu.memory_space<vmem>>, vector<1024x64xf32>
    tpu.vector_store %arg4[%swap3A, %swap3A_17], %add3A_16 {strides = array<i32>} : memref<1024x64xf32, #tpu.memory_space<vmem>>, vector<1024x64xf32>,
    return
  }
  func.func @transform_0(%arg0: i32) -> (i32, i32) {
    %c0_i32 = arith.constant 0 : i32
    %c0_i32_0 = arith.constant 0 : i32
    return %arg0, %c0_i32 : i32, i32
  }
  func.func @transform_1(%arg0: i32) -> (i32, i32, i32) {
    %c0_i32 = arith.constant 0 : i32
    %c0_i32_0 = arith.constant 0 : i32
    %c0_i32_1 = arith.constant 0 : i32
    return %c0_i32, %arg0, %c0_i32_0 : i32, i32, i32
  }
  func.func @transform_2(%arg0: i32) -> (i32, i32) {
    %c0_i32 = arith.constant 0 : i32
    %c0_i32_0 = arith.constant 0 : i32
    return %arg0, %c0_i32 : i32, i32
  }
  func.func @transform_3(%arg0: i32) -> (i32, i32) {
    %c0_i32 = arith.constant 0 : i32
    %c0_i32_0 = arith.constant 0 : i32
    return %arg0, %c0_i32 : i32, i32
  }
}

</mosaic_0001>

<sc_bundles>
// kernel: kernel.10.cloned.1.call-start
scs
__scs_entry_jumppad:
0x0: {  	(pc) =	sbr.rel $0x88, $3  }
0x1: {  	(tag) =	ssettag $0x0;
	lr =	simm.s32 $0x1  }
0x2: {  	[smem:$0x3F91] =	sst lr;
	_ =	strace $0xD0000000  }
0x3: {  	_ = 	snop  }
0x4: {  	_ = 	snop  }
0x5: {  	_ = 	snop  }
0x6: {  	_ = 	snop  }
0x7: {  	_ = 	snop  }
__scs_overlays_trampoline_lowered:
0x8: {  	[smem:$0x3FA0] =	sst s0  }
0x9: {  	[smem:$0x3FA1] =	sst s1  }
0xa: {  	[smem:$0x3FA2] =	sst s2  }
0xb: {  	[smem:$0x3FA3] =	sst s3  }
0xc: {  	[smem:$0x3FA4] =	sst s4  }
0xd: {  	[smem:$0x3FA5] =	sst s5  }
0xe: {  	[smem:$0x3FA6] =	sst s6  }
0xf: {  	[smem:$0x3FA7] =	sst s7  }
0x10: {  	[smem:$0x3FA8] =	sst s8  }
0x11: {  	[smem:$0x3FA9] =	sst s9;
	s0 =	simm.s32 @!p0 $0x0  }
0x12: {  	s1 =	sld [smem:$0x3F8F];
	s0 =	simm.s32 @p0 $0x1  }
0x13: {  	[smem:$0x3FAA] =	sst s0;
	s0 =	simm.s32 @!p1 $0x0  }
0x14: {  	s2 =	sld [smem:$0x3F8E];
	s0 =	simm.s32 @p1 $0x1  }
0x15: {  	[smem:$0x3FAB] =	sst s0;
	s0 =	simm.s32 @!p2 $0x0  }
0x16: {  	s3 =	sld [smem:$0x3FDB];
	s0 =	simm.s32 @p2 $0x1  }
0x17: {  	s4 =	simm.s32 $0x1BF5;
	[smem:$0x3FAD] =	sst s0  }
0x18: {  	s0 =	sld [smem:$0x3F90];
	_ =	swait.ge [sflag:s4], $0x0  }
0x19: {  	s7 =	sld [smem:$0x3F91]  }
0x1a: {  	s8 =	sadd.s32 $0xFFFFE003, lr  }
0x1b: {  	s9 =	sadd.s32 $0xFFFFFEF7, lr;
	s5 =	simm.s32 $0xFFFFFFFF;
	p2 =	slt.u32 s8, $0xFFFFF086  }
0x1c: {  	p1 =	slt.u32 s9, $0xF7A;
	s5 =	simm.s32 @!p2 $0x0  }
0x1d: {  	s5 =	simm.s32 @p1 $0x1;
	p0 =	seq.s32 s7, s2  }
0x1e: {  	s7 =	smul.u32 @!p0 $0xF7A, s2;
	p2 =	seq.s32 @!p0 s5, $0x0  }
0x1f: {  	s9 =	smul.u32 $0xF7A, s1;
	s8 =	simm.s32 @!p0 $0x1BF5;
	p2 =	por !p2, p0  }
0x20: {  	[sflag:s8] =	ssyncset.s32 @!p0 $0xFFFFF086;
	s6 =	sadd.s32 @!p0 s3, s7;
	s7 =	simm.s32 @!p0 $0x108  }
0x21: {  	s3 =	sadd.s32 s3, s9;
	s6 =	sadd.s32 @!p0 $0x88, s6;
	s7 =	simm.s32 @p2 $0x1082  }
0x22: {  	[simem:s7], [sflag:s8] =	dma.local @!p0 [hbm:s6], $0xF7A  }
0x23: {  	s9 =	sor.u32 $0xD0000000, s2;
	s6 =	simm.s32 $0x108;
	_ =	swait.ge @!p0 [sflag:s8], $0x0  }
0x24: {  	s3 =	sadd.s32 $0x88, s3;
	s6 =	simm.s32 @!p1 $0x1082;
	[sflag:s4] =	ssyncset.s32 $0xFFFFF086  }
0x25: {  	[simem:s6], [sflag:s4] =	dma.local [hbm:s3], $0xF7A  }
0x26: {  	[smem:$0x3F91] =	sst s1;
	(tag) =	ssettag s2;
	_ =	strace s9  }
0x27: {  	s1 =	sld [smem:$0x3FA1]  }
0x28: {  	s2 =	sld [smem:$0x3FA2]  }
0x29: {  	s4 =	sld [smem:$0x3FA4]  }
0x2a: {  	p0 =	seq.s32 s5, $0x0;
	s5 =	sld [smem:$0x3FA5]  }
0x2b: {  	s6 =	sld [smem:$0x3FA6]  }
0x2c: {  	s7 =	sld [smem:$0x3FA7]  }
0x2d: {  	s3 =	simm.s32 $0x108;
	s8 =	sld [smem:$0x3FA8]  }
0x2e: {  	s3 =	simm.s32 @!p0 $0x1082;
	s9 =	sld [smem:$0x3FA9]  }
0x2f: {  	lr =	sadd.s32 s0, s3;
	s0 =	sld [smem:$0x3FA0]  }
0x30: {  	s3 =	sld [smem:$0x3FA3]  }
0x31: {  	[smem:$0x3FAC] =	sst s10  }
0x32: {  	s10 =	sld [smem:$0x3FAA];
	_ =	sdelay $0x3  }
0x33: {  	p0 =	seq.s32 s10, $0x1;
	s10 =	sld [smem:$0x3FAC];
	_ =	sdelay $0x3  }
0x34: {  	[smem:$0x3FAC] =	sst s10  }
0x35: {  	s10 =	sld [smem:$0x3FAB];
	_ =	sdelay $0x3  }
0x36: {  	p1 =	seq.s32 s10, $0x1;
	s10 =	sld [smem:$0x3FAC];
	_ =	sdelay $0x3  }
0x37: {  	[smem:$0x3FAC] =	sst s10  }
0x38: {  	s10 =	sld [smem:$0x3FAD]  }
0x39: {  	_ = 	snop;
	(pc) =	sbr.ind lr, $3  }
0x3a: {  	_ = 	snop  }
0x3b: {  	_ = 	snop  }
0x3c: {  	p2 =	seq.s32 s10, $0x1;
	s10 =	sld [smem:$0x3FAC]  }
0x3d: {  	_ =	shalt  }
0x3e: {  	_ =	shalt  }
0x3f: {  	_ =	shalt  }
0x40: {  	_ =	shalt  }
0x41: {  	_ =	shalt  }
0x42: {  	_ =	shalt  }
0x43: {  	_ =	shalt  }
0x44: {  	_ =	shalt  }
0x45: {  	_ =	shalt  }
0x46: {  	_ =	shalt  }
0x47: {  	_ =	shalt  }
0x48: {  	_ =	shalt  }
0x49: {  	_ =	shalt  }
0x4a: {  	_ =	shalt  }
0x4b: {  	_ =	shalt  }
0x4c: {  	_ =	shalt  }
0x4d: {  	_ =	shalt  }
0x4e: {  	_ =	shalt  }
0x4f: {  	_ =	shalt  }
0x50: {  	_ =	shalt  }
0x51: {  	_ =	shalt  }
0x52: {  	_ =	shalt  }
0x53: {  	_ =	shalt  }
0x54: {  	_ =	shalt  }
0x55: {  	_ =	shalt  }
0x56: {  	_ =	shalt  }
0x57: {  	_ =	shalt  }
0x58: {  	_ =	shalt  }
0x59: {  	_ =	shalt  }
0x5a: {  	_ =	shalt  }
0x5b: {  	_ =	shalt  }
0x5c: {  	_ =	shalt  }
0x5d: {  	_ =	shalt  }
0x5e: {  	_ =	shalt  }
0x5f: {  	_ =	shalt  }
0x60: {  	_ =	shalt  }
0x61: {  	_ =	shalt  }
0x62: {  	_ =	shalt  }
0x63: {  	_ =	shalt  }
0x64: {  	_ =	shalt  }
0x65: {  	_ =	shalt  }
0x66: {  	_ =	shalt  }
0x67: {  	_ =	shalt  }
0x68: {  	_ =	shalt  }
0x69: {  	_ =	shalt  }
0x6a: {  	_ =	shalt  }
0x6b: {  	_ =	shalt  }
0x6c: {  	_ =	shalt  }
0x6d: {  	_ =	shalt  }
0x6e: {  	_ =	shalt  }
0x6f: {  	_ =	shalt  }
0x70: {  	_ =	shalt  }
0x71: {  	_ =	shalt  }
0x72: {  	_ =	shalt  }
0x73: {  	_ =	shalt  }
0x74: {  	_ =	shalt  }
0x75: {  	_ =	shalt  }
0x76: {  	_ =	shalt  }
0x77: {  	_ =	shalt  }
0x78: {  	_ =	shalt  }
0x79: {  	_ =	shalt  }
0x7a: {  	_ =	shalt  }
0x7b: {  	_ =	shalt  }
0x7c: {  	_ =	shalt  }
0x7d: {  	_ =	shalt  }
0x7e: {  	_ =	shalt  }
0x7f: {  	_ =	shalt  }
0x80: {  	_ =	shalt  }
0x81: {  	_ =	shalt  }
0x82: {  	_ =	shalt  }
0x83: {  	_ =	shalt  }
0x84: {  	_ =	shalt  }
0x85: {  	_ =	shalt  }
0x86: {  	_ =	shalt  }
0x87: {  	_ =	shalt  }
.Lfunc_end0:
.L_simem_size_0:
called_computation_lowered:
.L_overlay_start_0:
0x88: {  	s2 =	sld [smem:$0x3FD9]  }
0x89: {  	s3 =	sld [smem:$0x3FFE];
	_ =	sdelay $0x1  }
0x8a: {  	s1 =	srdreg.scid  }
0x8b: {  	s0 =	sand.u32 $0x1, s1  }
0x8c: {  	s17 =	sshll.u32 s0, $0xA;
	s2 =	sadd.s32 s3, s2  }
0x8d: {  	s2 =	sadd.s32 s2, s17  }
0x8e: {  	[smem:$0x3FB8] =	sst s2  }
0x8f: {  	_ = 	snop  }
0x90: {  	s2 =	sld [smem:$0x3FD0];
	(tm) =	ssettm $0x1  }
0x91: {  	s18 =	sld [smem:$0x3FFB];
	_ =	sdelay $0x3  }
0x92: {  	_ =	strace s18  }
0x93: {  	s3 =	sld [smem:$0x3FFC];
	_ =	sdelay $0x3  }
0x94: {  	_ =	strace s3  }
0x95: {  	s3 =	sld [smem:$0x3FFD];
	_ =	sdelay $0x3  }
0x96: {  	_ =	strace s3  }
0x97: {  	_ =	strace $0x8FFFFFFF  }
0x98: {  	s19 =	sld [smem:$0x3FDB];
	_ =	sdelay $0x1  }
0x99: {  	s4 =	simm.s32 $_scs_section_size  }
0x9a: {  	s5 =	simm.s32 $_size__tile_overlayer_lowered;
	s6 =	simm.s32 $_tile_overlayer_lowered  }
0x9b: {  	s22 =	simm.s32 $0x1BFF;
	s21 =	sshll.u32 s6, $0x1;
	s3 =	sadd.s32 s4, s19  }
0x9c: {  	s7 =	simm.s32 $0x0;
	s20 =	sshll.u32 s5, $0x1;
	s5 =	sadd.s32 s21, s3  }
0x9d: {  	[timem:s7], [sflag:s22] =	dma.local [hbm:s5], s20  }
0x9e: {  	_ =	swait.ge [sflag:s22], s20  }
0x9f: {  	s4 =	ssub.s32 $0x0, s20;
	[sflag:s22] =	ssyncset.done $0x0  }
0xa0: {  	[sflag:s22] =	ssyncadd.s32 s4;
	_ =	sdelay $0x1  }
0xa1: {  	s23 =	simm.s32 $0x1B8B  }
0xa2: {  	_ =	swait.ge [sflag:s23], $0x1  }
0xa3: {  	[sflag:s23] =	ssyncset.done $0x0  }
0xa4: {  	s25 =	simm.s32 $0x1B8E;
	s24 =	sld [smem:$0x3FFE];
	[sflag:s23] =	ssyncadd.s32 $0xFFFFFFFF  }
0xa5: {  	s26 =	simm.s32 $execute0_lowered;
	[smem:$0x3FD2] =	sst s25  }
0xa6: {  	s5 =	sshll.u32 s26, $0x1;
	_ =	strace $0x80000046;
	[dreg:$0x1] =	wrdreg $0xFFFFFFFF  }
0xa7: {  	s28 =	simm.s32 $_size_execute0_lowered;
	s3 =	sadd.s32 s3, s5;
	[dreg:$0x0] =	wrdreg $0x0  }
0xa8: {  	s5 =	sshll.u32 s28, $0x1;
	[dreg:$0x2] =	wrdreg s3  }
0xa9: {  	[dreg:$0x3] =	wrdreg s5  }
0xaa: {  	[dreg:$0x4] =	wrdreg $0xC0  }
0xab: {  	_ =	task [dreg:s7], $0x5FFFF  }
0xac: {  	[dreg:$0x1] =	wrdreg $0xFFFFFFFF  }
0xad: {  	[dreg:$0x0] =	wrdreg $0x60  }
0xae: {  	[dreg:$0x2] =	wrdreg s2  }
0xaf: {  	[dreg:$0x3] =	wrdreg s24  }
0xb0: {  	[dreg:$0x4] =	wrdreg $0x2C000  }
0xb1: {  	[dreg:$0x5] =	wrdreg $0x9  }
0xb2: {  	_ =	task.clear_ibuf [dreg:s7], $0x6FFFF;
	_ =	strace $0x90000046  }
0xb3: {  	s29 =	simm.s32 $0x9;
	_ =	strace $0x80000048  }
0xb4: {  	_ =	swait.ge [sflag:s29], $0x1  }
0xb5: {  	[sflag:s29] =	ssyncadd.s32 $0xFFFFFFFF  }
0xb6: {  	_ =	strace $0x90000048  }
0xb7: {  	_ =	sfence  }
0xb8: {  	s30 =	sld [smem:$0x0];
	_ =	sdelay $0x2  }
0xb9: {  	s31 =	sshll.u32 s1, $0xD;
	s1 =	sshrl.u32 s1, $0x2  }
0xba: {  	s3 =	sand.u32 $0x4000, s31;
	s1 =	sadd.s32 s1, s30  }
0xbb: {  	s0 =	sor.u32 s3, s0;
	s1 =	sshll.u32 s1, $0x11  }
0xbc: {  	s0 =	sor.u32 s1, s0  }
0xbd: {  	s0 =	sadd.s32 $0x8F2B, s0  }
0xbe: {  	[sflag:s0] =	ssyncadd.remote.s32 $0x1  }
0xbf: {  	_ =	sfence.sel $0xFFFF  }
0xc0: {  	[dreg:$0x0] =	wrdreg $0xFFFFFFFF;
	(pc) =	sbr.abs _section_cstart, $3  }
0xc1: {  	[dreg:$0x1] =	wrdreg $0xFFFFFFFF  }
0xc2: {  	_ =	task.clear_ibuf [dreg:s7], $0x2FFFF;
	_ =	strace $0x9FFFFFFF  }
0xc3: {  	(tm) =	ssettm $0x7FFFFFFF  }
tec
execute0_lowered:
.L_overlay_start_1:
0x0: {  	(tag) =	ssettag $0x1  }
0x1: {  	s7 =	rddreg [dreg:$0x0]  }
0x2: {  	s6 =	rddreg [dreg:$0x1]  }
0x3: {  	s2 =	rddreg [dreg:$0x2]  }
0x4: {  	s0 =	rddreg [dreg:$0x3]  }
0x5: {  	s4 =	srdreg.scid;
	s1 =	stileid.u32;
	s3 =	simm.s32 $0x0  }
0x6: {  	s14 =	simm.s32 $0x0;
	s8 =	sand.u32 $0x1, s4;
	s9 =	smul.u32 $0x1400, s1  }
0x7: {  	[smem:$0x7FF] =	sst s3;
	s4 =	sadd.s32 $0x4600, s6;
	s5 =	sadd.s32 $0x4200, s6  }
0x8: {  	s31 =	sshll.u32 s1, $0x6;
	s10 =	smul.u32 $0x14000, s8;
	s11 =	sshll.u32 s8, $0x4  }
0x9: {  	_ =	strace $0x80000047;
	s8 =	ssub.s32 $0x2, s8;
	s11 =	sor.u32 s1, s11  }
0xa: {  	s30 =	sshrl.u32 s8, $0x1;
	s13 =	sadd.s32 s9, s2;
	s10 =	sadd.s32 s9, s10  }
0xb: {  	s11 =	smul.u32 $0x500, s11;
	s12 =	ssub.s32 s8, s30;
	s10 =	sshrl.u32 s10, $0x3  }
0xc: {  	s9 =	smax.u32 s12, $0x1;
	s12 =	simm.s32 $0x2800;
	s10 =	sadd.s32 s10, s6  }
0xd: {  	s6 =	sor.u32 $0x1C01, s31;
	s7 =	sadd.s32 s7, s11;
	s11 =	simm.s32 $0x1  }
0xe: {  	s8 =	sadd.s32 $0x4800, s10;
	s10 =	sshrl.u32 s13, $0x3;
	s13 =	simm.s32 $0x80  }
.LBB2_1:
0xf: {  	[spmem:s10], [sflag:s6] =	dma.local [hbm:s5], $0x280  }
0x10: {  	_ =	swait.ge [sflag:s11], $0x280  }
0x11: {  	[sflag:s11] =	ssyncset.done $0x0  }
0x12: {  	[sflag:s11] =	ssyncadd.s32 $0xFFFFFD80  }
0x13: {  	[tilespmem:s3], [sflag:$0x1] =	stream.linear.gather [hbm4b:s7+s3], $0x2800, $0x38;
	[tilespmem:$0x4000] =	vst v63  }
0x14: {  	_ =	swait.ge [sflag:s11], $0x2800  }
0x15: {  	[sflag:s11] =	ssyncset.done $0x0  }
0x16: {  	[sflag:s11] =	ssyncadd.s32 $0xFFFFD800  }
0x17: {  	[tilespmem:s12], [sflag:$0x1] =	stream.linear.gather [hbm4b:s4+s3], $0x400, $0x38;
	[tilespmem:$0x4000] =	vst v63  }
0x18: {  	_ =	swait.ge [sflag:s11], $0x400  }
0x19: {  	[sflag:s11] =	ssyncset.done $0x0  }
0x1a: {  	[sflag:s11] =	ssyncadd.s32 $0xFFFFFC00  }
0x1b: {  	s15 =	simm.s32 $0x0;
	[bflag:$0x0] =	sbarrier.arrive $0xFFFF  }
0x1c: {  	[spmem:s2] =	stream.indirect.scatter.add.f32 [tilespmem:s12], [sflag:$0x1], $0x8, s15, s13, $0xb8;
	[tilespmem:$0x4000] =	vst v63  }
0x1d: {  	_ =	swait.ge [sflag:s11], $0x400  }
0x1e: {  	s15 =	simm.s32 $0x200;
	[sflag:s11] =	ssyncset.done $0x0  }
.LBB2_2:
0x1f: {  	s16 =	sshra.s32 s15, $0x2;
	[sflag:s11] =	ssyncadd.s32 $0xFFFFFC00;
	p0 =	sne.s32 s15, $0x9E00  }
0x20: {  	[spmem:s2] =	stream.indirect.scatter.add.f32 [tilespmem:s12], [sflag:$0x1], $0x8, s16, s13, $0xb8;
	[tilespmem:$0x4000] =	vst v63  }
.Ltmp0:
0x21: {  	_ = 	snop;
	(pc) =	sbr.rel @p0 .LBB2_2-.Ltmp0, $4  }
0x22: {  	_ = 	snop  }
0x23: {  	s15 =	sadd.s32 $0x200, s15  }
0x24: {  	_ =	swait.ge [sflag:s11], $0x400  }
0x25: {  	[sflag:s11] =	ssyncset.done $0x0  }
0x26: {  	s14 =	sadd.s32 $0x1, s14  }
0x27: {  	[sflag:s11] =	ssyncadd.s32 $0xFFFFFC00;
	p0 =	sne.s32 s14, s9  }
.Ltmp1:
0x28: {  	[bflag:$0x0] =	sbarrier.arrive $0xFFFF;
	(pc) =	sbr.rel @p0 .LBB2_1-.Ltmp1, $4  }
0x29: {  	[hbm:s8], [sflag:s6] =	dma.local [spmem:s10], $0x280  }
0x2a: {  	_ =	swait.ge [sflag:s11], $0x280  }
0x2b: {  	[sflag:s11] =	ssyncset.done $0x0  }
0x2c: {  	[sflag:s11] =	ssyncadd.s32 $0xFFFFFD80  }
0x2d: {  	_ =	sfence.sel $0x180000  }
0x2e: {  	[bflag:$0x0] =	sbarrier.arrive $0xFFFF  }
0x2f: {  	p0 =	sne.s32 s1, $0x0;
	_ =	strace $0x90000047  }
0x30: {  	s0 =	sadd.s32 @!p0 $0x100000, s0;
	[bflag:$0x2] =	sbarrier.arrive $0xFFFF  }
0x31: {  	[sflag:s0] =	ssyncadd.tile.s32 @!p0 $0x1;
	_ =	shalt  }
.Lfunc_end2:
_tile_overlayer_lowered:
.L_overlay_start_2:
0x32: {  	(tag) =	ssettag $0x2  }
0x33: {  	s0 =	rddreg [dreg:$0x0];
	s2 =	stileid.u32  }
0x34: {  	s1 =	rddreg [dreg:$0x1];
	p0 =	sne.s32 s2, $0x0  }
0x35: {  	s3 =	rddreg [dreg:$0x2];
	[bflag:$0x3] =	sbarrier.arrive $0xFFFF;
	s2 =	simm.s32 @!p0 $0x1C01  }
0x36: {  	[timem:s3], [sflag:s2] =	dma.local @!p0 [hbm:s0], s1  }
0x37: {  	s0 =	simm.s32 @!p0 $0x1  }
0x38: {  	_ =	swait.ge @!p0 [sflag:s0], s1  }
0x39: {  	s1 =	ssub.s32 @!p0 $0x0, s1;
	[sflag:s0] =	ssyncset.done @!p0 $0x0  }
0x3a: {  	[sflag:s0] =	ssyncadd.s32 @!p0 s1  }
0x3b: {  	[bflag:$0x3] =	sbarrier.arrive $0xFFFF  }
0x3c: {  	_ =	shalt  }

// kernel: kernel.13.cloned.1.call-start
scs
__scs_entry_jumppad:
0x0: {  	(pc) =	sbr.rel $0x88, $3  }
0x1: {  	(tag) =	ssettag $0x0;
	lr =	simm.s32 $0x1  }
0x2: {  	[smem:$0x3F91] =	sst lr;
	_ =	strace $0xD0000000  }
0x3: {  	_ = 	snop  }
0x4: {  	_ = 	snop  }
0x5: {  	_ = 	snop  }
0x6: {  	_ = 	snop  }
0x7: {  	_ = 	snop  }
__scs_overlays_trampoline_lowered:
0x8: {  	[smem:$0x3FA0] =	sst s0  }
0x9: {  	[smem:$0x3FA1] =	sst s1  }
0xa: {  	[smem:$0x3FA2] =	sst s2  }
0xb: {  	[smem:$0x3FA3] =	sst s3  }
0xc: {  	[smem:$0x3FA4] =	sst s4  }
0xd: {  	[smem:$0x3FA5] =	sst s5  }
0xe: {  	[smem:$0x3FA6] =	sst s6  }
0xf: {  	[smem:$0x3FA7] =	sst s7  }
0x10: {  	[smem:$0x3FA8] =	sst s8  }
0x11: {  	[smem:$0x3FA9] =	sst s9;
	s0 =	simm.s32 @!p0 $0x0  }
0x12: {  	s1 =	sld [smem:$0x3F8F];
	s0 =	simm.s32 @p0 $0x1  }
0x13: {  	[smem:$0x3FAA] =	sst s0;
	s0 =	simm.s32 @!p1 $0x0  }
0x14: {  	s2 =	sld [smem:$0x3F8E];
	s0 =	simm.s32 @p1 $0x1  }
0x15: {  	[smem:$0x3FAB] =	sst s0;
	s0 =	simm.s32 @!p2 $0x0  }
0x16: {  	s3 =	sld [smem:$0x3FDB];
	s0 =	simm.s32 @p2 $0x1  }
0x17: {  	s4 =	simm.s32 $0x1BF5;
	[smem:$0x3FAD] =	sst s0  }
0x18: {  	s0 =	sld [smem:$0x3F90];
	_ =	swait.ge [sflag:s4], $0x0  }
0x19: {  	s7 =	sld [smem:$0x3F91]  }
0x1a: {  	s8 =	sadd.s32 $0xFFFFE003, lr  }
0x1b: {  	s9 =	sadd.s32 $0xFFFFFEF7, lr;
	s5 =	simm.s32 $0xFFFFFFFF;
	p2 =	slt.u32 s8, $0xFFFFF086  }
0x1c: {  	p1 =	slt.u32 s9, $0xF7A;
	s5 =	simm.s32 @!p2 $0x0  }
0x1d: {  	s5 =	simm.s32 @p1 $0x1;
	p0 =	seq.s32 s7, s2  }
0x1e: {  	s7 =	smul.u32 @!p0 $0xF7A, s2;
	p2 =	seq.s32 @!p0 s5, $0x0  }
0x1f: {  	s9 =	smul.u32 $0xF7A, s1;
	s8 =	simm.s32 @!p0 $0x1BF5;
	p2 =	por !p2, p0  }
0x20: {  	[sflag:s8] =	ssyncset.s32 @!p0 $0xFFFFF086;
	s6 =	sadd.s32 @!p0 s3, s7;
	s7 =	simm.s32 @!p0 $0x108  }
0x21: {  	s3 =	sadd.s32 s3, s9;
	s6 =	sadd.s32 @!p0 $0x88, s6;
	s7 =	simm.s32 @p2 $0x1082  }
0x22: {  	[simem:s7], [sflag:s8] =	dma.local @!p0 [hbm:s6], $0xF7A  }
0x23: {  	s9 =	sor.u32 $0xD0000000, s2;
	s6 =	simm.s32 $0x108;
	_ =	swait.ge @!p0 [sflag:s8], $0x0  }
0x24: {  	s3 =	sadd.s32 $0x88, s3;
	s6 =	simm.s32 @!p1 $0x1082;
	[sflag:s4] =	ssyncset.s32 $0xFFFFF086  }
0x25: {  	[simem:s6], [sflag:s4] =	dma.local [hbm:s3], $0xF7A  }
0x26: {  	[smem:$0x3F91] =	sst s1;
	(tag) =	ssettag s2;
	_ =	strace s9  }
0x27: {  	s1 =	sld [smem:$0x3FA1]  }
0x28: {  	s2 =	sld [smem:$0x3FA2]  }
0x29: {  	s4 =	sld [smem:$0x3FA4]  }
0x2a: {  	p0 =	seq.s32 s5, $0x0;
	s5 =	sld [smem:$0x3FA5]  }
0x2b: {  	s6 =	sld [smem:$0x3FA6]  }
0x2c: {  	s7 =	sld [smem:$0x3FA7]  }
0x2d: {  	s3 =	simm.s32 $0x108;
	s8 =	sld [smem:$0x3FA8]  }
0x2e: {  	s3 =	simm.s32 @!p0 $0x1082;
	s9 =	sld [smem:$0x3FA9]  }
0x2f: {  	lr =	sadd.s32 s0, s3;
	s0 =	sld [smem:$0x3FA0]  }
0x30: {  	s3 =	sld [smem:$0x3FA3]  }
0x31: {  	[smem:$0x3FAC] =	sst s10  }
0x32: {  	s10 =	sld [smem:$0x3FAA];
	_ =	sdelay $0x3  }
0x33: {  	p0 =	seq.s32 s10, $0x1;
	s10 =	sld [smem:$0x3FAC];
	_ =	sdelay $0x3  }
0x34: {  	[smem:$0x3FAC] =	sst s10  }
0x35: {  	s10 =	sld [smem:$0x3FAB];
	_ =	sdelay $0x3  }
0x36: {  	p1 =	seq.s32 s10, $0x1;
	s10 =	sld [smem:$0x3FAC];
	_ =	sdelay $0x3  }
0x37: {  	[smem:$0x3FAC] =	sst s10  }
0x38: {  	s10 =	sld [smem:$0x3FAD]  }
0x39: {  	_ = 	snop;
	(pc) =	sbr.ind lr, $3  }
0x3a: {  	_ = 	snop  }
0x3b: {  	_ = 	snop  }
0x3c: {  	p2 =	seq.s32 s10, $0x1;
	s10 =	sld [smem:$0x3FAC]  }
0x3d: {  	_ =	shalt  }
0x3e: {  	_ =	shalt  }
0x3f: {  	_ =	shalt  }
0x40: {  	_ =	shalt  }
0x41: {  	_ =	shalt  }
0x42: {  	_ =	shalt  }
0x43: {  	_ =	shalt  }
0x44: {  	_ =	shalt  }
0x45: {  	_ =	shalt  }
0x46: {  	_ =	shalt  }
0x47: {  	_ =	shalt  }
0x48: {  	_ =	shalt  }
0x49: {  	_ =	shalt  }
0x4a: {  	_ =	shalt  }
0x4b: {  	_ =	shalt  }
0x4c: {  	_ =	shalt  }
0x4d: {  	_ =	shalt  }
0x4e: {  	_ =	shalt  }
0x4f: {  	_ =	shalt  }
0x50: {  	_ =	shalt  }
0x51: {  	_ =	shalt  }
0x52: {  	_ =	shalt  }
0x53: {  	_ =	shalt  }
0x54: {  	_ =	shalt  }
0x55: {  	_ =	shalt  }
0x56: {  	_ =	shalt  }
0x57: {  	_ =	shalt  }
0x58: {  	_ =	shalt  }
0x59: {  	_ =	shalt  }
0x5a: {  	_ =	shalt  }
0x5b: {  	_ =	shalt  }
0x5c: {  	_ =	shalt  }
0x5d: {  	_ =	shalt  }
0x5e: {  	_ =	shalt  }
0x5f: {  	_ =	shalt  }
0x60: {  	_ =	shalt  }
0x61: {  	_ =	shalt  }
0x62: {  	_ =	shalt  }
0x63: {  	_ =	shalt  }
0x64: {  	_ =	shalt  }
0x65: {  	_ =	shalt  }
0x66: {  	_ =	shalt  }
0x67: {  	_ =	shalt  }
0x68: {  	_ =	shalt  }
0x69: {  	_ =	shalt  }
0x6a: {  	_ =	shalt  }
0x6b: {  	_ =	shalt  }
0x6c: {  	_ =	shalt  }
0x6d: {  	_ =	shalt  }
0x6e: {  	_ =	shalt  }
0x6f: {  	_ =	shalt  }
0x70: {  	_ =	shalt  }
0x71: {  	_ =	shalt  }
0x72: {  	_ =	shalt  }
0x73: {  	_ =	shalt  }
0x74: {  	_ =	shalt  }
0x75: {  	_ =	shalt  }
0x76: {  	_ =	shalt  }
0x77: {  	_ =	shalt  }
0x78: {  	_ =	shalt  }
0x79: {  	_ =	shalt  }
0x7a: {  	_ =	shalt  }
0x7b: {  	_ =	shalt  }
0x7c: {  	_ =	shalt  }
0x7d: {  	_ =	shalt  }
0x7e: {  	_ =	shalt  }
0x7f: {  	_ =	shalt  }
0x80: {  	_ =	shalt  }
0x81: {  	_ =	shalt  }
0x82: {  	_ =	shalt  }
0x83: {  	_ =	shalt  }
0x84: {  	_ =	shalt  }
0x85: {  	_ =	shalt  }
0x86: {  	_ =	shalt  }
0x87: {  	_ =	shalt  }
.Lfunc_end0:
.L_simem_size_0:
called_computation.1_lowered:
.L_overlay_start_0:
0x88: {  	s2 =	sld [smem:$0x3FD9]  }
0x89: {  	s3 =	sld [smem:$0x3FFE];
	_ =	sdelay $0x1  }
0x8a: {  	s1 =	srdreg.scid  }
0x8b: {  	s0 =	sand.u32 $0x1, s1  }
0x8c: {  	s17 =	sshll.u32 s0, $0xA;
	s2 =	sadd.s32 s3, s2  }
0x8d: {  	s2 =	sadd.s32 s2, s17  }
0x8e: {  	[smem:$0x3FB8] =	sst s2  }
0x8f: {  	_ = 	snop  }
0x90: {  	s2 =	sld [smem:$0x3FD0];
	(tm) =	ssettm $0x1  }
0x91: {  	s18 =	sld [smem:$0x3FFB];
	_ =	sdelay $0x3  }
0x92: {  	_ =	strace s18  }
0x93: {  	s3 =	sld [smem:$0x3FFC];
	_ =	sdelay $0x3  }
0x94: {  	_ =	strace s3  }
0x95: {  	s3 =	sld [smem:$0x3FFD];
	_ =	sdelay $0x3  }
0x96: {  	_ =	strace s3  }
0x97: {  	_ =	strace $0x8FFFFFFF  }
0x98: {  	s19 =	sld [smem:$0x3FDB];
	_ =	sdelay $0x1  }
0x99: {  	s4 =	simm.s32 $_scs_section_size  }
0x9a: {  	s5 =	simm.s32 $_size__tile_overlayer_lowered;
	s6 =	simm.s32 $_tile_overlayer_lowered  }
0x9b: {  	s22 =	simm.s32 $0x1BFF;
	s21 =	sshll.u32 s6, $0x1;
	s3 =	sadd.s32 s4, s19  }
0x9c: {  	s7 =	simm.s32 $0x0;
	s20 =	sshll.u32 s5, $0x1;
	s5 =	sadd.s32 s21, s3  }
0x9d: {  	[timem:s7], [sflag:s22] =	dma.local [hbm:s5], s20  }
0x9e: {  	_ =	swait.ge [sflag:s22], s20  }
0x9f: {  	s4 =	ssub.s32 $0x0, s20;
	[sflag:s22] =	ssyncset.done $0x0  }
0xa0: {  	[sflag:s22] =	ssyncadd.s32 s4;
	_ =	sdelay $0x1  }
0xa1: {  	s23 =	simm.s32 $0x1B8B  }
0xa2: {  	_ =	swait.ge [sflag:s23], $0x1  }
0xa3: {  	[sflag:s23] =	ssyncset.done $0x0  }
0xa4: {  	s25 =	simm.s32 $0x1B8E;
	s24 =	sld [smem:$0x3FFE];
	[sflag:s23] =	ssyncadd.s32 $0xFFFFFFFF  }
0xa5: {  	s26 =	simm.s32 $execute0_lowered;
	[smem:$0x3FD2] =	sst s25  }
0xa6: {  	s5 =	sshll.u32 s26, $0x1;
	_ =	strace $0x80000049;
	[dreg:$0x1] =	wrdreg $0xFFFFFFFF  }
0xa7: {  	s28 =	simm.s32 $_size_execute0_lowered;
	s3 =	sadd.s32 s3, s5;
	[dreg:$0x0] =	wrdreg $0x0  }
0xa8: {  	s5 =	sshll.u32 s28, $0x1;
	[dreg:$0x2] =	wrdreg s3  }
0xa9: {  	[dreg:$0x3] =	wrdreg s5  }
0xaa: {  	[dreg:$0x4] =	wrdreg $0xC0  }
0xab: {  	_ =	task [dreg:s7], $0x5FFFF  }
0xac: {  	[dreg:$0x1] =	wrdreg $0xFFFFFFFF  }
0xad: {  	[dreg:$0x0] =	wrdreg $0x60  }
0xae: {  	[dreg:$0x2] =	wrdreg s24  }
0xaf: {  	[dreg:$0x3] =	wrdreg s2  }
0xb0: {  	[dreg:$0x4] =	wrdreg $0x90000  }
0xb1: {  	[dreg:$0x5] =	wrdreg $0xE0000  }
0xb2: {  	[dreg:$0x6] =	wrdreg $0x9  }
0xb3: {  	_ =	task.clear_ibuf [dreg:s7], $0x7FFFF;
	_ =	strace $0x90000049  }
0xb4: {  	s29 =	simm.s32 $0x9;
	_ =	strace $0x8000004B  }
0xb5: {  	_ =	swait.ge [sflag:s29], $0x1  }
0xb6: {  	[sflag:s29] =	ssyncadd.s32 $0xFFFFFFFF  }
0xb7: {  	_ =	strace $0x9000004B  }
0xb8: {  	_ =	sfence  }
0xb9: {  	s30 =	sld [smem:$0x0];
	_ =	sdelay $0x2  }
0xba: {  	s31 =	sshll.u32 s1, $0xD;
	s1 =	sshrl.u32 s1, $0x2  }
0xbb: {  	s3 =	sand.u32 $0x4000, s31;
	s1 =	sadd.s32 s1, s30  }
0xbc: {  	s0 =	sor.u32 s3, s0;
	s1 =	sshll.u32 s1, $0x11  }
0xbd: {  	s0 =	sor.u32 s1, s0  }
0xbe: {  	s0 =	sadd.s32 $0x8F2B, s0  }
0xbf: {  	[sflag:s0] =	ssyncadd.remote.s32 $0x1  }
0xc0: {  	_ =	sfence.sel $0xFFFF  }
0xc1: {  	[dreg:$0x0] =	wrdreg $0xFFFFFFFF;
	(pc) =	sbr.abs _section_cstart, $3  }
0xc2: {  	[dreg:$0x1] =	wrdreg $0xFFFFFFFF  }
0xc3: {  	_ =	task.clear_ibuf [dreg:s7], $0x2FFFF;
	_ =	strace $0x9FFFFFFF  }
0xc4: {  	(tm) =	ssettm $0x7FFFFFFF  }
0xc5: {  	_ =	shalt  }
tec
execute0_lowered:
.L_overlay_start_1:
0x0: {  	(tag) =	ssettag $0x1  }
0x1: {  	s0 =	rddreg [dreg:$0x0]  }
0x2: {  	s1 =	rddreg [dreg:$0x1]  }
0x3: {  	s2 =	rddreg [dreg:$0x2];
	s4 =	srdreg.scid  }
0x4: {  	s3 =	rddreg [dreg:$0x3];
	s13 =	stileid.u32;
	s15 =	simm.s32 $0x2800  }
0x5: {  	s16 =	simm.s32 $0x80;
	s17 =	simm.s32 $0x5000;
	s18 =	simm.s32 $0x1  }
0x6: {  	s19 =	simm.s32 $0x6000;
	s20 =	simm.s32 $0x2;
	s22 =	simm.s32 $0x7000  }
0x7: {  	s29 =	simm.s32 $0x4;
	s30 =	simm.s32 $0x5;
	s31 =	simm.s32 $0x6  }
0x8: {  	s23 =	simm.s32 $0x0;
	s5 =	sand.u32 $0x1, s4;
	s7 =	smul.u32 $0x5000, s13  }
0x9: {  	s4 =	simm.s32 $0x0;
	s28 =	sshll.u32 s13, $0x6;
	s6 =	sshll.u32 s5, $0x4  }
0xa: {  	s8 =	smul.u32 $0x50000, s5;
	[smem:$0x7FF] =	sst s4;
	s11 =	ssub.s32 $0x2, s5  }
0xb: {  	s5 =	sadd.s32 $0x4200, s0;
	s6 =	sor.u32 s13, s6;
	s9 =	sshrl.u32 s7, $0x3  }
0xc: {  	_ =	strace $0x8000004A;
	s26 =	sshrl.u32 s11, $0x1;
	s12 =	sadd.s32 s7, s2  }
0xd: {  	s14 =	sadd.s32 s7, s3;
	s13 =	simm.s32 $0x9;
	s10 =	smul.u32 $0x500, s6  }
0xe: {  	s9 =	sadd.s32 s9, s0;
	s24 =	sadd.s32 s7, s8;
	s11 =	ssub.s32 s11, s26  }
0xf: {  	s12 =	sshrl.u32 s12, $0x3;
	s14 =	sshrl.u32 s14, $0x3;
	s26 =	simm.s32 $0x8000  }
0x10: {  	s6 =	sshrl.u32 s24, $0x3;
	s7 =	sadd.s32 $0x13800, s9;
	s11 =	smax.u32 s11, $0x1  }
0x11: {  	s24 =	simm.s32 $0x3;
	s25 =	sadd.s32 s10, s0;
	s0 =	sadd.s32 s6, s0  }
0x12: {  	s6 =	sor.u32 $0x1C09, s28;
	s9 =	sadd.s32 s1, s10;
	s1 =	simm.s32 $0x8  }
0x13: {  	s8 =	sadd.s32 $0x9800, s25;
	s10 =	sadd.s32 $0x1D800, s0;
	s0 =	simm.s32 $0x7  }
.LBB2_1:
0x14: {  	[spmem:s12], [sflag:s6] =	dma.local [hbm:s5], $0xA00  }
0x15: {  	_ =	swait.ge [sflag:s13], $0xA00  }
0x16: {  	[sflag:s13] =	ssyncset.done $0x0  }
0x17: {  	[sflag:s13] =	ssyncadd.s32 $0xFFFFF600  }
0x18: {  	[spmem:s14], [sflag:s6] =	dma.local [hbm:s7], $0xA00  }
0x19: {  	_ =	swait.ge [sflag:s13], $0xA00  }
0x1a: {  	[sflag:s13] =	ssyncset.done $0x0  }
0x1b: {  	[sflag:s13] =	ssyncadd.s32 $0xFFFFF600  }
0x1c: {  	[tilespmem:s4], [sflag:$0x9] =	stream.linear.gather [hbm4b:s8+s4], $0x2800, $0x38;
	[tilespmem:$0x13000] =	vst v63  }
0x1d: {  	_ =	swait.ge [sflag:s13], $0x2800  }
0x1e: {  	[sflag:s13] =	ssyncset.done $0x0  }
0x1f: {  	[sflag:s13] =	ssyncadd.s32 $0xFFFFD800  }
0x20: {  	[tilespmem:s15], [sflag:$0x9] =	stream.linear.gather [hbm4b:s9+s4], $0x2800, $0x38;
	[tilespmem:$0x13000] =	vst v63  }
0x21: {  	_ =	swait.ge [sflag:s13], $0x2800  }
0x22: {  	[sflag:s13] =	ssyncset.done $0x0  }
0x23: {  	[sflag:s13] =	ssyncadd.s32 $0xFFFFD800  }
0x24: {  	[bflag:$0x0] =	sbarrier.arrive $0xFFFF  }
0x25: {  	[tilespmem:s17], [sflag:$0x1] =	stream.indirect.gather [spmem:s3], $0x20, s4, s16, $0xb8;
	[tilespmem:$0x13000] =	vst v63  }
0x26: {  	_ =	swait.ge [sflag:s18], $0x1000  }
0x27: {  	[sflag:s18] =	ssyncset.done $0x0  }
0x28: {  	[sflag:s18] =	ssyncadd.s32 $0xFFFFF000  }
0x29: {  	[tilespmem:s19], [sflag:$0x2] =	stream.indirect.gather [spmem:s3], $0x20, s16, s16, $0xb8;
	[tilespmem:$0x13000] =	vst v63  }
0x2a: {  	_ = 	snop  }
0x2b: {  	[spmem:s2] =	stream.indirect.scatter.add.f32 [tilespmem:s17], [sflag:$0x5], $0x20, s15, s16, $0xb8;
	[tilespmem:$0x13000] =	vst v63  }
0x2c: {  	_ =	swait.ge [sflag:s20], $0x1000  }
0x2d: {  	[sflag:s20] =	ssyncset.done $0x0  }
0x2e: {  	s21 =	simm.s32 $0x100;
	[sflag:s20] =	ssyncadd.s32 $0xFFFFF000  }
0x2f: {  	[tilespmem:s22], [sflag:$0x3] =	stream.indirect.gather [spmem:s3], $0x20, s21, s16, $0xb8;
	[tilespmem:$0x13000] =	vst v63  }
0x30: {  	s25 =	simm.s32 $0x2880  }
0x31: {  	[spmem:s2] =	stream.indirect.scatter.add.f32 [tilespmem:s19], [sflag:$0x6], $0x20, s25, s16, $0xb8;
	[tilespmem:$0x13000] =	vst v63  }
0x32: {  	_ =	swait.ge [sflag:s24], $0x1000  }
0x33: {  	[sflag:s24] =	ssyncset.done $0x0  }
0x34: {  	s25 =	simm.s32 $0x180;
	[sflag:s24] =	ssyncadd.s32 $0xFFFFF000  }
0x35: {  	[tilespmem:s26], [sflag:$0x4] =	stream.indirect.gather [spmem:s3], $0x20, s25, s16, $0xb8;
	[tilespmem:$0x13000] =	vst v63  }
0x36: {  	s25 =	simm.s32 $0x2900  }
0x37: {  	[spmem:s2] =	stream.indirect.scatter.add.f32 [tilespmem:s22], [sflag:$0x7], $0x20, s25, s16, $0xb8;
	[tilespmem:$0x13000] =	vst v63  }
0x38: {  	_ =	swait.ge [sflag:s29], $0x1000  }
0x39: {  	[sflag:s29] =	ssyncset.done $0x0  }
0x3a: {  	[sflag:s29] =	ssyncadd.s32 $0xFFFFF000  }
0x3b: {  	_ =	swait.ge [sflag:s30], $0x1000  }
0x3c: {  	[sflag:s30] =	ssyncset.done $0x0  }
0x3d: {  	s25 =	simm.s32 $0x200;
	[sflag:s30] =	ssyncadd.s32 $0xFFFFF000  }
0x3e: {  	[tilespmem:s17], [sflag:$0x1] =	stream.indirect.gather [spmem:s3], $0x20, s25, s16, $0xb8;
	[tilespmem:$0x13000] =	vst v63  }
0x3f: {  	s21 =	simm.s32 $0x2980  }
0x40: {  	[spmem:s2] =	stream.indirect.scatter.add.f32 [tilespmem:s26], [sflag:$0x8], $0x20, s21, s16, $0xb8;
	[tilespmem:$0x13000] =	vst v63  }
0x41: {  	_ =	swait.ge [sflag:s18], $0x1000  }
0x42: {  	[sflag:s18] =	ssyncset.done $0x0  }
0x43: {  	[sflag:s18] =	ssyncadd.s32 $0xFFFFF000  }
0x44: {  	_ =	swait.ge [sflag:s31], $0x1000  }
0x45: {  	[sflag:s31] =	ssyncset.done $0x0  }
0x46: {  	s21 =	simm.s32 $0x280;
	[sflag:s31] =	ssyncadd.s32 $0xFFFFF000  }
0x47: {  	[tilespmem:s19], [sflag:$0x2] =	stream.indirect.gather [spmem:s3], $0x20, s21, s16, $0xb8;
	[tilespmem:$0x13000] =	vst v63  }
0x48: {  	s21 =	simm.s32 $0x2A00  }
0x49: {  	[spmem:s2] =	stream.indirect.scatter.add.f32 [tilespmem:s17], [sflag:$0x5], $0x20, s21, s16, $0xb8;
	[tilespmem:$0x13000] =	vst v63  }
0x4a: {  	_ =	swait.ge [sflag:s20], $0x1000  }
0x4b: {  	[sflag:s20] =	ssyncset.done $0x0  }
0x4c: {  	[sflag:s20] =	ssyncadd.s32 $0xFFFFF000  }
0x4d: {  	_ =	swait.ge [sflag:s0], $0x1000  }
0x4e: {  	[sflag:s0] =	ssyncset.done $0x0  }
0x4f: {  	s21 =	simm.s32 $0x300;
	[sflag:s0] =	ssyncadd.s32 $0xFFFFF000  }
0x50: {  	[tilespmem:s22], [sflag:$0x3] =	stream.indirect.gather [spmem:s3], $0x20, s21, s16, $0xb8;
	[tilespmem:$0x13000] =	vst v63  }
0x51: {  	s21 =	simm.s32 $0x2A80  }
0x52: {  	[spmem:s2] =	stream.indirect.scatter.add.f32 [tilespmem:s19], [sflag:$0x6], $0x20, s21, s16, $0xb8;
	[tilespmem:$0x13000] =	vst v63  }
0x53: {  	_ =	swait.ge [sflag:s24], $0x1000  }
0x54: {  	[sflag:s24] =	ssyncset.done $0x0  }
0x55: {  	[sflag:s24] =	ssyncadd.s32 $0xFFFFF000  }
0x56: {  	_ =	swait.ge [sflag:s1], $0x1000  }
0x57: {  	s28 =	simm.s32 $0x2B00;
	[sflag:s1] =	ssyncset.done $0x0  }
0x58: {  	s25 =	simm.s32 $0x800;
	s21 =	simm.s32 $0x380;
	[sflag:s1] =	ssyncadd.s32 $0xFFFFF000  }
0x59: {  	[tilespmem:s26], [sflag:$0x4] =	stream.indirect.gather [spmem:s3], $0x20, s21, s16, $0xb8;
	[tilespmem:$0x13000] =	vst v63  }
.LBB2_2:
0x5a: {  	[spmem:s2] =	stream.indirect.scatter.add.f32 [tilespmem:s22], [sflag:$0x7], $0x20, s28, s16, $0xb8;
	[tilespmem:$0x13000] =	vst v63  }
0x5b: {  	s28 =	smov.u32 s25  }
0x5c: {  	p0 =	sne.s32 s25, $0x9000;
	s25 =	sadd.s32 $0x800, s25;
	_ =	swait.ge [sflag:s29], $0x1000  }
0x5d: {  	[sflag:s29] =	ssyncset.done $0x0  }
0x5e: {  	[sflag:s29] =	ssyncadd.s32 $0xFFFFF000  }
0x5f: {  	_ =	swait.ge [sflag:s30], $0x1000  }
0x60: {  	s28 =	sshra.s32 s28, $0x2;
	[sflag:s30] =	ssyncset.done $0x0  }
0x61: {  	s21 =	sadd.s32 $0x200, s28;
	[sflag:s30] =	ssyncadd.s32 $0xFFFFF000  }
0x62: {  	[tilespmem:s17], [sflag:$0x1] =	stream.indirect.gather [spmem:s3], $0x20, s21, s16, $0xb8;
	[tilespmem:$0x13000] =	vst v63  }
0x63: {  	s21 =	sadd.s32 $0x2980, s28  }
0x64: {  	[spmem:s2] =	stream.indirect.scatter.add.f32 [tilespmem:s26], [sflag:$0x8], $0x20, s21, s16, $0xb8;
	[tilespmem:$0x13000] =	vst v63  }
0x65: {  	_ =	swait.ge [sflag:s18], $0x1000  }
0x66: {  	[sflag:s18] =	ssyncset.done $0x0  }
0x67: {  	[sflag:s18] =	ssyncadd.s32 $0xFFFFF000  }
0x68: {  	_ =	swait.ge [sflag:s31], $0x1000  }
0x69: {  	[sflag:s31] =	ssyncset.done $0x0  }
0x6a: {  	s21 =	sadd.s32 $0x280, s28;
	[sflag:s31] =	ssyncadd.s32 $0xFFFFF000  }
0x6b: {  	[tilespmem:s19], [sflag:$0x2] =	stream.indirect.gather [spmem:s3], $0x20, s21, s16, $0xb8;
	[tilespmem:$0x13000] =	vst v63  }
0x6c: {  	s21 =	sadd.s32 $0x2A00, s28  }
0x6d: {  	[spmem:s2] =	stream.indirect.scatter.add.f32 [tilespmem:s17], [sflag:$0x5], $0x20, s21, s16, $0xb8;
	[tilespmem:$0x13000] =	vst v63  }
0x6e: {  	_ =	swait.ge [sflag:s20], $0x1000  }
0x6f: {  	[sflag:s20] =	ssyncset.done $0x0  }
0x70: {  	[sflag:s20] =	ssyncadd.s32 $0xFFFFF000  }
0x71: {  	_ =	swait.ge [sflag:s0], $0x1000  }
0x72: {  	[sflag:s0] =	ssyncset.done $0x0  }
0x73: {  	s21 =	sadd.s32 $0x300, s28;
	[sflag:s0] =	ssyncadd.s32 $0xFFFFF000  }
0x74: {  	[tilespmem:s22], [sflag:$0x3] =	stream.indirect.gather [spmem:s3], $0x20, s21, s16, $0xb8;
	[tilespmem:$0x13000] =	vst v63  }
0x75: {  	s21 =	sadd.s32 $0x2A80, s28  }
0x76: {  	[spmem:s2] =	stream.indirect.scatter.add.f32 [tilespmem:s19], [sflag:$0x6], $0x20, s21, s16, $0xb8;
	[tilespmem:$0x13000] =	vst v63  }
0x77: {  	_ =	swait.ge [sflag:s24], $0x1000  }
0x78: {  	[sflag:s24] =	ssyncset.done $0x0  }
0x79: {  	[sflag:s24] =	ssyncadd.s32 $0xFFFFF000  }
.Ltmp0:
0x7a: {  	_ =	swait.ge [sflag:s1], $0x1000;
	(pc) =	sbr.rel @p0 .LBB2_2-.Ltmp0, $4  }
0x7b: {  	[sflag:s1] =	ssyncset.done $0x0  }
0x7c: {  	s21 =	sadd.s32 $0x380, s28;
	[sflag:s1] =	ssyncadd.s32 $0xFFFFF000  }
0x7d: {  	[tilespmem:s26], [sflag:$0x4] =	stream.indirect.gather [spmem:s3], $0x20, s21, s16, $0xb8;
	[tilespmem:$0x13000] =	vst v63  }
0x7e: {  	s28 =	sadd.s32 $0x2B00, s28  }
0x7f: {  	[spmem:s2] =	stream.indirect.scatter.add.f32 [tilespmem:s22], [sflag:$0x7], $0x20, s28, s16, $0xb8;
	[tilespmem:$0x13000] =	vst v63  }
0x80: {  	_ =	swait.ge [sflag:s29], $0x1000  }
0x81: {  	[sflag:s29] =	ssyncset.done $0x0  }
0x82: {  	[sflag:s29] =	ssyncadd.s32 $0xFFFFF000  }
0x83: {  	_ =	swait.ge [sflag:s30], $0x1000  }
0x84: {  	[sflag:s30] =	ssyncset.done $0x0  }
0x85: {  	s21 =	simm.s32 $0x4F80;
	[sflag:s30] =	ssyncadd.s32 $0xFFFFF000  }
0x86: {  	[spmem:s2] =	stream.indirect.scatter.add.f32 [tilespmem:s26], [sflag:$0x8], $0x20, s21, s16, $0xb8;
	[tilespmem:$0x13000] =	vst v63  }
0x87: {  	_ =	swait.ge [sflag:s31], $0x1000  }
0x88: {  	[sflag:s31] =	ssyncset.done $0x0  }
0x89: {  	[sflag:s31] =	ssyncadd.s32 $0xFFFFF000  }
0x8a: {  	_ =	swait.ge [sflag:s0], $0x1000  }
0x8b: {  	[sflag:s0] =	ssyncset.done $0x0  }
0x8c: {  	[sflag:s0] =	ssyncadd.s32 $0xFFFFF000  }
0x8d: {  	_ =	swait.ge [sflag:s1], $0x1000  }
0x8e: {  	s23 =	sadd.s32 $0x1, s23;
	[sflag:s1] =	ssyncset.done $0x0  }
0x8f: {  	p0 =	sne.s32 s23, s11;
	[sflag:s1] =	ssyncadd.s32 $0xFFFFF000  }
.Ltmp1:
0x90: {  	[bflag:$0x0] =	sbarrier.arrive $0xFFFF;
	(pc) =	sbr.rel @p0 .LBB2_1-.Ltmp1, $4  }
0x91: {  	[hbm:s10], [sflag:s6] =	dma.local [spmem:s12], $0xA00  }
0x92: {  	_ =	swait.ge [sflag:s13], $0xA00  }
0x93: {  	[sflag:s13] =	ssyncset.done $0x0  }
0x94: {  	[sflag:s13] =	ssyncadd.s32 $0xFFFFF600  }
0x95: {  	_ =	sfence.sel $0x180000  }
0x96: {  	[bflag:$0x0] =	sbarrier.arrive $0xFFFF  }
0x97: {  	_ =	strace $0x9000004A  }
0x98: {  	s0 =	stileid.u32;
	[bflag:$0x2] =	sbarrier.arrive $0xFFFF  }
0x99: {  	p0 =	sne.s32 s0, $0x0;
	s0 =	rddreg [dreg:$0x4]  }
0x9a: {  	s0 =	sadd.s32 @!p0 $0x100000, s0  }
0x9b: {  	[sflag:s0] =	ssyncadd.tile.s32 @!p0 $0x1;
	_ =	shalt  }
.Lfunc_end2:
_tile_overlayer_lowered:
.L_overlay_start_2:
0x9c: {  	(tag) =	ssettag $0x2  }
0x9d: {  	s0 =	rddreg [dreg:$0x0];
	s2 =	stileid.u32  }
0x9e: {  	s1 =	rddreg [dreg:$0x1];
	p0 =	sne.s32 s2, $0x0  }
0x9f: {  	s3 =	rddreg [dreg:$0x2];
	[bflag:$0x3] =	sbarrier.arrive $0xFFFF;
	s2 =	simm.s32 @!p0 $0x1C09  }
0xa0: {  	[timem:s3], [sflag:s2] =	dma.local @!p0 [hbm:s0], s1  }
0xa1: {  	s0 =	simm.s32 @!p0 $0x9  }
0xa2: {  	_ =	swait.ge @!p0 [sflag:s0], s1  }
0xa3: {  	s1 =	ssub.s32 @!p0 $0x0, s1;
	[sflag:s0] =	ssyncset.done @!p0 $0x0  }
0xa4: {  	[sflag:s0] =	ssyncadd.s32 @!p0 s1  }
0xa5: {  	[bflag:$0x3] =	sbarrier.arrive $0xFFFF  }
0xa6: {  	_ =	shalt  }

// kernel: kernel.16.cloned.1.call-start
scs
__scs_entry_jumppad:
0x0: {  	(pc) =	sbr.rel $0x88, $3  }
0x1: {  	(tag) =	ssettag $0x0;
	lr =	simm.s32 $0x1  }
0x2: {  	[smem:$0x3F91] =	sst lr;
	_ =	strace $0xD0000000  }
0x3: {  	_ = 	snop  }
0x4: {  	_ = 	snop  }
0x5: {  	_ = 	snop  }
0x6: {  	_ = 	snop  }
0x7: {  	_ = 	snop  }
__scs_overlays_trampoline_lowered:
0x8: {  	[smem:$0x3FA0] =	sst s0  }
0x9: {  	[smem:$0x3FA1] =	sst s1  }
0xa: {  	[smem:$0x3FA2] =	sst s2  }
0xb: {  	[smem:$0x3FA3] =	sst s3  }
0xc: {  	[smem:$0x3FA4] =	sst s4  }
0xd: {  	[smem:$0x3FA5] =	sst s5  }
0xe: {  	[smem:$0x3FA6] =	sst s6  }
0xf: {  	[smem:$0x3FA7] =	sst s7  }
0x10: {  	[smem:$0x3FA8] =	sst s8  }
0x11: {  	[smem:$0x3FA9] =	sst s9;
	s0 =	simm.s32 @!p0 $0x0  }
0x12: {  	s1 =	sld [smem:$0x3F8F];
	s0 =	simm.s32 @p0 $0x1  }
0x13: {  	[smem:$0x3FAA] =	sst s0;
	s0 =	simm.s32 @!p1 $0x0  }
0x14: {  	s2 =	sld [smem:$0x3F8E];
	s0 =	simm.s32 @p1 $0x1  }
0x15: {  	[smem:$0x3FAB] =	sst s0;
	s0 =	simm.s32 @!p2 $0x0  }
0x16: {  	s3 =	sld [smem:$0x3FDB];
	s0 =	simm.s32 @p2 $0x1  }
0x17: {  	s4 =	simm.s32 $0x1BF5;
	[smem:$0x3FAD] =	sst s0  }
0x18: {  	s0 =	sld [smem:$0x3F90];
	_ =	swait.ge [sflag:s4], $0x0  }
0x19: {  	s7 =	sld [smem:$0x3F91]  }
0x1a: {  	s8 =	sadd.s32 $0xFFFFE003, lr  }
0x1b: {  	s9 =	sadd.s32 $0xFFFFFEF7, lr;
	s5 =	simm.s32 $0xFFFFFFFF;
	p2 =	slt.u32 s8, $0xFFFFF086  }
0x1c: {  	p1 =	slt.u32 s9, $0xF7A;
	s5 =	simm.s32 @!p2 $0x0  }
0x1d: {  	s5 =	simm.s32 @p1 $0x1;
	p0 =	seq.s32 s7, s2  }
0x1e: {  	s7 =	smul.u32 @!p0 $0xF7A, s2;
	p2 =	seq.s32 @!p0 s5, $0x0  }
0x1f: {  	s9 =	smul.u32 $0xF7A, s1;
	s8 =	simm.s32 @!p0 $0x1BF5;
	p2 =	por !p2, p0  }
0x20: {  	[sflag:s8] =	ssyncset.s32 @!p0 $0xFFFFF086;
	s6 =	sadd.s32 @!p0 s3, s7;
	s7 =	simm.s32 @!p0 $0x108  }
0x21: {  	s3 =	sadd.s32 s3, s9;
	s6 =	sadd.s32 @!p0 $0x88, s6;
	s7 =	simm.s32 @p2 $0x1082  }
0x22: {  	[simem:s7], [sflag:s8] =	dma.local @!p0 [hbm:s6], $0xF7A  }
0x23: {  	s9 =	sor.u32 $0xD0000000, s2;
	s6 =	simm.s32 $0x108;
	_ =	swait.ge @!p0 [sflag:s8], $0x0  }
0x24: {  	s3 =	sadd.s32 $0x88, s3;
	s6 =	simm.s32 @!p1 $0x1082;
	[sflag:s4] =	ssyncset.s32 $0xFFFFF086  }
0x25: {  	[simem:s6], [sflag:s4] =	dma.local [hbm:s3], $0xF7A  }
0x26: {  	[smem:$0x3F91] =	sst s1;
	(tag) =	ssettag s2;
	_ =	strace s9  }
0x27: {  	s1 =	sld [smem:$0x3FA1]  }
0x28: {  	s2 =	sld [smem:$0x3FA2]  }
0x29: {  	s4 =	sld [smem:$0x3FA4]  }
0x2a: {  	p0 =	seq.s32 s5, $0x0;
	s5 =	sld [smem:$0x3FA5]  }
0x2b: {  	s6 =	sld [smem:$0x3FA6]  }
0x2c: {  	s7 =	sld [smem:$0x3FA7]  }
0x2d: {  	s3 =	simm.s32 $0x108;
	s8 =	sld [smem:$0x3FA8]  }
0x2e: {  	s3 =	simm.s32 @!p0 $0x1082;
	s9 =	sld [smem:$0x3FA9]  }
0x2f: {  	lr =	sadd.s32 s0, s3;
	s0 =	sld [smem:$0x3FA0]  }
0x30: {  	s3 =	sld [smem:$0x3FA3]  }
0x31: {  	[smem:$0x3FAC] =	sst s10  }
0x32: {  	s10 =	sld [smem:$0x3FAA];
	_ =	sdelay $0x3  }
0x33: {  	p0 =	seq.s32 s10, $0x1;
	s10 =	sld [smem:$0x3FAC];
	_ =	sdelay $0x3  }
0x34: {  	[smem:$0x3FAC] =	sst s10  }
0x35: {  	s10 =	sld [smem:$0x3FAB];
	_ =	sdelay $0x3  }
0x36: {  	p1 =	seq.s32 s10, $0x1;
	s10 =	sld [smem:$0x3FAC];
	_ =	sdelay $0x3  }
0x37: {  	[smem:$0x3FAC] =	sst s10  }
0x38: {  	s10 =	sld [smem:$0x3FAD]  }
0x39: {  	_ = 	snop;
	(pc) =	sbr.ind lr, $3  }
0x3a: {  	_ = 	snop  }
0x3b: {  	_ = 	snop  }
0x3c: {  	p2 =	seq.s32 s10, $0x1;
	s10 =	sld [smem:$0x3FAC]  }
0x3d: {  	_ =	shalt  }
0x3e: {  	_ =	shalt  }
0x3f: {  	_ =	shalt  }
0x40: {  	_ =	shalt  }
0x41: {  	_ =	shalt  }
0x42: {  	_ =	shalt  }
0x43: {  	_ =	shalt  }
0x44: {  	_ =	shalt  }
0x45: {  	_ =	shalt  }
0x46: {  	_ =	shalt  }
0x47: {  	_ =	shalt  }
0x48: {  	_ =	shalt  }
0x49: {  	_ =	shalt  }
0x4a: {  	_ =	shalt  }
0x4b: {  	_ =	shalt  }
0x4c: {  	_ =	shalt  }
0x4d: {  	_ =	shalt  }
0x4e: {  	_ =	shalt  }
0x4f: {  	_ =	shalt  }
0x50: {  	_ =	shalt  }
0x51: {  	_ =	shalt  }
0x52: {  	_ =	shalt  }
0x53: {  	_ =	shalt  }
0x54: {  	_ =	shalt  }
0x55: {  	_ =	shalt  }
0x56: {  	_ =	shalt  }
0x57: {  	_ =	shalt  }
0x58: {  	_ =	shalt  }
0x59: {  	_ =	shalt  }
0x5a: {  	_ =	shalt  }
0x5b: {  	_ =	shalt  }
0x5c: {  	_ =	shalt  }
0x5d: {  	_ =	shalt  }
0x5e: {  	_ =	shalt  }
0x5f: {  	_ =	shalt  }
0x60: {  	_ =	shalt  }
0x61: {  	_ =	shalt  }
0x62: {  	_ =	shalt  }
0x63: {  	_ =	shalt  }
0x64: {  	_ =	shalt  }
0x65: {  	_ =	shalt  }
0x66: {  	_ =	shalt  }
0x67: {  	_ =	shalt  }
0x68: {  	_ =	shalt  }
0x69: {  	_ =	shalt  }
0x6a: {  	_ =	shalt  }
0x6b: {  	_ =	shalt  }
0x6c: {  	_ =	shalt  }
0x6d: {  	_ =	shalt  }
0x6e: {  	_ =	shalt  }
0x6f: {  	_ =	shalt  }
0x70: {  	_ =	shalt  }
0x71: {  	_ =	shalt  }
0x72: {  	_ =	shalt  }
0x73: {  	_ =	shalt  }
0x74: {  	_ =	shalt  }
0x75: {  	_ =	shalt  }
0x76: {  	_ =	shalt  }
0x77: {  	_ =	shalt  }
0x78: {  	_ =	shalt  }
0x79: {  	_ =	shalt  }
0x7a: {  	_ =	shalt  }
0x7b: {  	_ =	shalt  }
0x7c: {  	_ =	shalt  }
0x7d: {  	_ =	shalt  }
0x7e: {  	_ =	shalt  }
0x7f: {  	_ =	shalt  }
0x80: {  	_ =	shalt  }
0x81: {  	_ =	shalt  }
0x82: {  	_ =	shalt  }
0x83: {  	_ =	shalt  }
0x84: {  	_ =	shalt  }
0x85: {  	_ =	shalt  }
0x86: {  	_ =	shalt  }
0x87: {  	_ =	shalt  }
.Lfunc_end0:
.L_simem_size_0:
called_computation.2_lowered:
.L_overlay_start_0:
0x88: {  	s2 =	sld [smem:$0x3FD9]  }
0x89: {  	s3 =	sld [smem:$0x3FFE];
	_ =	sdelay $0x1  }
0x8a: {  	s1 =	srdreg.scid  }
0x8b: {  	s0 =	sand.u32 $0x1, s1  }
0x8c: {  	s17 =	sshll.u32 s0, $0xA;
	s2 =	sadd.s32 s3, s2  }
0x8d: {  	s2 =	sadd.s32 s2, s17  }
0x8e: {  	[smem:$0x3FB8] =	sst s2  }
0x8f: {  	_ = 	snop  }
0x90: {  	s2 =	sld [smem:$0x3FD0];
	(tm) =	ssettm $0x1  }
0x91: {  	s18 =	sld [smem:$0x3FFB];
	_ =	sdelay $0x3  }
0x92: {  	_ =	strace s18  }
0x93: {  	s3 =	sld [smem:$0x3FFC];
	_ =	sdelay $0x3  }
0x94: {  	_ =	strace s3  }
0x95: {  	s3 =	sld [smem:$0x3FFD];
	_ =	sdelay $0x3  }
0x96: {  	_ =	strace s3  }
0x97: {  	_ =	strace $0x8FFFFFFF  }
0x98: {  	s19 =	sld [smem:$0x3FDB];
	_ =	sdelay $0x1  }
0x99: {  	s4 =	simm.s32 $_scs_section_size  }
0x9a: {  	s5 =	simm.s32 $_size__tile_overlayer_lowered;
	s6 =	simm.s32 $_tile_overlayer_lowered  }
0x9b: {  	s22 =	simm.s32 $0x1BFF;
	s21 =	sshll.u32 s6, $0x1;
	s3 =	sadd.s32 s4, s19  }
0x9c: {  	s7 =	simm.s32 $0x0;
	s20 =	sshll.u32 s5, $0x1;
	s5 =	sadd.s32 s21, s3  }
0x9d: {  	[timem:s7], [sflag:s22] =	dma.local [hbm:s5], s20  }
0x9e: {  	_ =	swait.ge [sflag:s22], s20  }
0x9f: {  	s4 =	ssub.s32 $0x0, s20;
	[sflag:s22] =	ssyncset.done $0x0  }
0xa0: {  	[sflag:s22] =	ssyncadd.s32 s4;
	_ =	sdelay $0x1  }
0xa1: {  	s23 =	simm.s32 $0x1B8B  }
0xa2: {  	_ =	swait.ge [sflag:s23], $0x1  }
0xa3: {  	[sflag:s23] =	ssyncset.done $0x0  }
0xa4: {  	s25 =	simm.s32 $0x1B8E;
	s24 =	sld [smem:$0x3FFE];
	[sflag:s23] =	ssyncadd.s32 $0xFFFFFFFF  }
0xa5: {  	s26 =	simm.s32 $execute0_lowered;
	[smem:$0x3FD2] =	sst s25  }
0xa6: {  	s5 =	sshll.u32 s26, $0x1;
	_ =	strace $0x8000004C;
	[dreg:$0x1] =	wrdreg $0xFFFFFFFF  }
0xa7: {  	s28 =	simm.s32 $_size_execute0_lowered;
	s3 =	sadd.s32 s3, s5;
	[dreg:$0x0] =	wrdreg $0x0  }
0xa8: {  	s5 =	sshll.u32 s28, $0x1;
	[dreg:$0x2] =	wrdreg s3  }
0xa9: {  	[dreg:$0x3] =	wrdreg s5  }
0xaa: {  	[dreg:$0x4] =	wrdreg $0xC0  }
0xab: {  	_ =	task [dreg:s7], $0x5FFFF  }
0xac: {  	[dreg:$0x1] =	wrdreg $0xFFFFFFFF  }
0xad: {  	[dreg:$0x0] =	wrdreg $0x60  }
0xae: {  	[dreg:$0x2] =	wrdreg s24  }
0xaf: {  	[dreg:$0x3] =	wrdreg s2  }
0xb0: {  	[dreg:$0x4] =	wrdreg $0x90000  }
0xb1: {  	[dreg:$0x5] =	wrdreg $0x130000  }
0xb2: {  	[dreg:$0x6] =	wrdreg $0x9  }
0xb3: {  	_ =	task.clear_ibuf [dreg:s7], $0x7FFFF;
	_ =	strace $0x9000004C  }
0xb4: {  	s29 =	simm.s32 $0x9;
	_ =	strace $0x8000004E  }
0xb5: {  	_ =	swait.ge [sflag:s29], $0x1  }
0xb6: {  	[sflag:s29] =	ssyncadd.s32 $0xFFFFFFFF  }
0xb7: {  	_ =	strace $0x9000004E  }
0xb8: {  	_ =	sfence  }
0xb9: {  	s30 =	sld [smem:$0x0];
	_ =	sdelay $0x2  }
0xba: {  	s31 =	sshll.u32 s1, $0xD;
	s1 =	sshrl.u32 s1, $0x2  }
0xbb: {  	s3 =	sand.u32 $0x4000, s31;
	s1 =	sadd.s32 s1, s30  }
0xbc: {  	s0 =	sor.u32 s3, s0;
	s1 =	sshll.u32 s1, $0x11  }
0xbd: {  	s0 =	sor.u32 s1, s0  }
0xbe: {  	s0 =	sadd.s32 $0x8F2B, s0  }
0xbf: {  	[sflag:s0] =	ssyncadd.remote.s32 $0x1  }
0xc0: {  	_ =	sfence.sel $0xFFFF  }
0xc1: {  	[dreg:$0x0] =	wrdreg $0xFFFFFFFF;
	(pc) =	sbr.abs _section_cstart, $3  }
0xc2: {  	[dreg:$0x1] =	wrdreg $0xFFFFFFFF  }
0xc3: {  	_ =	task.clear_ibuf [dreg:s7], $0x2FFFF;
	_ =	strace $0x9FFFFFFF  }
0xc4: {  	(tm) =	ssettm $0x7FFFFFFF  }
0xc5: {  	_ =	shalt  }
tec
execute0_lowered:
.L_overlay_start_1:
0x0: {  	(tag) =	ssettag $0x1  }
0x1: {  	s0 =	rddreg [dreg:$0x0]  }
0x2: {  	s1 =	rddreg [dreg:$0x1]  }
0x3: {  	s2 =	rddreg [dreg:$0x2];
	s4 =	srdreg.scid  }
0x4: {  	s3 =	rddreg [dreg:$0x3];
	s13 =	stileid.u32;
	s15 =	simm.s32 $0x2800  }
0x5: {  	s16 =	simm.s32 $0x40;
	s17 =	simm.s32 $0x5000;
	s18 =	simm.s32 $0x1  }
0x6: {  	s19 =	simm.s32 $0x6000;
	s20 =	simm.s32 $0x2;
	s22 =	simm.s32 $0x7000  }
0x7: {  	s29 =	simm.s32 $0x4;
	s30 =	simm.s32 $0x5;
	s31 =	simm.s32 $0x6  }
0x8: {  	s23 =	simm.s32 $0x0;
	s5 =	sand.u32 $0x1, s4;
	s7 =	smul.u32 $0xA000, s13  }
0x9: {  	s4 =	simm.s32 $0x0;
	s28 =	sshll.u32 s13, $0x6;
	s6 =	sshll.u32 s5, $0x4  }
0xa: {  	s8 =	smul.u32 $0xA0000, s5;
	[smem:$0x7FF] =	sst s4;
	s11 =	ssub.s32 $0x2, s5  }
0xb: {  	s5 =	sadd.s32 $0x4200, s0;
	s6 =	sor.u32 s13, s6;
	s9 =	sshrl.u32 s7, $0x3  }
0xc: {  	_ =	strace $0x8000004D;
	s26 =	sshrl.u32 s11, $0x1;
	s12 =	sadd.s32 s7, s2  }
0xd: {  	s14 =	sadd.s32 s7, s3;
	s13 =	simm.s32 $0x9;
	s10 =	smul.u32 $0x500, s6  }
0xe: {  	s9 =	sadd.s32 s9, s0;
	s24 =	sadd.s32 s7, s8;
	s11 =	ssub.s32 s11, s26  }
0xf: {  	s12 =	sshrl.u32 s12, $0x3;
	s14 =	sshrl.u32 s14, $0x3;
	s26 =	simm.s32 $0x8000  }
0x10: {  	s6 =	sshrl.u32 s24, $0x3;
	s7 =	sadd.s32 $0x3B800, s9;
	s11 =	smax.u32 s11, $0x1  }
0x11: {  	s24 =	simm.s32 $0x3;
	s25 =	sadd.s32 s10, s0;
	s0 =	sadd.s32 s6, s0  }
0x12: {  	s6 =	sor.u32 $0x1C09, s28;
	s9 =	sadd.s32 s1, s10;
	s1 =	simm.s32 $0x8  }
0x13: {  	s8 =	sadd.s32 $0x9800, s25;
	s10 =	sadd.s32 $0x4F800, s0;
	s0 =	simm.s32 $0x7  }
.LBB2_1:
0x14: {  	[spmem:s12], [sflag:s6] =	dma.local [hbm:s5], $0x1400  }
0x15: {  	_ =	swait.ge [sflag:s13], $0x1400  }
0x16: {  	[sflag:s13] =	ssyncset.done $0x0  }
0x17: {  	[sflag:s13] =	ssyncadd.s32 $0xFFFFEC00  }
0x18: {  	[spmem:s14], [sflag:s6] =	dma.local [hbm:s7], $0x1400  }
0x19: {  	_ =	swait.ge [sflag:s13], $0x1400  }
0x1a: {  	[sflag:s13] =	ssyncset.done $0x0  }
0x1b: {  	[sflag:s13] =	ssyncadd.s32 $0xFFFFEC00  }
0x1c: {  	[tilespmem:s4], [sflag:$0x9] =	stream.linear.gather [hbm4b:s8+s4], $0x2800, $0x38;
	[tilespmem:$0x1D000] =	vst v63  }
0x1d: {  	_ =	swait.ge [sflag:s13], $0x2800  }
0x1e: {  	[sflag:s13] =	ssyncset.done $0x0  }
0x1f: {  	[sflag:s13] =	ssyncadd.s32 $0xFFFFD800  }
0x20: {  	[tilespmem:s15], [sflag:$0x9] =	stream.linear.gather [hbm4b:s9+s4], $0x2800, $0x38;
	[tilespmem:$0x1D000] =	vst v63  }
0x21: {  	_ =	swait.ge [sflag:s13], $0x2800  }
0x22: {  	[sflag:s13] =	ssyncset.done $0x0  }
0x23: {  	[sflag:s13] =	ssyncadd.s32 $0xFFFFD800  }
0x24: {  	[bflag:$0x0] =	sbarrier.arrive $0xFFFF  }
0x25: {  	[tilespmem:s17], [sflag:$0x1] =	stream.indirect.gather [spmem:s3], $0x40, s4, s16, $0xb8;
	[tilespmem:$0x1D000] =	vst v63  }
0x26: {  	_ =	swait.ge [sflag:s18], $0x1000  }
0x27: {  	[sflag:s18] =	ssyncset.done $0x0  }
0x28: {  	[sflag:s18] =	ssyncadd.s32 $0xFFFFF000  }
0x29: {  	[tilespmem:s19], [sflag:$0x2] =	stream.indirect.gather [spmem:s3], $0x40, s16, s16, $0xb8;
	[tilespmem:$0x1D000] =	vst v63  }
0x2a: {  	_ = 	snop  }
0x2b: {  	[spmem:s2] =	stream.indirect.scatter.add.f32 [tilespmem:s17], [sflag:$0x5], $0x40, s15, s16, $0xb8;
	[tilespmem:$0x1D000] =	vst v63  }
0x2c: {  	_ =	swait.ge [sflag:s20], $0x1000  }
0x2d: {  	[sflag:s20] =	ssyncset.done $0x0  }
0x2e: {  	s21 =	simm.s32 $0x80;
	[sflag:s20] =	ssyncadd.s32 $0xFFFFF000  }
0x2f: {  	[tilespmem:s22], [sflag:$0x3] =	stream.indirect.gather [spmem:s3], $0x40, s21, s16, $0xb8;
	[tilespmem:$0x1D000] =	vst v63  }
0x30: {  	s25 =	simm.s32 $0x2840  }
0x31: {  	[spmem:s2] =	stream.indirect.scatter.add.f32 [tilespmem:s19], [sflag:$0x6], $0x40, s25, s16, $0xb8;
	[tilespmem:$0x1D000] =	vst v63  }
0x32: {  	_ =	swait.ge [sflag:s24], $0x1000  }
0x33: {  	[sflag:s24] =	ssyncset.done $0x0  }
0x34: {  	s25 =	simm.s32 $0xC0;
	[sflag:s24] =	ssyncadd.s32 $0xFFFFF000  }
0x35: {  	[tilespmem:s26], [sflag:$0x4] =	stream.indirect.gather [spmem:s3], $0x40, s25, s16, $0xb8;
	[tilespmem:$0x1D000] =	vst v63  }
0x36: {  	s25 =	simm.s32 $0x2880  }
0x37: {  	[spmem:s2] =	stream.indirect.scatter.add.f32 [tilespmem:s22], [sflag:$0x7], $0x40, s25, s16, $0xb8;
	[tilespmem:$0x1D000] =	vst v63  }
0x38: {  	_ =	swait.ge [sflag:s29], $0x1000  }
0x39: {  	[sflag:s29] =	ssyncset.done $0x0  }
0x3a: {  	[sflag:s29] =	ssyncadd.s32 $0xFFFFF000  }
0x3b: {  	_ =	swait.ge [sflag:s30], $0x1000  }
0x3c: {  	[sflag:s30] =	ssyncset.done $0x0  }
0x3d: {  	s25 =	simm.s32 $0x100;
	[sflag:s30] =	ssyncadd.s32 $0xFFFFF000  }
0x3e: {  	[tilespmem:s17], [sflag:$0x1] =	stream.indirect.gather [spmem:s3], $0x40, s25, s16, $0xb8;
	[tilespmem:$0x1D000] =	vst v63  }
0x3f: {  	s21 =	simm.s32 $0x28C0  }
0x40: {  	[spmem:s2] =	stream.indirect.scatter.add.f32 [tilespmem:s26], [sflag:$0x8], $0x40, s21, s16, $0xb8;
	[tilespmem:$0x1D000] =	vst v63  }
0x41: {  	_ =	swait.ge [sflag:s18], $0x1000  }
0x42: {  	[sflag:s18] =	ssyncset.done $0x0  }
0x43: {  	[sflag:s18] =	ssyncadd.s32 $0xFFFFF000  }
0x44: {  	_ =	swait.ge [sflag:s31], $0x1000  }
0x45: {  	[sflag:s31] =	ssyncset.done $0x0  }
0x46: {  	s21 =	simm.s32 $0x140;
	[sflag:s31] =	ssyncadd.s32 $0xFFFFF000  }
0x47: {  	[tilespmem:s19], [sflag:$0x2] =	stream.indirect.gather [spmem:s3], $0x40, s21, s16, $0xb8;
	[tilespmem:$0x1D000] =	vst v63  }
0x48: {  	s21 =	simm.s32 $0x2900  }
0x49: {  	[spmem:s2] =	stream.indirect.scatter.add.f32 [tilespmem:s17], [sflag:$0x5], $0x40, s21, s16, $0xb8;
	[tilespmem:$0x1D000] =	vst v63  }
0x4a: {  	_ =	swait.ge [sflag:s20], $0x1000  }
0x4b: {  	[sflag:s20] =	ssyncset.done $0x0  }
0x4c: {  	[sflag:s20] =	ssyncadd.s32 $0xFFFFF000  }
0x4d: {  	_ =	swait.ge [sflag:s0], $0x1000  }
0x4e: {  	[sflag:s0] =	ssyncset.done $0x0  }
0x4f: {  	s21 =	simm.s32 $0x180;
	[sflag:s0] =	ssyncadd.s32 $0xFFFFF000  }
0x50: {  	[tilespmem:s22], [sflag:$0x3] =	stream.indirect.gather [spmem:s3], $0x40, s21, s16, $0xb8;
	[tilespmem:$0x1D000] =	vst v63  }
0x51: {  	s21 =	simm.s32 $0x2940  }
0x52: {  	[spmem:s2] =	stream.indirect.scatter.add.f32 [tilespmem:s19], [sflag:$0x6], $0x40, s21, s16, $0xb8;
	[tilespmem:$0x1D000] =	vst v63  }
0x53: {  	_ =	swait.ge [sflag:s24], $0x1000  }
0x54: {  	[sflag:s24] =	ssyncset.done $0x0  }
0x55: {  	[sflag:s24] =	ssyncadd.s32 $0xFFFFF000  }
0x56: {  	_ =	swait.ge [sflag:s1], $0x1000  }
0x57: {  	s28 =	simm.s32 $0x2980;
	[sflag:s1] =	ssyncset.done $0x0  }
0x58: {  	s25 =	simm.s32 $0x400;
	s21 =	simm.s32 $0x1C0;
	[sflag:s1] =	ssyncadd.s32 $0xFFFFF000  }
0x59: {  	[tilespmem:s26], [sflag:$0x4] =	stream.indirect.gather [spmem:s3], $0x40, s21, s16, $0xb8;
	[tilespmem:$0x1D000] =	vst v63  }
.LBB2_2:
0x5a: {  	[spmem:s2] =	stream.indirect.scatter.add.f32 [tilespmem:s22], [sflag:$0x7], $0x40, s28, s16, $0xb8;
	[tilespmem:$0x1D000] =	vst v63  }
0x5b: {  	s28 =	smov.u32 s25  }
0x5c: {  	p0 =	sne.s32 s25, $0x9800;
	s25 =	sadd.s32 $0x400, s25;
	_ =	swait.ge [sflag:s29], $0x1000  }
0x5d: {  	[sflag:s29] =	ssyncset.done $0x0  }
0x5e: {  	[sflag:s29] =	ssyncadd.s32 $0xFFFFF000  }
0x5f: {  	_ =	swait.ge [sflag:s30], $0x1000  }
0x60: {  	s28 =	sshra.s32 s28, $0x2;
	[sflag:s30] =	ssyncset.done $0x0  }
0x61: {  	s21 =	sadd.s32 $0x100, s28;
	[sflag:s30] =	ssyncadd.s32 $0xFFFFF000  }
0x62: {  	[tilespmem:s17], [sflag:$0x1] =	stream.indirect.gather [spmem:s3], $0x40, s21, s16, $0xb8;
	[tilespmem:$0x1D000] =	vst v63  }
0x63: {  	s21 =	sadd.s32 $0x28C0, s28  }
0x64: {  	[spmem:s2] =	stream.indirect.scatter.add.f32 [tilespmem:s26], [sflag:$0x8], $0x40, s21, s16, $0xb8;
	[tilespmem:$0x1D000] =	vst v63  }
0x65: {  	_ =	swait.ge [sflag:s18], $0x1000  }
0x66: {  	[sflag:s18] =	ssyncset.done $0x0  }
0x67: {  	[sflag:s18] =	ssyncadd.s32 $0xFFFFF000  }
0x68: {  	_ =	swait.ge [sflag:s31], $0x1000  }
0x69: {  	[sflag:s31] =	ssyncset.done $0x0  }
0x6a: {  	s21 =	sadd.s32 $0x140, s28;
	[sflag:s31] =	ssyncadd.s32 $0xFFFFF000  }
0x6b: {  	[tilespmem:s19], [sflag:$0x2] =	stream.indirect.gather [spmem:s3], $0x40, s21, s16, $0xb8;
	[tilespmem:$0x1D000] =	vst v63  }
0x6c: {  	s21 =	sadd.s32 $0x2900, s28  }
0x6d: {  	[spmem:s2] =	stream.indirect.scatter.add.f32 [tilespmem:s17], [sflag:$0x5], $0x40, s21, s16, $0xb8;
	[tilespmem:$0x1D000] =	vst v63  }
0x6e: {  	_ =	swait.ge [sflag:s20], $0x1000  }
0x6f: {  	[sflag:s20] =	ssyncset.done $0x0  }
0x70: {  	[sflag:s20] =	ssyncadd.s32 $0xFFFFF000  }
0x71: {  	_ =	swait.ge [sflag:s0], $0x1000  }
0x72: {  	[sflag:s0] =	ssyncset.done $0x0  }
0x73: {  	s21 =	sadd.s32 $0x180, s28;
	[sflag:s0] =	ssyncadd.s32 $0xFFFFF000  }
0x74: {  	[tilespmem:s22], [sflag:$0x3] =	stream.indirect.gather [spmem:s3], $0x40, s21, s16, $0xb8;
	[tilespmem:$0x1D000] =	vst v63  }
0x75: {  	s21 =	sadd.s32 $0x2940, s28  }
0x76: {  	[spmem:s2] =	stream.indirect.scatter.add.f32 [tilespmem:s19], [sflag:$0x6], $0x40, s21, s16, $0xb8;
	[tilespmem:$0x1D000] =	vst v63  }
0x77: {  	_ =	swait.ge [sflag:s24], $0x1000  }
0x78: {  	[sflag:s24] =	ssyncset.done $0x0  }
0x79: {  	[sflag:s24] =	ssyncadd.s32 $0xFFFFF000  }
.Ltmp0:
0x7a: {  	_ =	swait.ge [sflag:s1], $0x1000;
	(pc) =	sbr.rel @p0 .LBB2_2-.Ltmp0, $4  }
0x7b: {  	[sflag:s1] =	ssyncset.done $0x0  }
0x7c: {  	s21 =	sadd.s32 $0x1C0, s28;
	[sflag:s1] =	ssyncadd.s32 $0xFFFFF000  }
0x7d: {  	[tilespmem:s26], [sflag:$0x4] =	stream.indirect.gather [spmem:s3], $0x40, s21, s16, $0xb8;
	[tilespmem:$0x1D000] =	vst v63  }
0x7e: {  	s28 =	sadd.s32 $0x2980, s28  }
0x7f: {  	[spmem:s2] =	stream.indirect.scatter.add.f32 [tilespmem:s22], [sflag:$0x7], $0x40, s28, s16, $0xb8;
	[tilespmem:$0x1D000] =	vst v63  }
0x80: {  	_ =	swait.ge [sflag:s29], $0x1000  }
0x81: {  	[sflag:s29] =	ssyncset.done $0x0  }
0x82: {  	[sflag:s29] =	ssyncadd.s32 $0xFFFFF000  }
0x83: {  	_ =	swait.ge [sflag:s30], $0x1000  }
0x84: {  	[sflag:s30] =	ssyncset.done $0x0  }
0x85: {  	s21 =	simm.s32 $0x4FC0;
	[sflag:s30] =	ssyncadd.s32 $0xFFFFF000  }
0x86: {  	[spmem:s2] =	stream.indirect.scatter.add.f32 [tilespmem:s26], [sflag:$0x8], $0x40, s21, s16, $0xb8;
	[tilespmem:$0x1D000] =	vst v63  }
0x87: {  	_ =	swait.ge [sflag:s31], $0x1000  }
0x88: {  	[sflag:s31] =	ssyncset.done $0x0  }
0x89: {  	[sflag:s31] =	ssyncadd.s32 $0xFFFFF000  }
0x8a: {  	_ =	swait.ge [sflag:s0], $0x1000  }
0x8b: {  	[sflag:s0] =	ssyncset.done $0x0  }
0x8c: {  	[sflag:s0] =	ssyncadd.s32 $0xFFFFF000  }
0x8d: {  	_ =	swait.ge [sflag:s1], $0x1000  }
0x8e: {  	s23 =	sadd.s32 $0x1, s23;
	[sflag:s1] =	ssyncset.done $0x0  }
0x8f: {  	p0 =	sne.s32 s23, s11;
	[sflag:s1] =	ssyncadd.s32 $0xFFFFF000  }
.Ltmp1:
0x90: {  	[bflag:$0x0] =	sbarrier.arrive $0xFFFF;
	(pc) =	sbr.rel @p0 .LBB2_1-.Ltmp1, $4  }
0x91: {  	[hbm:s10], [sflag:s6] =	dma.local [spmem:s12], $0x1400  }
0x92: {  	_ =	swait.ge [sflag:s13], $0x1400  }
0x93: {  	[sflag:s13] =	ssyncset.done $0x0  }
0x94: {  	[sflag:s13] =	ssyncadd.s32 $0xFFFFEC00  }
0x95: {  	_ =	sfence.sel $0x180000  }
0x96: {  	[bflag:$0x0] =	sbarrier.arrive $0xFFFF  }
0x97: {  	_ =	strace $0x9000004D  }
0x98: {  	s0 =	stileid.u32;
	[bflag:$0x2] =	sbarrier.arrive $0xFFFF  }
0x99: {  	p0 =	sne.s32 s0, $0x0;
	s0 =	rddreg [dreg:$0x4]  }
0x9a: {  	s0 =	sadd.s32 @!p0 $0x100000, s0  }
0x9b: {  	[sflag:s0] =	ssyncadd.tile.s32 @!p0 $0x1;
	_ =	shalt  }
.Lfunc_end2:
_tile_overlayer_lowered:
.L_overlay_start_2:
0x9c: {  	(tag) =	ssettag $0x2  }
0x9d: {  	s0 =	rddreg [dreg:$0x0];
	s2 =	stileid.u32  }
0x9e: {  	s1 =	rddreg [dreg:$0x1];
	p0 =	sne.s32 s2, $0x0  }
0x9f: {  	s3 =	rddreg [dreg:$0x2];
	[bflag:$0x3] =	sbarrier.arrive $0xFFFF;
	s2 =	simm.s32 @!p0 $0x1C09  }
0xa0: {  	[timem:s3], [sflag:s2] =	dma.local @!p0 [hbm:s0], s1  }
0xa1: {  	s0 =	simm.s32 @!p0 $0x9  }
0xa2: {  	_ =	swait.ge @!p0 [sflag:s0], s1  }
0xa3: {  	s1 =	ssub.s32 @!p0 $0x0, s1;
	[sflag:s0] =	ssyncset.done @!p0 $0x0  }
0xa4: {  	[sflag:s0] =	ssyncadd.s32 @!p0 s1  }
0xa5: {  	[bflag:$0x3] =	sbarrier.arrive $0xFFFF  }
0xa6: {  	_ =	shalt  }

// kernel: kernel.19.cloned.1.call-start
scs
__scs_entry_jumppad:
0x0: {  	(pc) =	sbr.rel $0x88, $3  }
0x1: {  	(tag) =	ssettag $0x0;
	lr =	simm.s32 $0x1  }
0x2: {  	[smem:$0x3F91] =	sst lr;
	_ =	strace $0xD0000000  }
0x3: {  	_ = 	snop  }
0x4: {  	_ = 	snop  }
0x5: {  	_ = 	snop  }
0x6: {  	_ = 	snop  }
0x7: {  	_ = 	snop  }
__scs_overlays_trampoline_lowered:
0x8: {  	[smem:$0x3FA0] =	sst s0  }
0x9: {  	[smem:$0x3FA1] =	sst s1  }
0xa: {  	[smem:$0x3FA2] =	sst s2  }
0xb: {  	[smem:$0x3FA3] =	sst s3  }
0xc: {  	[smem:$0x3FA4] =	sst s4  }
0xd: {  	[smem:$0x3FA5] =	sst s5  }
0xe: {  	[smem:$0x3FA6] =	sst s6  }
0xf: {  	[smem:$0x3FA7] =	sst s7  }
0x10: {  	[smem:$0x3FA8] =	sst s8  }
0x11: {  	[smem:$0x3FA9] =	sst s9;
	s0 =	simm.s32 @!p0 $0x0  }
0x12: {  	s1 =	sld [smem:$0x3F8F];
	s0 =	simm.s32 @p0 $0x1  }
0x13: {  	[smem:$0x3FAA] =	sst s0;
	s0 =	simm.s32 @!p1 $0x0  }
0x14: {  	s2 =	sld [smem:$0x3F8E];
	s0 =	simm.s32 @p1 $0x1  }
0x15: {  	[smem:$0x3FAB] =	sst s0;
	s0 =	simm.s32 @!p2 $0x0  }
0x16: {  	s3 =	sld [smem:$0x3FDB];
	s0 =	simm.s32 @p2 $0x1  }
0x17: {  	s4 =	simm.s32 $0x1BF5;
	[smem:$0x3FAD] =	sst s0  }
0x18: {  	s0 =	sld [smem:$0x3F90];
	_ =	swait.ge [sflag:s4], $0x0  }
0x19: {  	s7 =	sld [smem:$0x3F91]  }
0x1a: {  	s8 =	sadd.s32 $0xFFFFE003, lr  }
0x1b: {  	s9 =	sadd.s32 $0xFFFFFEF7, lr;
	s5 =	simm.s32 $0xFFFFFFFF;
	p2 =	slt.u32 s8, $0xFFFFF086  }
0x1c: {  	p1 =	slt.u32 s9, $0xF7A;
	s5 =	simm.s32 @!p2 $0x0  }
0x1d: {  	s5 =	simm.s32 @p1 $0x1;
	p0 =	seq.s32 s7, s2  }
0x1e: {  	s7 =	smul.u32 @!p0 $0xF7A, s2;
	p2 =	seq.s32 @!p0 s5, $0x0  }
0x1f: {  	s9 =	smul.u32 $0xF7A, s1;
	s8 =	simm.s32 @!p0 $0x1BF5;
	p2 =	por !p2, p0  }
0x20: {  	[sflag:s8] =	ssyncset.s32 @!p0 $0xFFFFF086;
	s6 =	sadd.s32 @!p0 s3, s7;
	s7 =	simm.s32 @!p0 $0x108  }
0x21: {  	s3 =	sadd.s32 s3, s9;
	s6 =	sadd.s32 @!p0 $0x88, s6;
	s7 =	simm.s32 @p2 $0x1082  }
0x22: {  	[simem:s7], [sflag:s8] =	dma.local @!p0 [hbm:s6], $0xF7A  }
0x23: {  	s9 =	sor.u32 $0xD0000000, s2;
	s6 =	simm.s32 $0x108;
	_ =	swait.ge @!p0 [sflag:s8], $0x0  }
0x24: {  	s3 =	sadd.s32 $0x88, s3;
	s6 =	simm.s32 @!p1 $0x1082;
	[sflag:s4] =	ssyncset.s32 $0xFFFFF086  }
0x25: {  	[simem:s6], [sflag:s4] =	dma.local [hbm:s3], $0xF7A  }
0x26: {  	[smem:$0x3F91] =	sst s1;
	(tag) =	ssettag s2;
	_ =	strace s9  }
0x27: {  	s1 =	sld [smem:$0x3FA1]  }
0x28: {  	s2 =	sld [smem:$0x3FA2]  }
0x29: {  	s4 =	sld [smem:$0x3FA4]  }
0x2a: {  	p0 =	seq.s32 s5, $0x0;
	s5 =	sld [smem:$0x3FA5]  }
0x2b: {  	s6 =	sld [smem:$0x3FA6]  }
0x2c: {  	s7 =	sld [smem:$0x3FA7]  }
0x2d: {  	s3 =	simm.s32 $0x108;
	s8 =	sld [smem:$0x3FA8]  }
0x2e: {  	s3 =	simm.s32 @!p0 $0x1082;
	s9 =	sld [smem:$0x3FA9]  }
0x2f: {  	lr =	sadd.s32 s0, s3;
	s0 =	sld [smem:$0x3FA0]  }
0x30: {  	s3 =	sld [smem:$0x3FA3]  }
0x31: {  	[smem:$0x3FAC] =	sst s10  }
0x32: {  	s10 =	sld [smem:$0x3FAA];
	_ =	sdelay $0x3  }
0x33: {  	p0 =	seq.s32 s10, $0x1;
	s10 =	sld [smem:$0x3FAC];
	_ =	sdelay $0x3  }
0x34: {  	[smem:$0x3FAC] =	sst s10  }
0x35: {  	s10 =	sld [smem:$0x3FAB];
	_ =	sdelay $0x3  }
0x36: {  	p1 =	seq.s32 s10, $0x1;
	s10 =	sld [smem:$0x3FAC];
	_ =	sdelay $0x3  }
0x37: {  	[smem:$0x3FAC] =	sst s10  }
0x38: {  	s10 =	sld [smem:$0x3FAD]  }
0x39: {  	_ = 	snop;
	(pc) =	sbr.ind lr, $3  }
0x3a: {  	_ = 	snop  }
0x3b: {  	_ = 	snop  }
0x3c: {  	p2 =	seq.s32 s10, $0x1;
	s10 =	sld [smem:$0x3FAC]  }
0x3d: {  	_ =	shalt  }
0x3e: {  	_ =	shalt  }
0x3f: {  	_ =	shalt  }
0x40: {  	_ =	shalt  }
0x41: {  	_ =	shalt  }
0x42: {  	_ =	shalt  }
0x43: {  	_ =	shalt  }
0x44: {  	_ =	shalt  }
0x45: {  	_ =	shalt  }
0x46: {  	_ =	shalt  }
0x47: {  	_ =	shalt  }
0x48: {  	_ =	shalt  }
0x49: {  	_ =	shalt  }
0x4a: {  	_ =	shalt  }
0x4b: {  	_ =	shalt  }
0x4c: {  	_ =	shalt  }
0x4d: {  	_ =	shalt  }
0x4e: {  	_ =	shalt  }
0x4f: {  	_ =	shalt  }
0x50: {  	_ =	shalt  }
0x51: {  	_ =	shalt  }
0x52: {  	_ =	shalt  }
0x53: {  	_ =	shalt  }
0x54: {  	_ =	shalt  }
0x55: {  	_ =	shalt  }
0x56: {  	_ =	shalt  }
0x57: {  	_ =	shalt  }
0x58: {  	_ =	shalt  }
0x59: {  	_ =	shalt  }
0x5a: {  	_ =	shalt  }
0x5b: {  	_ =	shalt  }
0x5c: {  	_ =	shalt  }
0x5d: {  	_ =	shalt  }
0x5e: {  	_ =	shalt  }
0x5f: {  	_ =	shalt  }
0x60: {  	_ =	shalt  }
0x61: {  	_ =	shalt  }
0x62: {  	_ =	shalt  }
0x63: {  	_ =	shalt  }
0x64: {  	_ =	shalt  }
0x65: {  	_ =	shalt  }
0x66: {  	_ =	shalt  }
0x67: {  	_ =	shalt  }
0x68: {  	_ =	shalt  }
0x69: {  	_ =	shalt  }
0x6a: {  	_ =	shalt  }
0x6b: {  	_ =	shalt  }
0x6c: {  	_ =	shalt  }
0x6d: {  	_ =	shalt  }
0x6e: {  	_ =	shalt  }
0x6f: {  	_ =	shalt  }
0x70: {  	_ =	shalt  }
0x71: {  	_ =	shalt  }
0x72: {  	_ =	shalt  }
0x73: {  	_ =	shalt  }
0x74: {  	_ =	shalt  }
0x75: {  	_ =	shalt  }
0x76: {  	_ =	shalt  }
0x77: {  	_ =	shalt  }
0x78: {  	_ =	shalt  }
0x79: {  	_ =	shalt  }
0x7a: {  	_ =	shalt  }
0x7b: {  	_ =	shalt  }
0x7c: {  	_ =	shalt  }
0x7d: {  	_ =	shalt  }
0x7e: {  	_ =	shalt  }
0x7f: {  	_ =	shalt  }
0x80: {  	_ =	shalt  }
0x81: {  	_ =	shalt  }
0x82: {  	_ =	shalt  }
0x83: {  	_ =	shalt  }
0x84: {  	_ =	shalt  }
0x85: {  	_ =	shalt  }
0x86: {  	_ =	shalt  }
0x87: {  	_ =	shalt  }
.Lfunc_end0:
.L_simem_size_0:
called_computation.3_lowered:
.L_overlay_start_0:
0x88: {  	s2 =	sld [smem:$0x3FD9]  }
0x89: {  	s3 =	sld [smem:$0x3FFE];
	_ =	sdelay $0x1  }
0x8a: {  	s1 =	srdreg.scid  }
0x8b: {  	s0 =	sand.u32 $0x1, s1  }
0x8c: {  	s17 =	sshll.u32 s0, $0xA;
	s2 =	sadd.s32 s3, s2  }
0x8d: {  	s2 =	sadd.s32 s2, s17  }
0x8e: {  	[smem:$0x3FB8] =	sst s2  }
0x8f: {  	_ = 	snop  }
0x90: {  	s2 =	sld [smem:$0x3FD0];
	(tm) =	ssettm $0x1  }
0x91: {  	s18 =	sld [smem:$0x3FFB];
	_ =	sdelay $0x3  }
0x92: {  	_ =	strace s18  }
0x93: {  	s3 =	sld [smem:$0x3FFC];
	_ =	sdelay $0x3  }
0x94: {  	_ =	strace s3  }
0x95: {  	s3 =	sld [smem:$0x3FFD];
	_ =	sdelay $0x3  }
0x96: {  	_ =	strace s3  }
0x97: {  	_ =	strace $0x8FFFFFFF  }
0x98: {  	s19 =	sld [smem:$0x3FDB];
	_ =	sdelay $0x1  }
0x99: {  	s4 =	simm.s32 $_scs_section_size  }
0x9a: {  	s5 =	simm.s32 $_size__tile_overlayer_lowered;
	s6 =	simm.s32 $_tile_overlayer_lowered  }
0x9b: {  	s22 =	simm.s32 $0x1BFF;
	s21 =	sshll.u32 s6, $0x1;
	s3 =	sadd.s32 s4, s19  }
0x9c: {  	s7 =	simm.s32 $0x0;
	s20 =	sshll.u32 s5, $0x1;
	s5 =	sadd.s32 s21, s3  }
0x9d: {  	[timem:s7], [sflag:s22] =	dma.local [hbm:s5], s20  }
0x9e: {  	_ =	swait.ge [sflag:s22], s20  }
0x9f: {  	s4 =	ssub.s32 $0x0, s20;
	[sflag:s22] =	ssyncset.done $0x0  }
0xa0: {  	[sflag:s22] =	ssyncadd.s32 s4;
	_ =	sdelay $0x1  }
0xa1: {  	s23 =	simm.s32 $0x1B8B  }
0xa2: {  	_ =	swait.ge [sflag:s23], $0x1  }
0xa3: {  	[sflag:s23] =	ssyncset.done $0x0  }
0xa4: {  	s25 =	simm.s32 $0x1B8E;
	s24 =	sld [smem:$0x3FFE];
	[sflag:s23] =	ssyncadd.s32 $0xFFFFFFFF  }
0xa5: {  	s26 =	simm.s32 $execute0_lowered;
	[smem:$0x3FD2] =	sst s25  }
0xa6: {  	s5 =	sshll.u32 s26, $0x1;
	_ =	strace $0x8000004F;
	[dreg:$0x1] =	wrdreg $0xFFFFFFFF  }
0xa7: {  	s28 =	simm.s32 $_size_execute0_lowered;
	s3 =	sadd.s32 s3, s5;
	[dreg:$0x0] =	wrdreg $0x0  }
0xa8: {  	s5 =	sshll.u32 s28, $0x1;
	[dreg:$0x2] =	wrdreg s3  }
0xa9: {  	[dreg:$0x3] =	wrdreg s5  }
0xaa: {  	[dreg:$0x4] =	wrdreg $0xC0  }
0xab: {  	_ =	task [dreg:s7], $0x5FFFF  }
0xac: {  	[dreg:$0x1] =	wrdreg $0xFFFFFFFF  }
0xad: {  	[dreg:$0x0] =	wrdreg $0x60  }
0xae: {  	[dreg:$0x2] =	wrdreg s24  }
0xaf: {  	[dreg:$0x3] =	wrdreg s2  }
0xb0: {  	[dreg:$0x4] =	wrdreg $0x90000  }
0xb1: {  	[dreg:$0x5] =	wrdreg $0x130000  }
0xb2: {  	[dreg:$0x6] =	wrdreg $0x9  }
0xb3: {  	_ =	task.clear_ibuf [dreg:s7], $0x7FFFF;
	_ =	strace $0x9000004F  }
0xb4: {  	s29 =	simm.s32 $0x9;
	_ =	strace $0x80000051  }
0xb5: {  	_ =	swait.ge [sflag:s29], $0x1  }
0xb6: {  	[sflag:s29] =	ssyncadd.s32 $0xFFFFFFFF  }
0xb7: {  	_ =	strace $0x90000051  }
0xb8: {  	_ =	sfence  }
0xb9: {  	s30 =	sld [smem:$0x0];
	_ =	sdelay $0x2  }
0xba: {  	s31 =	sshll.u32 s1, $0xD;
	s1 =	sshrl.u32 s1, $0x2  }
0xbb: {  	s3 =	sand.u32 $0x4000, s31;
	s1 =	sadd.s32 s1, s30  }
0xbc: {  	s0 =	sor.u32 s3, s0;
	s1 =	sshll.u32 s1, $0x11  }
0xbd: {  	s0 =	sor.u32 s1, s0  }
0xbe: {  	s0 =	sadd.s32 $0x8F2B, s0  }
0xbf: {  	[sflag:s0] =	ssyncadd.remote.s32 $0x1  }
0xc0: {  	_ =	sfence.sel $0xFFFF  }
0xc1: {  	[dreg:$0x0] =	wrdreg $0xFFFFFFFF;
	(pc) =	sbr.abs _section_cstart, $3  }
0xc2: {  	[dreg:$0x1] =	wrdreg $0xFFFFFFFF  }
0xc3: {  	_ =	task.clear_ibuf [dreg:s7], $0x2FFFF;
	_ =	strace $0x9FFFFFFF  }
0xc4: {  	(tm) =	ssettm $0x7FFFFFFF  }
0xc5: {  	_ =	shalt  }
tec
execute0_lowered:
.L_overlay_start_1:
0x0: {  	(tag) =	ssettag $0x1  }
0x1: {  	s0 =	rddreg [dreg:$0x0]  }
0x2: {  	s1 =	rddreg [dreg:$0x1]  }
0x3: {  	s2 =	rddreg [dreg:$0x2];
	s4 =	srdreg.scid  }
0x4: {  	s3 =	rddreg [dreg:$0x3];
	s13 =	stileid.u32;
	s15 =	simm.s32 $0x2800  }
0x5: {  	s16 =	simm.s32 $0x40;
	s17 =	simm.s32 $0x5000;
	s18 =	simm.s32 $0x1  }
0x6: {  	s19 =	simm.s32 $0x6000;
	s20 =	simm.s32 $0x2;
	s22 =	simm.s32 $0x7000  }
0x7: {  	s29 =	simm.s32 $0x4;
	s30 =	simm.s32 $0x5;
	s31 =	simm.s32 $0x6  }
0x8: {  	s23 =	simm.s32 $0x0;
	s5 =	sand.u32 $0x1, s4;
	s7 =	smul.u32 $0xA000, s13  }
0x9: {  	s4 =	simm.s32 $0x0;
	s28 =	sshll.u32 s13, $0x6;
	s6 =	sshll.u32 s5, $0x4  }
0xa: {  	s8 =	smul.u32 $0xA0000, s5;
	[smem:$0x7FF] =	sst s4;
	s11 =	ssub.s32 $0x2, s5  }
0xb: {  	s5 =	sadd.s32 $0x4200, s0;
	s6 =	sor.u32 s13, s6;
	s9 =	sshrl.u32 s7, $0x3  }
0xc: {  	_ =	strace $0x80000050;
	s26 =	sshrl.u32 s11, $0x1;
	s12 =	sadd.s32 s7, s2  }
0xd: {  	s14 =	sadd.s32 s7, s3;
	s13 =	simm.s32 $0x9;
	s10 =	smul.u32 $0x500, s6  }
0xe: {  	s9 =	sadd.s32 s9, s0;
	s24 =	sadd.s32 s7, s8;
	s11 =	ssub.s32 s11, s26  }
0xf: {  	s12 =	sshrl.u32 s12, $0x3;
	s14 =	sshrl.u32 s14, $0x3;
	s26 =	simm.s32 $0x8000  }
0x10: {  	s6 =	sshrl.u32 s24, $0x3;
	s7 =	sadd.s32 $0x13800, s9;
	s11 =	smax.u32 s11, $0x1  }
0x11: {  	s24 =	simm.s32 $0x3;
	s25 =	sadd.s32 s10, s0;
	s0 =	sadd.s32 s6, s0  }
0x12: {  	s6 =	sor.u32 $0x1C09, s28;
	s9 =	sadd.s32 s1, s10;
	s1 =	simm.s32 $0x8  }
0x13: {  	s8 =	sadd.s32 $0x9800, s25;
	s10 =	sadd.s32 $0x27800, s0;
	s0 =	simm.s32 $0x7  }
.LBB2_1:
0x14: {  	[spmem:s12], [sflag:s6] =	dma.local [hbm:s5], $0x1400  }
0x15: {  	_ =	swait.ge [sflag:s13], $0x1400  }
0x16: {  	[sflag:s13] =	ssyncset.done $0x0  }
0x17: {  	[sflag:s13] =	ssyncadd.s32 $0xFFFFEC00  }
0x18: {  	[spmem:s14], [sflag:s6] =	dma.local [hbm:s7], $0x1400  }
0x19: {  	_ =	swait.ge [sflag:s13], $0x1400  }
0x1a: {  	[sflag:s13] =	ssyncset.done $0x0  }
0x1b: {  	[sflag:s13] =	ssyncadd.s32 $0xFFFFEC00  }
0x1c: {  	[tilespmem:s4], [sflag:$0x9] =	stream.linear.gather [hbm4b:s8+s4], $0x2800, $0x38;
	[tilespmem:$0x1D000] =	vst v63  }
0x1d: {  	_ =	swait.ge [sflag:s13], $0x2800  }
0x1e: {  	[sflag:s13] =	ssyncset.done $0x0  }
0x1f: {  	[sflag:s13] =	ssyncadd.s32 $0xFFFFD800  }
0x20: {  	[tilespmem:s15], [sflag:$0x9] =	stream.linear.gather [hbm4b:s9+s4], $0x2800, $0x38;
	[tilespmem:$0x1D000] =	vst v63  }
0x21: {  	_ =	swait.ge [sflag:s13], $0x2800  }
0x22: {  	[sflag:s13] =	ssyncset.done $0x0  }
0x23: {  	[sflag:s13] =	ssyncadd.s32 $0xFFFFD800  }
0x24: {  	[bflag:$0x0] =	sbarrier.arrive $0xFFFF  }
0x25: {  	[tilespmem:s17], [sflag:$0x1] =	stream.indirect.gather [spmem:s3], $0x40, s4, s16, $0xb8;
	[tilespmem:$0x1D000] =	vst v63  }
0x26: {  	_ =	swait.ge [sflag:s18], $0x1000  }
0x27: {  	[sflag:s18] =	ssyncset.done $0x0  }
0x28: {  	[sflag:s18] =	ssyncadd.s32 $0xFFFFF000  }
0x29: {  	[tilespmem:s19], [sflag:$0x2] =	stream.indirect.gather [spmem:s3], $0x40, s16, s16, $0xb8;
	[tilespmem:$0x1D000] =	vst v63  }
0x2a: {  	_ = 	snop  }
0x2b: {  	[spmem:s2] =	stream.indirect.scatter.add.f32 [tilespmem:s17], [sflag:$0x5], $0x40, s15, s16, $0xb8;
	[tilespmem:$0x1D000] =	vst v63  }
0x2c: {  	_ =	swait.ge [sflag:s20], $0x1000  }
0x2d: {  	[sflag:s20] =	ssyncset.done $0x0  }
0x2e: {  	s21 =	simm.s32 $0x80;
	[sflag:s20] =	ssyncadd.s32 $0xFFFFF000  }
0x2f: {  	[tilespmem:s22], [sflag:$0x3] =	stream.indirect.gather [spmem:s3], $0x40, s21, s16, $0xb8;
	[tilespmem:$0x1D000] =	vst v63  }
0x30: {  	s25 =	simm.s32 $0x2840  }
0x31: {  	[spmem:s2] =	stream.indirect.scatter.add.f32 [tilespmem:s19], [sflag:$0x6], $0x40, s25, s16, $0xb8;
	[tilespmem:$0x1D000] =	vst v63  }
0x32: {  	_ =	swait.ge [sflag:s24], $0x1000  }
0x33: {  	[sflag:s24] =	ssyncset.done $0x0  }
0x34: {  	s25 =	simm.s32 $0xC0;
	[sflag:s24] =	ssyncadd.s32 $0xFFFFF000  }
0x35: {  	[tilespmem:s26], [sflag:$0x4] =	stream.indirect.gather [spmem:s3], $0x40, s25, s16, $0xb8;
	[tilespmem:$0x1D000] =	vst v63  }
0x36: {  	s25 =	simm.s32 $0x2880  }
0x37: {  	[spmem:s2] =	stream.indirect.scatter.add.f32 [tilespmem:s22], [sflag:$0x7], $0x40, s25, s16, $0xb8;
	[tilespmem:$0x1D000] =	vst v63  }
0x38: {  	_ =	swait.ge [sflag:s29], $0x1000  }
0x39: {  	[sflag:s29] =	ssyncset.done $0x0  }
0x3a: {  	[sflag:s29] =	ssyncadd.s32 $0xFFFFF000  }
0x3b: {  	_ =	swait.ge [sflag:s30], $0x1000  }
0x3c: {  	[sflag:s30] =	ssyncset.done $0x0  }
0x3d: {  	s25 =	simm.s32 $0x100;
	[sflag:s30] =	ssyncadd.s32 $0xFFFFF000  }
0x3e: {  	[tilespmem:s17], [sflag:$0x1] =	stream.indirect.gather [spmem:s3], $0x40, s25, s16, $0xb8;
	[tilespmem:$0x1D000] =	vst v63  }
0x3f: {  	s21 =	simm.s32 $0x28C0  }
0x40: {  	[spmem:s2] =	stream.indirect.scatter.add.f32 [tilespmem:s26], [sflag:$0x8], $0x40, s21, s16, $0xb8;
	[tilespmem:$0x1D000] =	vst v63  }
0x41: {  	_ =	swait.ge [sflag:s18], $0x1000  }
0x42: {  	[sflag:s18] =	ssyncset.done $0x0  }
0x43: {  	[sflag:s18] =	ssyncadd.s32 $0xFFFFF000  }
0x44: {  	_ =	swait.ge [sflag:s31], $0x1000  }
0x45: {  	[sflag:s31] =	ssyncset.done $0x0  }
0x46: {  	s21 =	simm.s32 $0x140;
	[sflag:s31] =	ssyncadd.s32 $0xFFFFF000  }
0x47: {  	[tilespmem:s19], [sflag:$0x2] =	stream.indirect.gather [spmem:s3], $0x40, s21, s16, $0xb8;
	[tilespmem:$0x1D000] =	vst v63  }
0x48: {  	s21 =	simm.s32 $0x2900  }
0x49: {  	[spmem:s2] =	stream.indirect.scatter.add.f32 [tilespmem:s17], [sflag:$0x5], $0x40, s21, s16, $0xb8;
	[tilespmem:$0x1D000] =	vst v63  }
0x4a: {  	_ =	swait.ge [sflag:s20], $0x1000  }
0x4b: {  	[sflag:s20] =	ssyncset.done $0x0  }
0x4c: {  	[sflag:s20] =	ssyncadd.s32 $0xFFFFF000  }
0x4d: {  	_ =	swait.ge [sflag:s0], $0x1000  }
0x4e: {  	[sflag:s0] =	ssyncset.done $0x0  }
0x4f: {  	s21 =	simm.s32 $0x180;
	[sflag:s0] =	ssyncadd.s32 $0xFFFFF000  }
0x50: {  	[tilespmem:s22], [sflag:$0x3] =	stream.indirect.gather [spmem:s3], $0x40, s21, s16, $0xb8;
	[tilespmem:$0x1D000] =	vst v63  }
0x51: {  	s21 =	simm.s32 $0x2940  }
0x52: {  	[spmem:s2] =	stream.indirect.scatter.add.f32 [tilespmem:s19], [sflag:$0x6], $0x40, s21, s16, $0xb8;
	[tilespmem:$0x1D000] =	vst v63  }
0x53: {  	_ =	swait.ge [sflag:s24], $0x1000  }
0x54: {  	[sflag:s24] =	ssyncset.done $0x0  }
0x55: {  	[sflag:s24] =	ssyncadd.s32 $0xFFFFF000  }
0x56: {  	_ =	swait.ge [sflag:s1], $0x1000  }
0x57: {  	s28 =	simm.s32 $0x2980;
	[sflag:s1] =	ssyncset.done $0x0  }
0x58: {  	s25 =	simm.s32 $0x400;
	s21 =	simm.s32 $0x1C0;
	[sflag:s1] =	ssyncadd.s32 $0xFFFFF000  }
0x59: {  	[tilespmem:s26], [sflag:$0x4] =	stream.indirect.gather [spmem:s3], $0x40, s21, s16, $0xb8;
	[tilespmem:$0x1D000] =	vst v63  }
.LBB2_2:
0x5a: {  	[spmem:s2] =	stream.indirect.scatter.add.f32 [tilespmem:s22], [sflag:$0x7], $0x40, s28, s16, $0xb8;
	[tilespmem:$0x1D000] =	vst v63  }
0x5b: {  	s28 =	smov.u32 s25  }
0x5c: {  	p0 =	sne.s32 s25, $0x9800;
	s25 =	sadd.s32 $0x400, s25;
	_ =	swait.ge [sflag:s29], $0x1000  }
0x5d: {  	[sflag:s29] =	ssyncset.done $0x0  }
0x5e: {  	[sflag:s29] =	ssyncadd.s32 $0xFFFFF000  }
0x5f: {  	_ =	swait.ge [sflag:s30], $0x1000  }
0x60: {  	s28 =	sshra.s32 s28, $0x2;
	[sflag:s30] =	ssyncset.done $0x0  }
0x61: {  	s21 =	sadd.s32 $0x100, s28;
	[sflag:s30] =	ssyncadd.s32 $0xFFFFF000  }
0x62: {  	[tilespmem:s17], [sflag:$0x1] =	stream.indirect.gather [spmem:s3], $0x40, s21, s16, $0xb8;
	[tilespmem:$0x1D000] =	vst v63  }
0x63: {  	s21 =	sadd.s32 $0x28C0, s28  }
0x64: {  	[spmem:s2] =	stream.indirect.scatter.add.f32 [tilespmem:s26], [sflag:$0x8], $0x40, s21, s16, $0xb8;
	[tilespmem:$0x1D000] =	vst v63  }
0x65: {  	_ =	swait.ge [sflag:s18], $0x1000  }
0x66: {  	[sflag:s18] =	ssyncset.done $0x0  }
0x67: {  	[sflag:s18] =	ssyncadd.s32 $0xFFFFF000  }
0x68: {  	_ =	swait.ge [sflag:s31], $0x1000  }
0x69: {  	[sflag:s31] =	ssyncset.done $0x0  }
0x6a: {  	s21 =	sadd.s32 $0x140, s28;
	[sflag:s31] =	ssyncadd.s32 $0xFFFFF000  }
0x6b: {  	[tilespmem:s19], [sflag:$0x2] =	stream.indirect.gather [spmem:s3], $0x40, s21, s16, $0xb8;
	[tilespmem:$0x1D000] =	vst v63  }
0x6c: {  	s21 =	sadd.s32 $0x2900, s28  }
0x6d: {  	[spmem:s2] =	stream.indirect.scatter.add.f32 [tilespmem:s17], [sflag:$0x5], $0x40, s21, s16, $0xb8;
	[tilespmem:$0x1D000] =	vst v63  }
0x6e: {  	_ =	swait.ge [sflag:s20], $0x1000  }
0x6f: {  	[sflag:s20] =	ssyncset.done $0x0  }
0x70: {  	[sflag:s20] =	ssyncadd.s32 $0xFFFFF000  }
0x71: {  	_ =	swait.ge [sflag:s0], $0x1000  }
0x72: {  	[sflag:s0] =	ssyncset.done $0x0  }
0x73: {  	s21 =	sadd.s32 $0x180, s28;
	[sflag:s0] =	ssyncadd.s32 $0xFFFFF000  }
0x74: {  	[tilespmem:s22], [sflag:$0x3] =	stream.indirect.gather [spmem:s3], $0x40, s21, s16, $0xb8;
	[tilespmem:$0x1D000] =	vst v63  }
0x75: {  	s21 =	sadd.s32 $0x2940, s28  }
0x76: {  	[spmem:s2] =	stream.indirect.scatter.add.f32 [tilespmem:s19], [sflag:$0x6], $0x40, s21, s16, $0xb8;
	[tilespmem:$0x1D000] =	vst v63  }
0x77: {  	_ =	swait.ge [sflag:s24], $0x1000  }
0x78: {  	[sflag:s24] =	ssyncset.done $0x0  }
0x79: {  	[sflag:s24] =	ssyncadd.s32 $0xFFFFF000  }
.Ltmp0:
0x7a: {  	_ =	swait.ge [sflag:s1], $0x1000;
	(pc) =	sbr.rel @p0 .LBB2_2-.Ltmp0, $4  }
0x7b: {  	[sflag:s1] =	ssyncset.done $0x0  }
0x7c: {  	s21 =	sadd.s32 $0x1C0, s28;
	[sflag:s1] =	ssyncadd.s32 $0xFFFFF000  }
0x7d: {  	[tilespmem:s26], [sflag:$0x4] =	stream.indirect.gather [spmem:s3], $0x40, s21, s16, $0xb8;
	[tilespmem:$0x1D000] =	vst v63  }
0x7e: {  	s28 =	sadd.s32 $0x2980, s28  }
0x7f: {  	[spmem:s2] =	stream.indirect.scatter.add.f32 [tilespmem:s22], [sflag:$0x7], $0x40, s28, s16, $0xb8;
	[tilespmem:$0x1D000] =	vst v63  }
0x80: {  	_ =	swait.ge [sflag:s29], $0x1000  }
0x81: {  	[sflag:s29] =	ssyncset.done $0x0  }
0x82: {  	[sflag:s29] =	ssyncadd.s32 $0xFFFFF000  }
0x83: {  	_ =	swait.ge [sflag:s30], $0x1000  }
0x84: {  	[sflag:s30] =	ssyncset.done $0x0  }
0x85: {  	s21 =	simm.s32 $0x4FC0;
	[sflag:s30] =	ssyncadd.s32 $0xFFFFF000  }
0x86: {  	[spmem:s2] =	stream.indirect.scatter.add.f32 [tilespmem:s26], [sflag:$0x8], $0x40, s21, s16, $0xb8;
	[tilespmem:$0x1D000] =	vst v63  }
0x87: {  	_ =	swait.ge [sflag:s31], $0x1000  }
0x88: {  	[sflag:s31] =	ssyncset.done $0x0  }
0x89: {  	[sflag:s31] =	ssyncadd.s32 $0xFFFFF000  }
0x8a: {  	_ =	swait.ge [sflag:s0], $0x1000  }
0x8b: {  	[sflag:s0] =	ssyncset.done $0x0  }
0x8c: {  	[sflag:s0] =	ssyncadd.s32 $0xFFFFF000  }
0x8d: {  	_ =	swait.ge [sflag:s1], $0x1000  }
0x8e: {  	s23 =	sadd.s32 $0x1, s23;
	[sflag:s1] =	ssyncset.done $0x0  }
0x8f: {  	p0 =	sne.s32 s23, s11;
	[sflag:s1] =	ssyncadd.s32 $0xFFFFF000  }
.Ltmp1:
0x90: {  	[bflag:$0x0] =	sbarrier.arrive $0xFFFF;
	(pc) =	sbr.rel @p0 .LBB2_1-.Ltmp1, $4  }
0x91: {  	[hbm:s10], [sflag:s6] =	dma.local [spmem:s12], $0x1400  }
0x92: {  	_ =	swait.ge [sflag:s13], $0x1400  }
0x93: {  	[sflag:s13] =	ssyncset.done $0x0  }
0x94: {  	[sflag:s13] =	ssyncadd.s32 $0xFFFFEC00  }
0x95: {  	_ =	sfence.sel $0x180000  }
0x96: {  	[bflag:$0x0] =	sbarrier.arrive $0xFFFF  }
0x97: {  	_ =	strace $0x90000050  }
0x98: {  	s0 =	stileid.u32;
	[bflag:$0x2] =	sbarrier.arrive $0xFFFF  }
0x99: {  	p0 =	sne.s32 s0, $0x0;
	s0 =	rddreg [dreg:$0x4]  }
0x9a: {  	s0 =	sadd.s32 @!p0 $0x100000, s0  }
0x9b: {  	[sflag:s0] =	ssyncadd.tile.s32 @!p0 $0x1;
	_ =	shalt  }
.Lfunc_end2:
_tile_overlayer_lowered:
.L_overlay_start_2:
0x9c: {  	(tag) =	ssettag $0x2  }
0x9d: {  	s0 =	rddreg [dreg:$0x0];
	s2 =	stileid.u32  }
0x9e: {  	s1 =	rddreg [dreg:$0x1];
	p0 =	sne.s32 s2, $0x0  }
0x9f: {  	s3 =	rddreg [dreg:$0x2];
	[bflag:$0x3] =	sbarrier.arrive $0xFFFF;
	s2 =	simm.s32 @!p0 $0x1C09  }
0xa0: {  	[timem:s3], [sflag:s2] =	dma.local @!p0 [hbm:s0], s1  }
0xa1: {  	s0 =	simm.s32 @!p0 $0x9  }
0xa2: {  	_ =	swait.ge @!p0 [sflag:s0], s1  }
0xa3: {  	s1 =	ssub.s32 @!p0 $0x0, s1;
	[sflag:s0] =	ssyncset.done @!p0 $0x0  }
0xa4: {  	[sflag:s0] =	ssyncadd.s32 @!p0 s1  }
0xa5: {  	[bflag:$0x3] =	sbarrier.arrive $0xFFFF  }
0xa6: {  	_ =	shalt  }

</sc_bundles>
